<compile_context>
chip_gen: v7x
topology: tpu7x:2x2x1
jax: 0.10.2.dev20260603
libtpu: 0.0.44.dev20260713+nightly
codegen_flags: <defaults>
</compile_context>

<pallas_src>
import functools

import jax
import jax.numpy as jnp
from jax import lax
from jax.experimental import pallas as pl
from jax.experimental.pallas import tpu as pltpu
from jax.experimental.pallas import tpu_sc as plsc

N_NODES = 100000
H = 64
MSG = 68
B = 16384

NC = 2
NS = 16
L = 16
NW = NC * NS
OWN_W = 3128
OWN_LAST = N_NODES - (NW - 1) * OWN_W
NPIECE = 25
TPAD = NPIECE * 128
B_W = B // NW
BG = B // L

_mesh = plsc.VectorSubcoreMesh(core_axis_name="c", subcore_axis_name="s")
_sc_params = pltpu.CompilerParams(use_tc_tiling_on_sc=False,
                                  needs_layout_passes=False)


def _worker_id():
    return lax.axis_index("s") * NC + lax.axis_index("c")


def _gather_body(mem_hbm, ids_hbm, out_hbm, idx_v, rows_v, sem):
    wid = _worker_id()
    pltpu.sync_copy(ids_hbm.at[pl.ds(wid * 4, 4)], idx_v)
    for j in range(4):
        pltpu.async_copy(mem_hbm.at[idx_v.at[j]], rows_v, sem).wait()
        pltpu.sync_copy(rows_v, out_hbm.at[pl.ds(wid * B_W + j * 128, 128)])


def _sc_gather(mem, ids2d):
    return pl.kernel(
        _gather_body,
        out_type=jax.ShapeDtypeStruct((B, H), jnp.float32),
        mesh=_mesh,
        scratch_types=[
            pltpu.VMEM((4, 128), jnp.int32),
            pltpu.VMEM((128, H), jnp.float32),
            pltpu.SemaphoreType.DMA,
        ],
        compiler_params=_sc_params,
    )(mem, ids2d)


def _gru_body(h_ref, m_ref, wir, wiz, win, whr, whz, whn,
              bir, biz, bin_, bhr, bhz, bhn, o_ref):
    h = h_ref[...]
    m = m_ref[...]
    dot = functools.partial(jnp.dot, preferred_element_type=jnp.float32)
    i_r = dot(m, wir[...]) + bir[...]
    i_z = dot(m, wiz[...]) + biz[...]
    i_n = dot(m, win[...]) + bin_[...]
    h_r = dot(h, whr[...]) + bhr[...]
    h_z = dot(h, whz[...]) + bhz[...]
    h_n = dot(h, whn[...]) + bhn[...]
    r = jax.nn.sigmoid(i_r + h_r)
    z = jax.nn.sigmoid(i_z + h_z)
    n = jnp.tanh(i_n + r * h_n)
    o_ref[...] = (1.0 - z) * n + z * h


def _tc_gru(h, messages, W_ih, W_hh, b_ih, b_hh):
    BT = 2048
    grid = B // BT
    wi = W_ih.T
    wh = W_hh.T
    row = lambda i: (i, 0)
    rep = lambda i: (0, 0)
    ws = [wi[:, :H], wi[:, H:2 * H], wi[:, 2 * H:],
          wh[:, :H], wh[:, H:2 * H], wh[:, 2 * H:]]
    bs = [b_ih[:H], b_ih[H:2 * H], b_ih[2 * H:],
          b_hh[:H], b_hh[H:2 * H], b_hh[2 * H:]]
    bs = [b.reshape(1, H) for b in bs]
    return pl.pallas_call(
        _gru_body,
        grid=(grid,),
        in_specs=[
            pl.BlockSpec((BT, H), row),
            pl.BlockSpec((BT, MSG), row),
            *[pl.BlockSpec((MSG, H), rep)] * 3,
            *[pl.BlockSpec((H, H), rep)] * 3,
            *[pl.BlockSpec((1, H), rep)] * 6,
        ],
        out_specs=pl.BlockSpec((BT, H), row),
        out_shape=jax.ShapeDtypeStruct((B, H), jnp.float32),
    )(h, messages, *ws, *bs)


def _scatter_body(ids_hbm, ts_hbm, lu_hbm, nh_hbm, mem_ref, out_lu,
                  idsv, tsv, table, dlist, luo, luv, rows_v,
                  sem_g, sem_s):
    wid = _worker_id()
    last = wid == NW - 1
    rbase = wid * OWN_W
    nown = jnp.where(last, OWN_LAST, OWN_W)
    lane = lax.iota(jnp.int32, 16)

    @pl.when(jnp.logical_not(last))
    def _():
        pltpu.sync_copy(lu_hbm.at[pl.ds(rbase, OWN_W)], luo.at[pl.ds(0, OWN_W)])

    @pl.when(last)
    def _():
        pltpu.sync_copy(lu_hbm.at[pl.ds(rbase, OWN_LAST)],
                        luo.at[pl.ds(0, OWN_LAST)])

    pltpu.sync_copy(ids_hbm, idsv)
    pltpu.sync_copy(ts_hbm, tsv)

    neg1 = jnp.full((16,), -1, jnp.int32)
    def init_body(t, c):
        for k in range(8):
            table[pl.ds(t * 128 + k * 16, 16)] = neg1
        return c
    lax.fori_loop(0, TPAD // 128, init_body, 0)

    UNROLL = 8
    def scan_body(it, c):
        base = it * (16 * UNROLL)
        for k in range(UNROLL):
            off = base + k * 16
            ids16 = idsv[pl.ds(off, 16)]
            loc = ids16 - rbase
            inr = (loc >= 0) & (loc < nown)
            dc = jnp.where(inr, loc, 0)
            plsc.store_scatter(table, [dc], off + lane, mask=inr)
        return c
    lax.fori_loop(0, BG // UNROLL, scan_body, 0)

    def dl_body(p, c):
        for k in range(8):
            off = p * 128 + k * 16
            tb = table[pl.ds(off, 16)]
            hit = tb >= 0
            dlist[p, pl.ds(k * 16, 16)] = jnp.where(hit, rbase + off + lane, -1)
            tsw = plsc.load_gather(tsv, [jnp.maximum(tb, 0)])
            luv[pl.ds(off, 16)] = jnp.where(hit, tsw, luo[pl.ds(off, 16)])
        return c
    lax.fori_loop(0, NPIECE, dl_body, 0)

    @pl.when(jnp.logical_not(last))
    def _():
        pltpu.sync_copy(luv.at[pl.ds(0, OWN_W)], out_lu.at[pl.ds(rbase, OWN_W)])

    @pl.when(last)
    def _():
        pltpu.sync_copy(luv.at[pl.ds(0, OWN_LAST)],
                        out_lu.at[pl.ds(rbase, OWN_LAST)])

    D = 3
    def gstart(p):
        src = plsc.Indices(table.at[pl.ds(p * 128, 128)], ignored_value=-1)
        return pltpu.async_copy(nh_hbm.at[src], rows_v.at[p % D], sem_g)

    gh = [None] * NPIECE
    sh = [None] * NPIECE
    gh[0] = gstart(0)
    gh[1] = gstart(1)
    for p in range(NPIECE):
        gh[p].wait()
        dst = plsc.Indices(dlist.at[p], ignored_value=-1)
        sh[p] = pltpu.async_copy(rows_v.at[p % D], mem_ref.at[dst], sem_s)
        q = p + 2
        if q < NPIECE:
            if q >= D:
                sh[q - D].wait()
            gh[q] = gstart(q)
    for p in range(NPIECE - D, NPIECE):
        sh[p].wait()


def _sc_scatter_inplace(node_ids, timestamps, last_update, new_h, mem_ref):
    return pl.kernel(
        _scatter_body,
        out_type=jax.ShapeDtypeStruct((N_NODES,), jnp.float32),
        mesh=_mesh,
        scratch_types=[
            pltpu.VMEM((B,), jnp.int32),
            pltpu.VMEM((B,), jnp.float32),
            pltpu.VMEM((TPAD,), jnp.int32),
            pltpu.VMEM((NPIECE, 128), jnp.int32),
            pltpu.VMEM((TPAD,), jnp.float32),
            pltpu.VMEM((TPAD,), jnp.float32),
            pltpu.VMEM((3, 128, H), jnp.float32),
            pltpu.SemaphoreType.DMA,
            pltpu.SemaphoreType.DMA,
        ],
        compiler_params=_sc_params,
    )(node_ids, timestamps, last_update, new_h, mem_ref)


def kernel(mem, node_ids, messages, timestamps, last_update,
           W_ih, W_hh, b_ih, b_hh):
    mem_ref = jax.new_ref(mem)
    ids2d = node_ids.reshape(128, 128)
    h = _sc_gather(mem, ids2d)
    new_h = _tc_gru(h, messages, W_ih, W_hh, b_ih, b_hh)
    lu_new = _sc_scatter_inplace(node_ids, timestamps, last_update, new_h,
                                 mem_ref)
    return jax.freeze(mem_ref), lu_new

# --- scband reference (transcript-rebuilt; emitter-appended) ---
"""Pipeline reference for scband-ldr-tgn-78984448573534 (READ-ONLY COPY).

The authoritative reference and input builder live on the scoring server;
editing this copy changes nothing except your own understanding.
"""

import jax, jax.numpy as jnp
import numpy as np

NUM_NODES = 100000
MEMORY_DIM = 64
MESSAGE_DIM = 68  # token_feat_dim (4) + embed_dim (64)
BATCH = 16384


def setup_inputs(seed: int = 0) -> dict:
    key = jax.random.key(seed)
    ks = jax.random.split(key, 8)
    mem = jax.random.normal(ks[0], (NUM_NODES, MEMORY_DIM), dtype=jnp.float32)
    node_ids = jax.random.randint(ks[1], (BATCH,), 0, NUM_NODES, dtype=jnp.int32)
    messages = jax.random.normal(ks[2], (BATCH, MESSAGE_DIM), dtype=jnp.float32)
    timestamps = jax.random.uniform(ks[3], (BATCH,), dtype=jnp.float32) * 1.0e6
    last_update = jnp.zeros((NUM_NODES,), dtype=jnp.float32)
    # GRUCell parameters (PyTorch layout: W_ih [3*H, I], W_hh [3*H, H])
    W_ih = jax.random.normal(ks[4], (3 * MEMORY_DIM, MESSAGE_DIM), dtype=jnp.float32) * 0.05
    W_hh = jax.random.normal(ks[5], (3 * MEMORY_DIM, MEMORY_DIM), dtype=jnp.float32) * 0.05
    b_ih = jax.random.normal(ks[6], (3 * MEMORY_DIM,), dtype=jnp.float32) * 0.05
    b_hh = jax.random.normal(ks[7], (3 * MEMORY_DIM,), dtype=jnp.float32) * 0.05
    return {
        "mem": mem,
        "node_ids": node_ids,
        "messages": messages,
        "timestamps": timestamps,
        "last_update": last_update,
        "W_ih": W_ih,
        "W_hh": W_hh,
        "b_ih": b_ih,
        "b_hh": b_hh,
    }


def reference(mem, node_ids, messages, timestamps, last_update, W_ih, W_hh, b_ih, b_hh):
    # TemporalMemory.update_memory: gather current memory, GRUCell step, scatter back.
    h = jnp.take(mem, node_ids, axis=0)  # gather [B, H]
    gi = messages @ W_ih.T + b_ih  # [B, 3H]
    gh = h @ W_hh.T + b_hh  # [B, 3H]
    i_r, i_z, i_n = jnp.split(gi, 3, axis=1)
    h_r, h_z, h_n = jnp.split(gh, 3, axis=1)
    r = jax.nn.sigmoid(i_r + h_r)
    z = jax.nn.sigmoid(i_z + h_z)
    n = jnp.tanh(i_n + r * h_n)
    new_h = (1.0 - z) * n + z * h  # [B, H]
    mem_new = mem.at[node_ids].set(new_h)  # scatter-overwrite
    last_update_new = last_update.at[node_ids].set(timestamps)
    return mem_new, last_update_new

if __name__ == "__main__":
    import jax
    _d = setup_inputs()
    print(jax.jit(kernel)(*tuple(_d.values())))

</pallas_src>

<mosaic_0001>
#map = affine_map<(d0, d1) -> (0)>
#map1 = affine_map<(d0, d1) -> (0, 0)>
module attributes {stable_mosaic.version = 14 : i64} {
  func.func @new_body(%arg0: i32, %arg1: i32, %arg2: memref<16384xi32, #tpu.memory_space<hbm>>, %arg3: memref<16384xf32, #tpu.memory_space<hbm>>, %arg4: memref<100000xf32, #tpu.memory_space<hbm>>, %arg5: memref<16384x64xf32, #tpu.memory_space<hbm>>, %arg6: memref<100000x64xf32, #tpu.memory_space<hbm>>, %arg7: memref<100000xf32, #tpu.memory_space<hbm>>, %arg8: memref<100000x64xf32, #tpu.memory_space<hbm>>, %arg9: memref<16384xi32, #tpu.memory_space<vmem>>, %arg10: memref<16384xf32, #tpu.memory_space<vmem>>, %arg11: memref<3200xi32, #tpu.memory_space<vmem>>, %arg12: memref<25x128xi32, #tpu.memory_space<vmem>>, %arg13: memref<3200xf32, #tpu.memory_space<vmem>>, %arg14: memref<3200xf32, #tpu.memory_space<vmem>>, %arg15: memref<3x128x64xf32, #tpu.memory_space<vmem>>, %arg16: memref<!tpu.dma_semaphore, #tpu.memory_space<semaphore_mem>>, %arg17: memref<!tpu.dma_semaphore, #tpu.memory_space<semaphore_mem>>) attributes {dimension_semantics = [#tpu.dimension_semantics<core_parallel>, #tpu.dimension_semantics<subcore_parallel>], iteration_bounds = array<i64: 2, 16>, scalar_prefetch = 0 : i64, scratch_operands = 9 : i64, tpu.core_type = #tpu.core_type<sc_vector_subcore>, window_params = [{transform_indices = #map}, {transform_indices = #map}, {transform_indices = #map}, {transform_indices = #map1}, {transform_indices = #map1}, {transform_indices = #map}, {transform_indices = #map1}]} {
    %mul3A = arith.constant 2 : i32
    %mul3A_0 = arith.muli %arg1, %mul3A : i32
    %add3A = arith.addi %mul3A_0, %arg0 : i32
    %eq3A = arith.constant 31 : i32
    %eq3A_1 = arith.cmpi eq, %add3A, %eq3A : i32
    %mul3A_2 = arith.constant 3128 : i32
    %mul3A_3 = arith.muli %add3A, %mul3A_2 : i32
    %jit3A = arith.constant 3032 : i32
    %jit3A_4 = arith.constant 3128 : i32
    %select_n3A = arith.select %eq3A_1, %jit3A, %jit3A_4 : i32
    %iota3A = tpu.iota {dimensions = array<i32: 0>} : vector<16xi32>
    %not3A = arith.constant true
    %not3A_5 = arith.xori %eq3A_1, %not3A : i1
    %convert_element_type3A = arith.extui %not3A_5 : i1 to i32
    %cond3A = arith.constant 0 : i32
    %cond3A_6 = arith.cmpi ne, %convert_element_type3A, %cond3A : i32
    scf.if %cond3A_6 {
      "tpu.region"() ({
        %run_scoped3A = tpu.sem_alloc : memref<!tpu.dma_semaphore, #tpu.memory_space<semaphore_mem>>
        %dma_start3A_1184 = arith.constant 0 : i32
        %dma_start3A_1185 = tpu.memref_slice %arg13[%dma_start3A_1184] : memref<3200xf32, #tpu.memory_space<vmem>> -> memref<3128xf32, #tpu.memory_space<vmem>>
        %dma_start3A_1186 = tpu.memref_slice %arg4[%mul3A_3] : memref<100000xf32, #tpu.memory_space<hbm>> -> memref<3128xf32, #tpu.memory_space<hbm>>
        %dma_start3A_1187 = arith.constant 0 : i32
        %dma_start3A_1188 = tpu.memref_slice %arg13[%dma_start3A_1187] : memref<3200xf32, #tpu.memory_space<vmem>> -> memref<3128xf32, #tpu.memory_space<vmem>>
        %dma_start3A_1189 = tpu.memref_slice %arg4[%mul3A_3] : memref<100000xf32, #tpu.memory_space<hbm>> -> memref<3128xf32, #tpu.memory_space<hbm>>
        tpu.enqueue_dma source(%dma_start3A_1189 : memref<3128xf32, #tpu.memory_space<hbm>>) target(%dma_start3A_1188 : memref<3128xf32, #tpu.memory_space<vmem>>) target_semaphore(%run_scoped3A : memref<!tpu.dma_semaphore, #tpu.memory_space<semaphore_mem>>)
        %dma_wait3A_1190 = arith.constant 0 : i32
        %dma_wait3A_1191 = tpu.memref_slice %arg13[%dma_wait3A_1190] : memref<3200xf32, #tpu.memory_space<vmem>> -> memref<3128xf32, #tpu.memory_space<vmem>>
        %dma_wait3A_1192 = tpu.memref_slice %arg4[%mul3A_3] : memref<100000xf32, #tpu.memory_space<hbm>> -> memref<3128xf32, #tpu.memory_space<hbm>>
        %dma_wait3A_1193 = arith.constant 0 : i32
        %dma_wait3A_1194 = tpu.memref_slice %arg13[%dma_wait3A_1193] : memref<3200xf32, #tpu.memory_space<vmem>> -> memref<3128xf32, #tpu.memory_space<vmem>>
        %dma_wait3A_1195 = tpu.memref_slice %arg4[%mul3A_3] : memref<100000xf32, #tpu.memory_space<hbm>> -> memref<3128xf32, #tpu.memory_space<hbm>>
        tpu.wait_dma2 semaphore(%run_scoped3A : memref<!tpu.dma_semaphore, #tpu.memory_space<semaphore_mem>>) src(%dma_wait3A_1195 : memref<3128xf32, #tpu.memory_space<hbm>>) dst(%dma_wait3A_1194 : memref<3128xf32, #tpu.memory_space<vmem>>)
        tpu.yield
      }) : () -> ()
    } else {
    }
    %convert_element_type3A_7 = arith.extui %eq3A_1 : i1 to i32
    %cond3A_8 = arith.constant 0 : i32
    %cond3A_9 = arith.cmpi ne, %convert_element_type3A_7, %cond3A_8 : i32
    scf.if %cond3A_9 {
      "tpu.region"() ({
        %run_scoped3A = tpu.sem_alloc : memref<!tpu.dma_semaphore, #tpu.memory_space<semaphore_mem>>
        %dma_start3A_1184 = arith.constant 0 : i32
        %dma_start3A_1185 = tpu.memref_slice %arg13[%dma_start3A_1184] : memref<3200xf32, #tpu.memory_space<vmem>> -> memref<3032xf32, #tpu.memory_space<vmem>>
        %dma_start3A_1186 = tpu.memref_slice %arg4[%mul3A_3] : memref<100000xf32, #tpu.memory_space<hbm>> -> memref<3032xf32, #tpu.memory_space<hbm>>
        %dma_start3A_1187 = arith.constant 0 : i32
        %dma_start3A_1188 = tpu.memref_slice %arg13[%dma_start3A_1187] : memref<3200xf32, #tpu.memory_space<vmem>> -> memref<3032xf32, #tpu.memory_space<vmem>>
        %dma_start3A_1189 = tpu.memref_slice %arg4[%mul3A_3] : memref<100000xf32, #tpu.memory_space<hbm>> -> memref<3032xf32, #tpu.memory_space<hbm>>
        tpu.enqueue_dma source(%dma_start3A_1189 : memref<3032xf32, #tpu.memory_space<hbm>>) target(%dma_start3A_1188 : memref<3032xf32, #tpu.memory_space<vmem>>) target_semaphore(%run_scoped3A : memref<!tpu.dma_semaphore, #tpu.memory_space<semaphore_mem>>)
        %dma_wait3A_1190 = arith.constant 0 : i32
        %dma_wait3A_1191 = tpu.memref_slice %arg13[%dma_wait3A_1190] : memref<3200xf32, #tpu.memory_space<vmem>> -> memref<3032xf32, #tpu.memory_space<vmem>>
        %dma_wait3A_1192 = tpu.memref_slice %arg4[%mul3A_3] : memref<100000xf32, #tpu.memory_space<hbm>> -> memref<3032xf32, #tpu.memory_space<hbm>>
        %dma_wait3A_1193 = arith.constant 0 : i32
        %dma_wait3A_1194 = tpu.memref_slice %arg13[%dma_wait3A_1193] : memref<3200xf32, #tpu.memory_space<vmem>> -> memref<3032xf32, #tpu.memory_space<vmem>>
        %dma_wait3A_1195 = tpu.memref_slice %arg4[%mul3A_3] : memref<100000xf32, #tpu.memory_space<hbm>> -> memref<3032xf32, #tpu.memory_space<hbm>>
        tpu.wait_dma2 semaphore(%run_scoped3A : memref<!tpu.dma_semaphore, #tpu.memory_space<semaphore_mem>>) src(%dma_wait3A_1195 : memref<3032xf32, #tpu.memory_space<hbm>>) dst(%dma_wait3A_1194 : memref<3032xf32, #tpu.memory_space<vmem>>)
        tpu.yield
      }) : () -> ()
    } else {
    }
    "tpu.region"() ({
      %run_scoped3A = tpu.sem_alloc : memref<!tpu.dma_semaphore, #tpu.memory_space<semaphore_mem>>
      tpu.enqueue_dma source(%arg2 : memref<16384xi32, #tpu.memory_space<hbm>>) target(%arg9 : memref<16384xi32, #tpu.memory_space<vmem>>) target_semaphore(%run_scoped3A : memref<!tpu.dma_semaphore, #tpu.memory_space<semaphore_mem>>)
      tpu.wait_dma2 semaphore(%run_scoped3A : memref<!tpu.dma_semaphore, #tpu.memory_space<semaphore_mem>>) src(%arg2 : memref<16384xi32, #tpu.memory_space<hbm>>) dst(%arg9 : memref<16384xi32, #tpu.memory_space<vmem>>)
      tpu.yield
    }) : () -> ()
    "tpu.region"() ({
      %run_scoped3A = tpu.sem_alloc : memref<!tpu.dma_semaphore, #tpu.memory_space<semaphore_mem>>
      tpu.enqueue_dma source(%arg3 : memref<16384xf32, #tpu.memory_space<hbm>>) target(%arg10 : memref<16384xf32, #tpu.memory_space<vmem>>) target_semaphore(%run_scoped3A : memref<!tpu.dma_semaphore, #tpu.memory_space<semaphore_mem>>)
      tpu.wait_dma2 semaphore(%run_scoped3A : memref<!tpu.dma_semaphore, #tpu.memory_space<semaphore_mem>>) src(%arg3 : memref<16384xf32, #tpu.memory_space<hbm>>) dst(%arg10 : memref<16384xf32, #tpu.memory_space<vmem>>)
      tpu.yield
    }) : () -> ()
    %broadcast_in_dim3A = arith.constant -1 : i32
    %broadcast_in_dim3A_10 = vector.broadcast %broadcast_in_dim3A : i32 to vector<16xi32>
    %scan3A = arith.constant 0 : i32
    %scan3A_11 = arith.constant 0 : i32
    %scan3A_12 = arith.constant 25 : i32
    %scan3A_13 = arith.addi %scan3A_11, %scan3A_12 : i32
    %scan3A_14 = arith.constant 1 : i32
    scf.for %scan3A_1184 = %scan3A_11 to %scan3A_13 step %scan3A_14  : i32 {
      %mul3A_1185 = arith.constant 128 : i32
      %mul3A_1186 = arith.muli %scan3A_1184, %mul3A_1185 : i32
      %add3A_1187 = arith.constant 0 : i32
      %add3A_1188 = arith.addi %mul3A_1186, %add3A_1187 : i32
      %swap3A = arith.index_cast %add3A_1188 : i32 to index
      %swap3A_1189 = tpu.vector_load %arg11[%swap3A] {strides = array<i32>} : memref<3200xi32, #tpu.memory_space<vmem>>, vector<16xi32>,
      tpu.vector_store %arg11[%swap3A], %broadcast_in_dim3A_10 {strides = array<i32>} : memref<3200xi32, #tpu.memory_space<vmem>>, vector<16xi32>,
      %mul3A_1190 = arith.constant 128 : i32
      %mul3A_1191 = arith.muli %scan3A_1184, %mul3A_1190 : i32
      %add3A_1192 = arith.constant 16 : i32
      %add3A_1193 = arith.addi %mul3A_1191, %add3A_1192 : i32
      %swap3A_1194 = arith.index_cast %add3A_1193 : i32 to index
      %swap3A_1195 = tpu.vector_load %arg11[%swap3A_1194] {strides = array<i32>} : memref<3200xi32, #tpu.memory_space<vmem>>, vector<16xi32>,
      tpu.vector_store %arg11[%swap3A_1194], %broadcast_in_dim3A_10 {strides = array<i32>} : memref<3200xi32, #tpu.memory_space<vmem>>, vector<16xi32>,
      %mul3A_1196 = arith.constant 128 : i32
      %mul3A_1197 = arith.muli %scan3A_1184, %mul3A_1196 : i32
      %add3A_1198 = arith.constant 32 : i32
      %add3A_1199 = arith.addi %mul3A_1197, %add3A_1198 : i32
      %swap3A_1200 = arith.index_cast %add3A_1199 : i32 to index
      %swap3A_1201 = tpu.vector_load %arg11[%swap3A_1200] {strides = array<i32>} : memref<3200xi32, #tpu.memory_space<vmem>>, vector<16xi32>,
      tpu.vector_store %arg11[%swap3A_1200], %broadcast_in_dim3A_10 {strides = array<i32>} : memref<3200xi32, #tpu.memory_space<vmem>>, vector<16xi32>,
      %mul3A_1202 = arith.constant 128 : i32
      %mul3A_1203 = arith.muli %scan3A_1184, %mul3A_1202 : i32
      %add3A_1204 = arith.constant 48 : i32
      %add3A_1205 = arith.addi %mul3A_1203, %add3A_1204 : i32
      %swap3A_1206 = arith.index_cast %add3A_1205 : i32 to index
      %swap3A_1207 = tpu.vector_load %arg11[%swap3A_1206] {strides = array<i32>} : memref<3200xi32, #tpu.memory_space<vmem>>, vector<16xi32>,
      tpu.vector_store %arg11[%swap3A_1206], %broadcast_in_dim3A_10 {strides = array<i32>} : memref<3200xi32, #tpu.memory_space<vmem>>, vector<16xi32>,
      %mul3A_1208 = arith.constant 128 : i32
      %mul3A_1209 = arith.muli %scan3A_1184, %mul3A_1208 : i32
      %add3A_1210 = arith.constant 64 : i32
      %add3A_1211 = arith.addi %mul3A_1209, %add3A_1210 : i32
      %swap3A_1212 = arith.index_cast %add3A_1211 : i32 to index
      %swap3A_1213 = tpu.vector_load %arg11[%swap3A_1212] {strides = array<i32>} : memref<3200xi32, #tpu.memory_space<vmem>>, vector<16xi32>,
      tpu.vector_store %arg11[%swap3A_1212], %broadcast_in_dim3A_10 {strides = array<i32>} : memref<3200xi32, #tpu.memory_space<vmem>>, vector<16xi32>,
      %mul3A_1214 = arith.constant 128 : i32
      %mul3A_1215 = arith.muli %scan3A_1184, %mul3A_1214 : i32
      %add3A_1216 = arith.constant 80 : i32
      %add3A_1217 = arith.addi %mul3A_1215, %add3A_1216 : i32
      %swap3A_1218 = arith.index_cast %add3A_1217 : i32 to index
      %swap3A_1219 = tpu.vector_load %arg11[%swap3A_1218] {strides = array<i32>} : memref<3200xi32, #tpu.memory_space<vmem>>, vector<16xi32>,
      tpu.vector_store %arg11[%swap3A_1218], %broadcast_in_dim3A_10 {strides = array<i32>} : memref<3200xi32, #tpu.memory_space<vmem>>, vector<16xi32>,
      %mul3A_1220 = arith.constant 128 : i32
      %mul3A_1221 = arith.muli %scan3A_1184, %mul3A_1220 : i32
      %add3A_1222 = arith.constant 96 : i32
      %add3A_1223 = arith.addi %mul3A_1221, %add3A_1222 : i32
      %swap3A_1224 = arith.index_cast %add3A_1223 : i32 to index
      %swap3A_1225 = tpu.vector_load %arg11[%swap3A_1224] {strides = array<i32>} : memref<3200xi32, #tpu.memory_space<vmem>>, vector<16xi32>,
      tpu.vector_store %arg11[%swap3A_1224], %broadcast_in_dim3A_10 {strides = array<i32>} : memref<3200xi32, #tpu.memory_space<vmem>>, vector<16xi32>,
      %mul3A_1226 = arith.constant 128 : i32
      %mul3A_1227 = arith.muli %scan3A_1184, %mul3A_1226 : i32
      %add3A_1228 = arith.constant 112 : i32
      %add3A_1229 = arith.addi %mul3A_1227, %add3A_1228 : i32
      %swap3A_1230 = arith.index_cast %add3A_1229 : i32 to index
      %swap3A_1231 = tpu.vector_load %arg11[%swap3A_1230] {strides = array<i32>} : memref<3200xi32, #tpu.memory_space<vmem>>, vector<16xi32>,
      tpu.vector_store %arg11[%swap3A_1230], %broadcast_in_dim3A_10 {strides = array<i32>} : memref<3200xi32, #tpu.memory_space<vmem>>, vector<16xi32>,
    }
    %scan3A_15 = arith.constant 25 : i32
    %scan3A_16 = arith.constant 0 : i32
    %scan3A_17 = arith.constant 0 : i32
    %scan3A_18 = arith.constant 128 : i32
    %scan3A_19 = arith.addi %scan3A_17, %scan3A_18 : i32
    %scan3A_20 = arith.constant 1 : i32
    scf.for %scan3A_1184 = %scan3A_17 to %scan3A_19 step %scan3A_20  : i32 {
      %mul3A_1185 = arith.constant 128 : i32
      %mul3A_1186 = arith.muli %scan3A_1184, %mul3A_1185 : i32
      %add3A_1187 = arith.constant 0 : i32
      %add3A_1188 = arith.addi %mul3A_1186, %add3A_1187 : i32
      %get3A = arith.index_cast %add3A_1188 : i32 to index
      %get3A_1189 = tpu.vector_load %arg9[%get3A] {strides = array<i32>} : memref<16384xi32, #tpu.memory_space<vmem>>, vector<16xi32>,
      %sub3A = vector.broadcast %mul3A_3 : i32 to vector<16xi32>
      %sub3A_1190 = arith.subi %get3A_1189, %sub3A : vector<16xi32>
      %ge3A = arith.constant 0 : i32
      %ge3A_1191 = vector.broadcast %ge3A : i32 to vector<16xi32>
      %ge3A_1192 = arith.cmpi sge, %sub3A_1190, %ge3A_1191 : vector<16xi32>
      %lt3A = vector.broadcast %select_n3A : i32 to vector<16xi32>
      %lt3A_1193 = arith.cmpi slt, %sub3A_1190, %lt3A : vector<16xi32>
      %and3A = arith.andi %ge3A_1192, %lt3A_1193 : vector<16xi1>
      %jit3A_1194 = arith.constant 0 : i32
      %broadcast_in_dim3A_1195 = vector.broadcast %jit3A_1194 : i32 to vector<16xi32>
      %select_n3A_1196 = arith.select %and3A, %sub3A_1190, %broadcast_in_dim3A_1195 : vector<16xi1>, vector<16xi32>
      %add3A_1197 = vector.broadcast %add3A_1188 : i32 to vector<16xi32>
      %add3A_1198 = arith.addi %add3A_1197, %iota3A : vector<16xi32>
      tpu.vector_store_idx %arg11[%select_n3A_1196], %add3A_1198 masked %and3A : memref<3200xi32, #tpu.memory_space<vmem>>[vector<16xi32>], vector<16xi32>, vector<16xi1>
      %add3A_1199 = arith.constant 16 : i32
      %add3A_1200 = arith.addi %mul3A_1186, %add3A_1199 : i32
      %get3A_1201 = arith.index_cast %add3A_1200 : i32 to index
      %get3A_1202 = tpu.vector_load %arg9[%get3A_1201] {strides = array<i32>} : memref<16384xi32, #tpu.memory_space<vmem>>, vector<16xi32>,
      %sub3A_1203 = vector.broadcast %mul3A_3 : i32 to vector<16xi32>
      %sub3A_1204 = arith.subi %get3A_1202, %sub3A_1203 : vector<16xi32>
      %ge3A_1205 = arith.constant 0 : i32
      %ge3A_1206 = vector.broadcast %ge3A_1205 : i32 to vector<16xi32>
      %ge3A_1207 = arith.cmpi sge, %sub3A_1204, %ge3A_1206 : vector<16xi32>
      %lt3A_1208 = vector.broadcast %select_n3A : i32 to vector<16xi32>
      %lt3A_1209 = arith.cmpi slt, %sub3A_1204, %lt3A_1208 : vector<16xi32>
      %and3A_1210 = arith.andi %ge3A_1207, %lt3A_1209 : vector<16xi1>
      %jit3A_1211 = arith.constant 0 : i32
      %broadcast_in_dim3A_1212 = vector.broadcast %jit3A_1211 : i32 to vector<16xi32>
      %select_n3A_1213 = arith.select %and3A_1210, %sub3A_1204, %broadcast_in_dim3A_1212 : vector<16xi1>, vector<16xi32>
      %add3A_1214 = vector.broadcast %add3A_1200 : i32 to vector<16xi32>
      %add3A_1215 = arith.addi %add3A_1214, %iota3A : vector<16xi32>
      tpu.vector_store_idx %arg11[%select_n3A_1213], %add3A_1215 masked %and3A_1210 : memref<3200xi32, #tpu.memory_space<vmem>>[vector<16xi32>], vector<16xi32>, vector<16xi1>
      %add3A_1216 = arith.constant 32 : i32
      %add3A_1217 = arith.addi %mul3A_1186, %add3A_1216 : i32
      %get3A_1218 = arith.index_cast %add3A_1217 : i32 to index
      %get3A_1219 = tpu.vector_load %arg9[%get3A_1218] {strides = array<i32>} : memref<16384xi32, #tpu.memory_space<vmem>>, vector<16xi32>,
      %sub3A_1220 = vector.broadcast %mul3A_3 : i32 to vector<16xi32>
      %sub3A_1221 = arith.subi %get3A_1219, %sub3A_1220 : vector<16xi32>
      %ge3A_1222 = arith.constant 0 : i32
      %ge3A_1223 = vector.broadcast %ge3A_1222 : i32 to vector<16xi32>
      %ge3A_1224 = arith.cmpi sge, %sub3A_1221, %ge3A_1223 : vector<16xi32>
      %lt3A_1225 = vector.broadcast %select_n3A : i32 to vector<16xi32>
      %lt3A_1226 = arith.cmpi slt, %sub3A_1221, %lt3A_1225 : vector<16xi32>
      %and3A_1227 = arith.andi %ge3A_1224, %lt3A_1226 : vector<16xi1>
      %jit3A_1228 = arith.constant 0 : i32
      %broadcast_in_dim3A_1229 = vector.broadcast %jit3A_1228 : i32 to vector<16xi32>
      %select_n3A_1230 = arith.select %and3A_1227, %sub3A_1221, %broadcast_in_dim3A_1229 : vector<16xi1>, vector<16xi32>
      %add3A_1231 = vector.broadcast %add3A_1217 : i32 to vector<16xi32>
      %add3A_1232 = arith.addi %add3A_1231, %iota3A : vector<16xi32>
      tpu.vector_store_idx %arg11[%select_n3A_1230], %add3A_1232 masked %and3A_1227 : memref<3200xi32, #tpu.memory_space<vmem>>[vector<16xi32>], vector<16xi32>, vector<16xi1>
      %add3A_1233 = arith.constant 48 : i32
      %add3A_1234 = arith.addi %mul3A_1186, %add3A_1233 : i32
      %get3A_1235 = arith.index_cast %add3A_1234 : i32 to index
      %get3A_1236 = tpu.vector_load %arg9[%get3A_1235] {strides = array<i32>} : memref<16384xi32, #tpu.memory_space<vmem>>, vector<16xi32>,
      %sub3A_1237 = vector.broadcast %mul3A_3 : i32 to vector<16xi32>
      %sub3A_1238 = arith.subi %get3A_1236, %sub3A_1237 : vector<16xi32>
      %ge3A_1239 = arith.constant 0 : i32
      %ge3A_1240 = vector.broadcast %ge3A_1239 : i32 to vector<16xi32>
      %ge3A_1241 = arith.cmpi sge, %sub3A_1238, %ge3A_1240 : vector<16xi32>
      %lt3A_1242 = vector.broadcast %select_n3A : i32 to vector<16xi32>
      %lt3A_1243 = arith.cmpi slt, %sub3A_1238, %lt3A_1242 : vector<16xi32>
      %and3A_1244 = arith.andi %ge3A_1241, %lt3A_1243 : vector<16xi1>
      %jit3A_1245 = arith.constant 0 : i32
      %broadcast_in_dim3A_1246 = vector.broadcast %jit3A_1245 : i32 to vector<16xi32>
      %select_n3A_1247 = arith.select %and3A_1244, %sub3A_1238, %broadcast_in_dim3A_1246 : vector<16xi1>, vector<16xi32>
      %add3A_1248 = vector.broadcast %add3A_1234 : i32 to vector<16xi32>
      %add3A_1249 = arith.addi %add3A_1248, %iota3A : vector<16xi32>
      tpu.vector_store_idx %arg11[%select_n3A_1247], %add3A_1249 masked %and3A_1244 : memref<3200xi32, #tpu.memory_space<vmem>>[vector<16xi32>], vector<16xi32>, vector<16xi1>
      %add3A_1250 = arith.constant 64 : i32
      %add3A_1251 = arith.addi %mul3A_1186, %add3A_1250 : i32
      %get3A_1252 = arith.index_cast %add3A_1251 : i32 to index
      %get3A_1253 = tpu.vector_load %arg9[%get3A_1252] {strides = array<i32>} : memref<16384xi32, #tpu.memory_space<vmem>>, vector<16xi32>,
      %sub3A_1254 = vector.broadcast %mul3A_3 : i32 to vector<16xi32>
      %sub3A_1255 = arith.subi %get3A_1253, %sub3A_1254 : vector<16xi32>
      %ge3A_1256 = arith.constant 0 : i32
      %ge3A_1257 = vector.broadcast %ge3A_1256 : i32 to vector<16xi32>
      %ge3A_1258 = arith.cmpi sge, %sub3A_1255, %ge3A_1257 : vector<16xi32>
      %lt3A_1259 = vector.broadcast %select_n3A : i32 to vector<16xi32>
      %lt3A_1260 = arith.cmpi slt, %sub3A_1255, %lt3A_1259 : vector<16xi32>
      %and3A_1261 = arith.andi %ge3A_1258, %lt3A_1260 : vector<16xi1>
      %jit3A_1262 = arith.constant 0 : i32
      %broadcast_in_dim3A_1263 = vector.broadcast %jit3A_1262 : i32 to vector<16xi32>
      %select_n3A_1264 = arith.select %and3A_1261, %sub3A_1255, %broadcast_in_dim3A_1263 : vector<16xi1>, vector<16xi32>
      %add3A_1265 = vector.broadcast %add3A_1251 : i32 to vector<16xi32>
      %add3A_1266 = arith.addi %add3A_1265, %iota3A : vector<16xi32>
      tpu.vector_store_idx %arg11[%select_n3A_1264], %add3A_1266 masked %and3A_1261 : memref<3200xi32, #tpu.memory_space<vmem>>[vector<16xi32>], vector<16xi32>, vector<16xi1>
      %add3A_1267 = arith.constant 80 : i32
      %add3A_1268 = arith.addi %mul3A_1186, %add3A_1267 : i32
      %get3A_1269 = arith.index_cast %add3A_1268 : i32 to index
      %get3A_1270 = tpu.vector_load %arg9[%get3A_1269] {strides = array<i32>} : memref<16384xi32, #tpu.memory_space<vmem>>, vector<16xi32>,
      %sub3A_1271 = vector.broadcast %mul3A_3 : i32 to vector<16xi32>
      %sub3A_1272 = arith.subi %get3A_1270, %sub3A_1271 : vector<16xi32>
      %ge3A_1273 = arith.constant 0 : i32
      %ge3A_1274 = vector.broadcast %ge3A_1273 : i32 to vector<16xi32>
      %ge3A_1275 = arith.cmpi sge, %sub3A_1272, %ge3A_1274 : vector<16xi32>
      %lt3A_1276 = vector.broadcast %select_n3A : i32 to vector<16xi32>
      %lt3A_1277 = arith.cmpi slt, %sub3A_1272, %lt3A_1276 : vector<16xi32>
      %and3A_1278 = arith.andi %ge3A_1275, %lt3A_1277 : vector<16xi1>
      %jit3A_1279 = arith.constant 0 : i32
      %broadcast_in_dim3A_1280 = vector.broadcast %jit3A_1279 : i32 to vector<16xi32>
      %select_n3A_1281 = arith.select %and3A_1278, %sub3A_1272, %broadcast_in_dim3A_1280 : vector<16xi1>, vector<16xi32>
      %add3A_1282 = vector.broadcast %add3A_1268 : i32 to vector<16xi32>
      %add3A_1283 = arith.addi %add3A_1282, %iota3A : vector<16xi32>
      tpu.vector_store_idx %arg11[%select_n3A_1281], %add3A_1283 masked %and3A_1278 : memref<3200xi32, #tpu.memory_space<vmem>>[vector<16xi32>], vector<16xi32>, vector<16xi1>
      %add3A_1284 = arith.constant 96 : i32
      %add3A_1285 = arith.addi %mul3A_1186, %add3A_1284 : i32
      %get3A_1286 = arith.index_cast %add3A_1285 : i32 to index
      %get3A_1287 = tpu.vector_load %arg9[%get3A_1286] {strides = array<i32>} : memref<16384xi32, #tpu.memory_space<vmem>>, vector<16xi32>,
      %sub3A_1288 = vector.broadcast %mul3A_3 : i32 to vector<16xi32>
      %sub3A_1289 = arith.subi %get3A_1287, %sub3A_1288 : vector<16xi32>
      %ge3A_1290 = arith.constant 0 : i32
      %ge3A_1291 = vector.broadcast %ge3A_1290 : i32 to vector<16xi32>
      %ge3A_1292 = arith.cmpi sge, %sub3A_1289, %ge3A_1291 : vector<16xi32>
      %lt3A_1293 = vector.broadcast %select_n3A : i32 to vector<16xi32>
      %lt3A_1294 = arith.cmpi slt, %sub3A_1289, %lt3A_1293 : vector<16xi32>
      %and3A_1295 = arith.andi %ge3A_1292, %lt3A_1294 : vector<16xi1>
      %jit3A_1296 = arith.constant 0 : i32
      %broadcast_in_dim3A_1297 = vector.broadcast %jit3A_1296 : i32 to vector<16xi32>
      %select_n3A_1298 = arith.select %and3A_1295, %sub3A_1289, %broadcast_in_dim3A_1297 : vector<16xi1>, vector<16xi32>
      %add3A_1299 = vector.broadcast %add3A_1285 : i32 to vector<16xi32>
      %add3A_1300 = arith.addi %add3A_1299, %iota3A : vector<16xi32>
      tpu.vector_store_idx %arg11[%select_n3A_1298], %add3A_1300 masked %and3A_1295 : memref<3200xi32, #tpu.memory_space<vmem>>[vector<16xi32>], vector<16xi32>, vector<16xi1>
      %add3A_1301 = arith.constant 112 : i32
      %add3A_1302 = arith.addi %mul3A_1186, %add3A_1301 : i32
      %get3A_1303 = arith.index_cast %add3A_1302 : i32 to index
      %get3A_1304 = tpu.vector_load %arg9[%get3A_1303] {strides = array<i32>} : memref<16384xi32, #tpu.memory_space<vmem>>, vector<16xi32>,
      %sub3A_1305 = vector.broadcast %mul3A_3 : i32 to vector<16xi32>
      %sub3A_1306 = arith.subi %get3A_1304, %sub3A_1305 : vector<16xi32>
      %ge3A_1307 = arith.constant 0 : i32
      %ge3A_1308 = vector.broadcast %ge3A_1307 : i32 to vector<16xi32>
      %ge3A_1309 = arith.cmpi sge, %sub3A_1306, %ge3A_1308 : vector<16xi32>
      %lt3A_1310 = vector.broadcast %select_n3A : i32 to vector<16xi32>
      %lt3A_1311 = arith.cmpi slt, %sub3A_1306, %lt3A_1310 : vector<16xi32>
      %and3A_1312 = arith.andi %ge3A_1309, %lt3A_1311 : vector<16xi1>
      %jit3A_1313 = arith.constant 0 : i32
      %broadcast_in_dim3A_1314 = vector.broadcast %jit3A_1313 : i32 to vector<16xi32>
      %select_n3A_1315 = arith.select %and3A_1312, %sub3A_1306, %broadcast_in_dim3A_1314 : vector<16xi1>, vector<16xi32>
      %add3A_1316 = vector.broadcast %add3A_1302 : i32 to vector<16xi32>
      %add3A_1317 = arith.addi %add3A_1316, %iota3A : vector<16xi32>
      tpu.vector_store_idx %arg11[%select_n3A_1315], %add3A_1317 masked %and3A_1312 : memref<3200xi32, #tpu.memory_space<vmem>>[vector<16xi32>], vector<16xi32>, vector<16xi1>
    }
    %scan3A_21 = arith.constant 128 : i32
    %scan3A_22 = arith.constant 0 : i32
    %scan3A_23 = arith.constant 0 : i32
    %scan3A_24 = arith.constant 25 : i32
    %scan3A_25 = arith.addi %scan3A_23, %scan3A_24 : i32
    %scan3A_26 = arith.constant 1 : i32
    scf.for %scan3A_1184 = %scan3A_23 to %scan3A_25 step %scan3A_26  : i32 {
      %mul3A_1185 = arith.constant 128 : i32
      %mul3A_1186 = arith.muli %scan3A_1184, %mul3A_1185 : i32
      %add3A_1187 = arith.constant 0 : i32
      %add3A_1188 = arith.addi %mul3A_1186, %add3A_1187 : i32
      %get3A = arith.index_cast %add3A_1188 : i32 to index
      %get3A_1189 = tpu.vector_load %arg11[%get3A] {strides = array<i32>} : memref<3200xi32, #tpu.memory_space<vmem>>, vector<16xi32>,
      %ge3A = arith.constant 0 : i32
      %ge3A_1190 = vector.broadcast %ge3A : i32 to vector<16xi32>
      %ge3A_1191 = arith.cmpi sge, %get3A_1189, %ge3A_1190 : vector<16xi32>
      %add3A_1192 = arith.addi %mul3A_3, %add3A_1188 : i32
      %add3A_1193 = vector.broadcast %add3A_1192 : i32 to vector<16xi32>
      %add3A_1194 = arith.addi %add3A_1193, %iota3A : vector<16xi32>
      %jit3A_1195 = arith.constant -1 : i32
      %broadcast_in_dim3A_1196 = vector.broadcast %jit3A_1195 : i32 to vector<16xi32>
      %select_n3A_1197 = arith.select %ge3A_1191, %add3A_1194, %broadcast_in_dim3A_1196 : vector<16xi1>, vector<16xi32>
      %swap3A = arith.index_cast %scan3A_1184 : i32 to index
      %swap3A_1198 = arith.constant 0 : index
      %swap3A_1199 = tpu.vector_load %arg12[%swap3A, %swap3A_1198] {strides = array<i32>} : memref<25x128xi32, #tpu.memory_space<vmem>>, vector<16xi32>,
      tpu.vector_store %arg12[%swap3A, %swap3A_1198], %select_n3A_1197 {strides = array<i32>} : memref<25x128xi32, #tpu.memory_space<vmem>>, vector<16xi32>,
      %max3A = arith.constant 0 : i32
      %max3A_1200 = vector.broadcast %max3A : i32 to vector<16xi32>
      %max3A_1201 = arith.maxsi %get3A_1189, %max3A_1200 : vector<16xi32>
      %gather3A = tpu.vector_load_idx %arg10[%max3A_1201] : memref<16384xf32, #tpu.memory_space<vmem>>[vector<16xi32>], vector<16xf32>,
      %get3A_1202 = arith.index_cast %add3A_1188 : i32 to index
      %get3A_1203 = tpu.vector_load %arg13[%get3A_1202] {strides = array<i32>} : memref<3200xf32, #tpu.memory_space<vmem>>, vector<16xf32>,
      %select_n3A_1204 = arith.select %ge3A_1191, %gather3A, %get3A_1203 : vector<16xi1>, vector<16xf32>
      %swap3A_1205 = arith.index_cast %add3A_1188 : i32 to index
      %swap3A_1206 = tpu.vector_load %arg14[%swap3A_1205] {strides = array<i32>} : memref<3200xf32, #tpu.memory_space<vmem>>, vector<16xf32>,
      tpu.vector_store %arg14[%swap3A_1205], %select_n3A_1204 {strides = array<i32>} : memref<3200xf32, #tpu.memory_space<vmem>>, vector<16xf32>,
      %mul3A_1207 = arith.constant 128 : i32
      %mul3A_1208 = arith.muli %scan3A_1184, %mul3A_1207 : i32
      %add3A_1209 = arith.constant 16 : i32
      %add3A_1210 = arith.addi %mul3A_1208, %add3A_1209 : i32
      %get3A_1211 = arith.index_cast %add3A_1210 : i32 to index
      %get3A_1212 = tpu.vector_load %arg11[%get3A_1211] {strides = array<i32>} : memref<3200xi32, #tpu.memory_space<vmem>>, vector<16xi32>,
      %ge3A_1213 = arith.constant 0 : i32
      %ge3A_1214 = vector.broadcast %ge3A_1213 : i32 to vector<16xi32>
      %ge3A_1215 = arith.cmpi sge, %get3A_1212, %ge3A_1214 : vector<16xi32>
      %add3A_1216 = arith.addi %mul3A_3, %add3A_1210 : i32
      %add3A_1217 = vector.broadcast %add3A_1216 : i32 to vector<16xi32>
      %add3A_1218 = arith.addi %add3A_1217, %iota3A : vector<16xi32>
      %jit3A_1219 = arith.constant -1 : i32
      %broadcast_in_dim3A_1220 = vector.broadcast %jit3A_1219 : i32 to vector<16xi32>
      %select_n3A_1221 = arith.select %ge3A_1215, %add3A_1218, %broadcast_in_dim3A_1220 : vector<16xi1>, vector<16xi32>
      %swap3A_1222 = arith.index_cast %scan3A_1184 : i32 to index
      %swap3A_1223 = arith.constant 16 : index
      %swap3A_1224 = tpu.vector_load %arg12[%swap3A_1222, %swap3A_1223] {strides = array<i32>} : memref<25x128xi32, #tpu.memory_space<vmem>>, vector<16xi32>,
      tpu.vector_store %arg12[%swap3A_1222, %swap3A_1223], %select_n3A_1221 {strides = array<i32>} : memref<25x128xi32, #tpu.memory_space<vmem>>, vector<16xi32>,
      %max3A_1225 = arith.constant 0 : i32
      %max3A_1226 = vector.broadcast %max3A_1225 : i32 to vector<16xi32>
      %max3A_1227 = arith.maxsi %get3A_1212, %max3A_1226 : vector<16xi32>
      %gather3A_1228 = tpu.vector_load_idx %arg10[%max3A_1227] : memref<16384xf32, #tpu.memory_space<vmem>>[vector<16xi32>], vector<16xf32>,
      %get3A_1229 = arith.index_cast %add3A_1210 : i32 to index
      %get3A_1230 = tpu.vector_load %arg13[%get3A_1229] {strides = array<i32>} : memref<3200xf32, #tpu.memory_space<vmem>>, vector<16xf32>,
      %select_n3A_1231 = arith.select %ge3A_1215, %gather3A_1228, %get3A_1230 : vector<16xi1>, vector<16xf32>
      %swap3A_1232 = arith.index_cast %add3A_1210 : i32 to index
      %swap3A_1233 = tpu.vector_load %arg14[%swap3A_1232] {strides = array<i32>} : memref<3200xf32, #tpu.memory_space<vmem>>, vector<16xf32>,
      tpu.vector_store %arg14[%swap3A_1232], %select_n3A_1231 {strides = array<i32>} : memref<3200xf32, #tpu.memory_space<vmem>>, vector<16xf32>,
      %mul3A_1234 = arith.constant 128 : i32
      %mul3A_1235 = arith.muli %scan3A_1184, %mul3A_1234 : i32
      %add3A_1236 = arith.constant 32 : i32
      %add3A_1237 = arith.addi %mul3A_1235, %add3A_1236 : i32
      %get3A_1238 = arith.index_cast %add3A_1237 : i32 to index
      %get3A_1239 = tpu.vector_load %arg11[%get3A_1238] {strides = array<i32>} : memref<3200xi32, #tpu.memory_space<vmem>>, vector<16xi32>,
      %ge3A_1240 = arith.constant 0 : i32
      %ge3A_1241 = vector.broadcast %ge3A_1240 : i32 to vector<16xi32>
      %ge3A_1242 = arith.cmpi sge, %get3A_1239, %ge3A_1241 : vector<16xi32>
      %add3A_1243 = arith.addi %mul3A_3, %add3A_1237 : i32
      %add3A_1244 = vector.broadcast %add3A_1243 : i32 to vector<16xi32>
      %add3A_1245 = arith.addi %add3A_1244, %iota3A : vector<16xi32>
      %jit3A_1246 = arith.constant -1 : i32
      %broadcast_in_dim3A_1247 = vector.broadcast %jit3A_1246 : i32 to vector<16xi32>
      %select_n3A_1248 = arith.select %ge3A_1242, %add3A_1245, %broadcast_in_dim3A_1247 : vector<16xi1>, vector<16xi32>
      %swap3A_1249 = arith.index_cast %scan3A_1184 : i32 to index
      %swap3A_1250 = arith.constant 32 : index
      %swap3A_1251 = tpu.vector_load %arg12[%swap3A_1249, %swap3A_1250] {strides = array<i32>} : memref<25x128xi32, #tpu.memory_space<vmem>>, vector<16xi32>,
      tpu.vector_store %arg12[%swap3A_1249, %swap3A_1250], %select_n3A_1248 {strides = array<i32>} : memref<25x128xi32, #tpu.memory_space<vmem>>, vector<16xi32>,
      %max3A_1252 = arith.constant 0 : i32
      %max3A_1253 = vector.broadcast %max3A_1252 : i32 to vector<16xi32>
      %max3A_1254 = arith.maxsi %get3A_1239, %max3A_1253 : vector<16xi32>
      %gather3A_1255 = tpu.vector_load_idx %arg10[%max3A_1254] : memref<16384xf32, #tpu.memory_space<vmem>>[vector<16xi32>], vector<16xf32>,
      %get3A_1256 = arith.index_cast %add3A_1237 : i32 to index
      %get3A_1257 = tpu.vector_load %arg13[%get3A_1256] {strides = array<i32>} : memref<3200xf32, #tpu.memory_space<vmem>>, vector<16xf32>,
      %select_n3A_1258 = arith.select %ge3A_1242, %gather3A_1255, %get3A_1257 : vector<16xi1>, vector<16xf32>
      %swap3A_1259 = arith.index_cast %add3A_1237 : i32 to index
      %swap3A_1260 = tpu.vector_load %arg14[%swap3A_1259] {strides = array<i32>} : memref<3200xf32, #tpu.memory_space<vmem>>, vector<16xf32>,
      tpu.vector_store %arg14[%swap3A_1259], %select_n3A_1258 {strides = array<i32>} : memref<3200xf32, #tpu.memory_space<vmem>>, vector<16xf32>,
      %mul3A_1261 = arith.constant 128 : i32
      %mul3A_1262 = arith.muli %scan3A_1184, %mul3A_1261 : i32
      %add3A_1263 = arith.constant 48 : i32
      %add3A_1264 = arith.addi %mul3A_1262, %add3A_1263 : i32
      %get3A_1265 = arith.index_cast %add3A_1264 : i32 to index
      %get3A_1266 = tpu.vector_load %arg11[%get3A_1265] {strides = array<i32>} : memref<3200xi32, #tpu.memory_space<vmem>>, vector<16xi32>,
      %ge3A_1267 = arith.constant 0 : i32
      %ge3A_1268 = vector.broadcast %ge3A_1267 : i32 to vector<16xi32>
      %ge3A_1269 = arith.cmpi sge, %get3A_1266, %ge3A_1268 : vector<16xi32>
      %add3A_1270 = arith.addi %mul3A_3, %add3A_1264 : i32
      %add3A_1271 = vector.broadcast %add3A_1270 : i32 to vector<16xi32>
      %add3A_1272 = arith.addi %add3A_1271, %iota3A : vector<16xi32>
      %jit3A_1273 = arith.constant -1 : i32
      %broadcast_in_dim3A_1274 = vector.broadcast %jit3A_1273 : i32 to vector<16xi32>
      %select_n3A_1275 = arith.select %ge3A_1269, %add3A_1272, %broadcast_in_dim3A_1274 : vector<16xi1>, vector<16xi32>
      %swap3A_1276 = arith.index_cast %scan3A_1184 : i32 to index
      %swap3A_1277 = arith.constant 48 : index
      %swap3A_1278 = tpu.vector_load %arg12[%swap3A_1276, %swap3A_1277] {strides = array<i32>} : memref<25x128xi32, #tpu.memory_space<vmem>>, vector<16xi32>,
      tpu.vector_store %arg12[%swap3A_1276, %swap3A_1277], %select_n3A_1275 {strides = array<i32>} : memref<25x128xi32, #tpu.memory_space<vmem>>, vector<16xi32>,
      %max3A_1279 = arith.constant 0 : i32
      %max3A_1280 = vector.broadcast %max3A_1279 : i32 to vector<16xi32>
      %max3A_1281 = arith.maxsi %get3A_1266, %max3A_1280 : vector<16xi32>
      %gather3A_1282 = tpu.vector_load_idx %arg10[%max3A_1281] : memref<16384xf32, #tpu.memory_space<vmem>>[vector<16xi32>], vector<16xf32>,
      %get3A_1283 = arith.index_cast %add3A_1264 : i32 to index
      %get3A_1284 = tpu.vector_load %arg13[%get3A_1283] {strides = array<i32>} : memref<3200xf32, #tpu.memory_space<vmem>>, vector<16xf32>,
      %select_n3A_1285 = arith.select %ge3A_1269, %gather3A_1282, %get3A_1284 : vector<16xi1>, vector<16xf32>
      %swap3A_1286 = arith.index_cast %add3A_1264 : i32 to index
      %swap3A_1287 = tpu.vector_load %arg14[%swap3A_1286] {strides = array<i32>} : memref<3200xf32, #tpu.memory_space<vmem>>, vector<16xf32>,
      tpu.vector_store %arg14[%swap3A_1286], %select_n3A_1285 {strides = array<i32>} : memref<3200xf32, #tpu.memory_space<vmem>>, vector<16xf32>,
      %mul3A_1288 = arith.constant 128 : i32
      %mul3A_1289 = arith.muli %scan3A_1184, %mul3A_1288 : i32
      %add3A_1290 = arith.constant 64 : i32
      %add3A_1291 = arith.addi %mul3A_1289, %add3A_1290 : i32
      %get3A_1292 = arith.index_cast %add3A_1291 : i32 to index
      %get3A_1293 = tpu.vector_load %arg11[%get3A_1292] {strides = array<i32>} : memref<3200xi32, #tpu.memory_space<vmem>>, vector<16xi32>,
      %ge3A_1294 = arith.constant 0 : i32
      %ge3A_1295 = vector.broadcast %ge3A_1294 : i32 to vector<16xi32>
      %ge3A_1296 = arith.cmpi sge, %get3A_1293, %ge3A_1295 : vector<16xi32>
      %add3A_1297 = arith.addi %mul3A_3, %add3A_1291 : i32
      %add3A_1298 = vector.broadcast %add3A_1297 : i32 to vector<16xi32>
      %add3A_1299 = arith.addi %add3A_1298, %iota3A : vector<16xi32>
      %jit3A_1300 = arith.constant -1 : i32
      %broadcast_in_dim3A_1301 = vector.broadcast %jit3A_1300 : i32 to vector<16xi32>
      %select_n3A_1302 = arith.select %ge3A_1296, %add3A_1299, %broadcast_in_dim3A_1301 : vector<16xi1>, vector<16xi32>
      %swap3A_1303 = arith.index_cast %scan3A_1184 : i32 to index
      %swap3A_1304 = arith.constant 64 : index
      %swap3A_1305 = tpu.vector_load %arg12[%swap3A_1303, %swap3A_1304] {strides = array<i32>} : memref<25x128xi32, #tpu.memory_space<vmem>>, vector<16xi32>,
      tpu.vector_store %arg12[%swap3A_1303, %swap3A_1304], %select_n3A_1302 {strides = array<i32>} : memref<25x128xi32, #tpu.memory_space<vmem>>, vector<16xi32>,
      %max3A_1306 = arith.constant 0 : i32
      %max3A_1307 = vector.broadcast %max3A_1306 : i32 to vector<16xi32>
      %max3A_1308 = arith.maxsi %get3A_1293, %max3A_1307 : vector<16xi32>
      %gather3A_1309 = tpu.vector_load_idx %arg10[%max3A_1308] : memref<16384xf32, #tpu.memory_space<vmem>>[vector<16xi32>], vector<16xf32>,
      %get3A_1310 = arith.index_cast %add3A_1291 : i32 to index
      %get3A_1311 = tpu.vector_load %arg13[%get3A_1310] {strides = array<i32>} : memref<3200xf32, #tpu.memory_space<vmem>>, vector<16xf32>,
      %select_n3A_1312 = arith.select %ge3A_1296, %gather3A_1309, %get3A_1311 : vector<16xi1>, vector<16xf32>
      %swap3A_1313 = arith.index_cast %add3A_1291 : i32 to index
      %swap3A_1314 = tpu.vector_load %arg14[%swap3A_1313] {strides = array<i32>} : memref<3200xf32, #tpu.memory_space<vmem>>, vector<16xf32>,
      tpu.vector_store %arg14[%swap3A_1313], %select_n3A_1312 {strides = array<i32>} : memref<3200xf32, #tpu.memory_space<vmem>>, vector<16xf32>,
      %mul3A_1315 = arith.constant 128 : i32
      %mul3A_1316 = arith.muli %scan3A_1184, %mul3A_1315 : i32
      %add3A_1317 = arith.constant 80 : i32
      %add3A_1318 = arith.addi %mul3A_1316, %add3A_1317 : i32
      %get3A_1319 = arith.index_cast %add3A_1318 : i32 to index
      %get3A_1320 = tpu.vector_load %arg11[%get3A_1319] {strides = array<i32>} : memref<3200xi32, #tpu.memory_space<vmem>>, vector<16xi32>,
      %ge3A_1321 = arith.constant 0 : i32
      %ge3A_1322 = vector.broadcast %ge3A_1321 : i32 to vector<16xi32>
      %ge3A_1323 = arith.cmpi sge, %get3A_1320, %ge3A_1322 : vector<16xi32>
      %add3A_1324 = arith.addi %mul3A_3, %add3A_1318 : i32
      %add3A_1325 = vector.broadcast %add3A_1324 : i32 to vector<16xi32>
      %add3A_1326 = arith.addi %add3A_1325, %iota3A : vector<16xi32>
      %jit3A_1327 = arith.constant -1 : i32
      %broadcast_in_dim3A_1328 = vector.broadcast %jit3A_1327 : i32 to vector<16xi32>
      %select_n3A_1329 = arith.select %ge3A_1323, %add3A_1326, %broadcast_in_dim3A_1328 : vector<16xi1>, vector<16xi32>
      %swap3A_1330 = arith.index_cast %scan3A_1184 : i32 to index
      %swap3A_1331 = arith.constant 80 : index
      %swap3A_1332 = tpu.vector_load %arg12[%swap3A_1330, %swap3A_1331] {strides = array<i32>} : memref<25x128xi32, #tpu.memory_space<vmem>>, vector<16xi32>,
      tpu.vector_store %arg12[%swap3A_1330, %swap3A_1331], %select_n3A_1329 {strides = array<i32>} : memref<25x128xi32, #tpu.memory_space<vmem>>, vector<16xi32>,
      %max3A_1333 = arith.constant 0 : i32
      %max3A_1334 = vector.broadcast %max3A_1333 : i32 to vector<16xi32>
      %max3A_1335 = arith.maxsi %get3A_1320, %max3A_1334 : vector<16xi32>
      %gather3A_1336 = tpu.vector_load_idx %arg10[%max3A_1335] : memref<16384xf32, #tpu.memory_space<vmem>>[vector<16xi32>], vector<16xf32>,
      %get3A_1337 = arith.index_cast %add3A_1318 : i32 to index
      %get3A_1338 = tpu.vector_load %arg13[%get3A_1337] {strides = array<i32>} : memref<3200xf32, #tpu.memory_space<vmem>>, vector<16xf32>,
      %select_n3A_1339 = arith.select %ge3A_1323, %gather3A_1336, %get3A_1338 : vector<16xi1>, vector<16xf32>
      %swap3A_1340 = arith.index_cast %add3A_1318 : i32 to index
      %swap3A_1341 = tpu.vector_load %arg14[%swap3A_1340] {strides = array<i32>} : memref<3200xf32, #tpu.memory_space<vmem>>, vector<16xf32>,
      tpu.vector_store %arg14[%swap3A_1340], %select_n3A_1339 {strides = array<i32>} : memref<3200xf32, #tpu.memory_space<vmem>>, vector<16xf32>,
      %mul3A_1342 = arith.constant 128 : i32
      %mul3A_1343 = arith.muli %scan3A_1184, %mul3A_1342 : i32
      %add3A_1344 = arith.constant 96 : i32
      %add3A_1345 = arith.addi %mul3A_1343, %add3A_1344 : i32
      %get3A_1346 = arith.index_cast %add3A_1345 : i32 to index
      %get3A_1347 = tpu.vector_load %arg11[%get3A_1346] {strides = array<i32>} : memref<3200xi32, #tpu.memory_space<vmem>>, vector<16xi32>,
      %ge3A_1348 = arith.constant 0 : i32
      %ge3A_1349 = vector.broadcast %ge3A_1348 : i32 to vector<16xi32>
      %ge3A_1350 = arith.cmpi sge, %get3A_1347, %ge3A_1349 : vector<16xi32>
      %add3A_1351 = arith.addi %mul3A_3, %add3A_1345 : i32
      %add3A_1352 = vector.broadcast %add3A_1351 : i32 to vector<16xi32>
      %add3A_1353 = arith.addi %add3A_1352, %iota3A : vector<16xi32>
      %jit3A_1354 = arith.constant -1 : i32
      %broadcast_in_dim3A_1355 = vector.broadcast %jit3A_1354 : i32 to vector<16xi32>
      %select_n3A_1356 = arith.select %ge3A_1350, %add3A_1353, %broadcast_in_dim3A_1355 : vector<16xi1>, vector<16xi32>
      %swap3A_1357 = arith.index_cast %scan3A_1184 : i32 to index
      %swap3A_1358 = arith.constant 96 : index
      %swap3A_1359 = tpu.vector_load %arg12[%swap3A_1357, %swap3A_1358] {strides = array<i32>} : memref<25x128xi32, #tpu.memory_space<vmem>>, vector<16xi32>,
      tpu.vector_store %arg12[%swap3A_1357, %swap3A_1358], %select_n3A_1356 {strides = array<i32>} : memref<25x128xi32, #tpu.memory_space<vmem>>, vector<16xi32>,
      %max3A_1360 = arith.constant 0 : i32
      %max3A_1361 = vector.broadcast %max3A_1360 : i32 to vector<16xi32>
      %max3A_1362 = arith.maxsi %get3A_1347, %max3A_1361 : vector<16xi32>
      %gather3A_1363 = tpu.vector_load_idx %arg10[%max3A_1362] : memref<16384xf32, #tpu.memory_space<vmem>>[vector<16xi32>], vector<16xf32>,
      %get3A_1364 = arith.index_cast %add3A_1345 : i32 to index
      %get3A_1365 = tpu.vector_load %arg13[%get3A_1364] {strides = array<i32>} : memref<3200xf32, #tpu.memory_space<vmem>>, vector<16xf32>,
      %select_n3A_1366 = arith.select %ge3A_1350, %gather3A_1363, %get3A_1365 : vector<16xi1>, vector<16xf32>
      %swap3A_1367 = arith.index_cast %add3A_1345 : i32 to index
      %swap3A_1368 = tpu.vector_load %arg14[%swap3A_1367] {strides = array<i32>} : memref<3200xf32, #tpu.memory_space<vmem>>, vector<16xf32>,
      tpu.vector_store %arg14[%swap3A_1367], %select_n3A_1366 {strides = array<i32>} : memref<3200xf32, #tpu.memory_space<vmem>>, vector<16xf32>,
      %mul3A_1369 = arith.constant 128 : i32
      %mul3A_1370 = arith.muli %scan3A_1184, %mul3A_1369 : i32
      %add3A_1371 = arith.constant 112 : i32
      %add3A_1372 = arith.addi %mul3A_1370, %add3A_1371 : i32
      %get3A_1373 = arith.index_cast %add3A_1372 : i32 to index
      %get3A_1374 = tpu.vector_load %arg11[%get3A_1373] {strides = array<i32>} : memref<3200xi32, #tpu.memory_space<vmem>>, vector<16xi32>,
      %ge3A_1375 = arith.constant 0 : i32
      %ge3A_1376 = vector.broadcast %ge3A_1375 : i32 to vector<16xi32>
      %ge3A_1377 = arith.cmpi sge, %get3A_1374, %ge3A_1376 : vector<16xi32>
      %add3A_1378 = arith.addi %mul3A_3, %add3A_1372 : i32
      %add3A_1379 = vector.broadcast %add3A_1378 : i32 to vector<16xi32>
      %add3A_1380 = arith.addi %add3A_1379, %iota3A : vector<16xi32>
      %jit3A_1381 = arith.constant -1 : i32
      %broadcast_in_dim3A_1382 = vector.broadcast %jit3A_1381 : i32 to vector<16xi32>
      %select_n3A_1383 = arith.select %ge3A_1377, %add3A_1380, %broadcast_in_dim3A_1382 : vector<16xi1>, vector<16xi32>
      %swap3A_1384 = arith.index_cast %scan3A_1184 : i32 to index
      %swap3A_1385 = arith.constant 112 : index
      %swap3A_1386 = tpu.vector_load %arg12[%swap3A_1384, %swap3A_1385] {strides = array<i32>} : memref<25x128xi32, #tpu.memory_space<vmem>>, vector<16xi32>,
      tpu.vector_store %arg12[%swap3A_1384, %swap3A_1385], %select_n3A_1383 {strides = array<i32>} : memref<25x128xi32, #tpu.memory_space<vmem>>, vector<16xi32>,
      %max3A_1387 = arith.constant 0 : i32
      %max3A_1388 = vector.broadcast %max3A_1387 : i32 to vector<16xi32>
      %max3A_1389 = arith.maxsi %get3A_1374, %max3A_1388 : vector<16xi32>
      %gather3A_1390 = tpu.vector_load_idx %arg10[%max3A_1389] : memref<16384xf32, #tpu.memory_space<vmem>>[vector<16xi32>], vector<16xf32>,
      %get3A_1391 = arith.index_cast %add3A_1372 : i32 to index
      %get3A_1392 = tpu.vector_load %arg13[%get3A_1391] {strides = array<i32>} : memref<3200xf32, #tpu.memory_space<vmem>>, vector<16xf32>,
      %select_n3A_1393 = arith.select %ge3A_1377, %gather3A_1390, %get3A_1392 : vector<16xi1>, vector<16xf32>
      %swap3A_1394 = arith.index_cast %add3A_1372 : i32 to index
      %swap3A_1395 = tpu.vector_load %arg14[%swap3A_1394] {strides = array<i32>} : memref<3200xf32, #tpu.memory_space<vmem>>, vector<16xf32>,
      tpu.vector_store %arg14[%swap3A_1394], %select_n3A_1393 {strides = array<i32>} : memref<3200xf32, #tpu.memory_space<vmem>>, vector<16xf32>,
    }
    %scan3A_27 = arith.constant 25 : i32
    %not3A_28 = arith.constant true
    %not3A_29 = arith.xori %eq3A_1, %not3A_28 : i1
    %convert_element_type3A_30 = arith.extui %not3A_29 : i1 to i32
    %cond3A_31 = arith.constant 0 : i32
    %cond3A_32 = arith.cmpi ne, %convert_element_type3A_30, %cond3A_31 : i32
    scf.if %cond3A_32 {
      "tpu.region"() ({
        %run_scoped3A = tpu.sem_alloc : memref<!tpu.dma_semaphore, #tpu.memory_space<semaphore_mem>>
        %dma_start3A_1184 = arith.constant 0 : i32
        %dma_start3A_1185 = tpu.memref_slice %arg14[%dma_start3A_1184] : memref<3200xf32, #tpu.memory_space<vmem>> -> memref<3128xf32, #tpu.memory_space<vmem>>
        %dma_start3A_1186 = tpu.memref_slice %arg7[%mul3A_3] : memref<100000xf32, #tpu.memory_space<hbm>> -> memref<3128xf32, #tpu.memory_space<hbm>>
        %dma_start3A_1187 = tpu.memref_slice %arg7[%mul3A_3] : memref<100000xf32, #tpu.memory_space<hbm>> -> memref<3128xf32, #tpu.memory_space<hbm>>
        %dma_start3A_1188 = arith.constant 0 : i32
        %dma_start3A_1189 = tpu.memref_slice %arg14[%dma_start3A_1188] : memref<3200xf32, #tpu.memory_space<vmem>> -> memref<3128xf32, #tpu.memory_space<vmem>>
        tpu.enqueue_dma source(%dma_start3A_1189 : memref<3128xf32, #tpu.memory_space<vmem>>) target(%dma_start3A_1187 : memref<3128xf32, #tpu.memory_space<hbm>>) target_semaphore(%run_scoped3A : memref<!tpu.dma_semaphore, #tpu.memory_space<semaphore_mem>>)
        %dma_wait3A_1190 = arith.constant 0 : i32
        %dma_wait3A_1191 = tpu.memref_slice %arg14[%dma_wait3A_1190] : memref<3200xf32, #tpu.memory_space<vmem>> -> memref<3128xf32, #tpu.memory_space<vmem>>
        %dma_wait3A_1192 = tpu.memref_slice %arg7[%mul3A_3] : memref<100000xf32, #tpu.memory_space<hbm>> -> memref<3128xf32, #tpu.memory_space<hbm>>
        %dma_wait3A_1193 = tpu.memref_slice %arg7[%mul3A_3] : memref<100000xf32, #tpu.memory_space<hbm>> -> memref<3128xf32, #tpu.memory_space<hbm>>
        %dma_wait3A_1194 = arith.constant 0 : i32
        %dma_wait3A_1195 = tpu.memref_slice %arg14[%dma_wait3A_1194] : memref<3200xf32, #tpu.memory_space<vmem>> -> memref<3128xf32, #tpu.memory_space<vmem>>
        tpu.wait_dma2 semaphore(%run_scoped3A : memref<!tpu.dma_semaphore, #tpu.memory_space<semaphore_mem>>) src(%dma_wait3A_1195 : memref<3128xf32, #tpu.memory_space<vmem>>) dst(%dma_wait3A_1193 : memref<3128xf32, #tpu.memory_space<hbm>>)
        tpu.yield
      }) : () -> ()
    } else {
    }
    %convert_element_type3A_33 = arith.extui %eq3A_1 : i1 to i32
    %cond3A_34 = arith.constant 0 : i32
    %cond3A_35 = arith.cmpi ne, %convert_element_type3A_33, %cond3A_34 : i32
    scf.if %cond3A_35 {
      "tpu.region"() ({
        %run_scoped3A = tpu.sem_alloc : memref<!tpu.dma_semaphore, #tpu.memory_space<semaphore_mem>>
        %dma_start3A_1184 = arith.constant 0 : i32
        %dma_start3A_1185 = tpu.memref_slice %arg14[%dma_start3A_1184] : memref<3200xf32, #tpu.memory_space<vmem>> -> memref<3032xf32, #tpu.memory_space<vmem>>
        %dma_start3A_1186 = tpu.memref_slice %arg7[%mul3A_3] : memref<100000xf32, #tpu.memory_space<hbm>> -> memref<3032xf32, #tpu.memory_space<hbm>>
        %dma_start3A_1187 = tpu.memref_slice %arg7[%mul3A_3] : memref<100000xf32, #tpu.memory_space<hbm>> -> memref<3032xf32, #tpu.memory_space<hbm>>
        %dma_start3A_1188 = arith.constant 0 : i32
        %dma_start3A_1189 = tpu.memref_slice %arg14[%dma_start3A_1188] : memref<3200xf32, #tpu.memory_space<vmem>> -> memref<3032xf32, #tpu.memory_space<vmem>>
        tpu.enqueue_dma source(%dma_start3A_1189 : memref<3032xf32, #tpu.memory_space<vmem>>) target(%dma_start3A_1187 : memref<3032xf32, #tpu.memory_space<hbm>>) target_semaphore(%run_scoped3A : memref<!tpu.dma_semaphore, #tpu.memory_space<semaphore_mem>>)
        %dma_wait3A_1190 = arith.constant 0 : i32
        %dma_wait3A_1191 = tpu.memref_slice %arg14[%dma_wait3A_1190] : memref<3200xf32, #tpu.memory_space<vmem>> -> memref<3032xf32, #tpu.memory_space<vmem>>
        %dma_wait3A_1192 = tpu.memref_slice %arg7[%mul3A_3] : memref<100000xf32, #tpu.memory_space<hbm>> -> memref<3032xf32, #tpu.memory_space<hbm>>
        %dma_wait3A_1193 = tpu.memref_slice %arg7[%mul3A_3] : memref<100000xf32, #tpu.memory_space<hbm>> -> memref<3032xf32, #tpu.memory_space<hbm>>
        %dma_wait3A_1194 = arith.constant 0 : i32
        %dma_wait3A_1195 = tpu.memref_slice %arg14[%dma_wait3A_1194] : memref<3200xf32, #tpu.memory_space<vmem>> -> memref<3032xf32, #tpu.memory_space<vmem>>
        tpu.wait_dma2 semaphore(%run_scoped3A : memref<!tpu.dma_semaphore, #tpu.memory_space<semaphore_mem>>) src(%dma_wait3A_1195 : memref<3032xf32, #tpu.memory_space<vmem>>) dst(%dma_wait3A_1193 : memref<3032xf32, #tpu.memory_space<hbm>>)
        tpu.yield
      }) : () -> ()
    } else {
    }
    %dma_start3A = arith.constant 0 : i32
    %dma_start3A_36 = arith.constant 0 : i32
    %dma_start3A_37 = arith.constant 0 : i32
    %dma_start3A_38 = tpu.memref_slice %arg15[%dma_start3A, %dma_start3A_36, %dma_start3A_37] : memref<3x128x64xf32, #tpu.memory_space<vmem>> -> memref<1x128x64xf32, #tpu.memory_space<vmem>>
    %dma_start3A_39 = tpu.memref_squeeze %dma_start3A_38 : memref<1x128x64xf32, #tpu.memory_space<vmem>> -> memref<128x64xf32, #tpu.memory_space<vmem>>
    %dma_start3A_40 = arith.constant 0 : i32
    %dma_start3A_41 = tpu.memref_slice %arg11[%dma_start3A_40] : memref<3200xi32, #tpu.memory_space<vmem>> -> memref<128xi32, #tpu.memory_space<vmem>>
    %dma_start3A_42 = arith.constant 0 : i32
    %dma_start3A_43 = arith.constant 0 : i32
    %dma_start3A_44 = tpu.memref_slice %arg5[%dma_start3A_42, %dma_start3A_43] : memref<16384x64xf32, #tpu.memory_space<hbm>> -> memref<16384x64xf32, #tpu.memory_space<hbm>>
    %dma_start3A_45 = arith.constant -1 : i32
    tpu.enqueue_indirect_dma source(%dma_start3A_44 : memref<16384x64xf32, #tpu.memory_space<hbm>>) target(%dma_start3A_39 : memref<128x64xf32, #tpu.memory_space<vmem>>) offsets(%dma_start3A_41 : memref<128xi32, #tpu.memory_space<vmem>>) offset_filter(%dma_start3A_45) semaphore(%arg16 : memref<!tpu.dma_semaphore, #tpu.memory_space<semaphore_mem>>)
    %dma_start3A_46 = arith.constant 1 : i32
    %dma_start3A_47 = arith.constant 0 : i32
    %dma_start3A_48 = arith.constant 0 : i32
    %dma_start3A_49 = tpu.memref_slice %arg15[%dma_start3A_46, %dma_start3A_47, %dma_start3A_48] : memref<3x128x64xf32, #tpu.memory_space<vmem>> -> memref<1x128x64xf32, #tpu.memory_space<vmem>>
    %dma_start3A_50 = tpu.memref_squeeze %dma_start3A_49 : memref<1x128x64xf32, #tpu.memory_space<vmem>> -> memref<128x64xf32, #tpu.memory_space<vmem>>
    %dma_start3A_51 = arith.constant 128 : i32
    %dma_start3A_52 = tpu.memref_slice %arg11[%dma_start3A_51] : memref<3200xi32, #tpu.memory_space<vmem>> -> memref<128xi32, #tpu.memory_space<vmem>>
    %dma_start3A_53 = arith.constant 0 : i32
    %dma_start3A_54 = arith.constant 0 : i32
    %dma_start3A_55 = tpu.memref_slice %arg5[%dma_start3A_53, %dma_start3A_54] : memref<16384x64xf32, #tpu.memory_space<hbm>> -> memref<16384x64xf32, #tpu.memory_space<hbm>>
    %dma_start3A_56 = arith.constant -1 : i32
    tpu.enqueue_indirect_dma source(%dma_start3A_55 : memref<16384x64xf32, #tpu.memory_space<hbm>>) target(%dma_start3A_50 : memref<128x64xf32, #tpu.memory_space<vmem>>) offsets(%dma_start3A_52 : memref<128xi32, #tpu.memory_space<vmem>>) offset_filter(%dma_start3A_56) semaphore(%arg16 : memref<!tpu.dma_semaphore, #tpu.memory_space<semaphore_mem>>)
    %dma_wait3A = arith.constant 0 : i32
    %dma_wait3A_57 = arith.constant 0 : i32
    %dma_wait3A_58 = arith.constant 0 : i32
    %dma_wait3A_59 = tpu.memref_slice %arg15[%dma_wait3A, %dma_wait3A_57, %dma_wait3A_58] : memref<3x128x64xf32, #tpu.memory_space<vmem>> -> memref<1x128x64xf32, #tpu.memory_space<vmem>>
    %dma_wait3A_60 = tpu.memref_squeeze %dma_wait3A_59 : memref<1x128x64xf32, #tpu.memory_space<vmem>> -> memref<128x64xf32, #tpu.memory_space<vmem>>
    %dma_wait3A_61 = arith.constant 0 : i32
    %dma_wait3A_62 = tpu.memref_slice %arg11[%dma_wait3A_61] : memref<3200xi32, #tpu.memory_space<vmem>> -> memref<128xi32, #tpu.memory_space<vmem>>
    %dma_wait3A_63 = arith.constant 0 : i32
    %dma_wait3A_64 = arith.constant 0 : i32
    %dma_wait3A_65 = tpu.memref_slice %arg5[%dma_wait3A_63, %dma_wait3A_64] : memref<16384x64xf32, #tpu.memory_space<hbm>> -> memref<16384x64xf32, #tpu.memory_space<hbm>>
    tpu.wait_indirect_dma semaphore(%arg16 : memref<!tpu.dma_semaphore, #tpu.memory_space<semaphore_mem>>) src(%dma_wait3A_65 : memref<16384x64xf32, #tpu.memory_space<hbm>>) dst(%dma_wait3A_60 : memref<128x64xf32, #tpu.memory_space<vmem>>)
    %dma_start3A_66 = arith.constant 0 : i32
    %dma_start3A_67 = arith.constant 0 : i32
    %dma_start3A_68 = arith.constant 0 : i32
    %dma_start3A_69 = arith.constant 0 : i32
    %dma_start3A_70 = tpu.memref_slice %arg15[%dma_start3A_66, %dma_start3A_68, %dma_start3A_69] : memref<3x128x64xf32, #tpu.memory_space<vmem>> -> memref<1x128x64xf32, #tpu.memory_space<vmem>>
    %dma_start3A_71 = tpu.memref_squeeze %dma_start3A_70 : memref<1x128x64xf32, #tpu.memory_space<vmem>> -> memref<128x64xf32, #tpu.memory_space<vmem>>
    %dma_start3A_72 = arith.constant 0 : i32
    %dma_start3A_73 = tpu.memref_slice %arg12[%dma_start3A_67, %dma_start3A_72] : memref<25x128xi32, #tpu.memory_space<vmem>> -> memref<1x128xi32, #tpu.memory_space<vmem>>
    %dma_start3A_74 = tpu.memref_squeeze %dma_start3A_73 : memref<1x128xi32, #tpu.memory_space<vmem>> -> memref<128xi32, #tpu.memory_space<vmem>>
    %dma_start3A_75 = arith.constant 0 : i32
    %dma_start3A_76 = arith.constant 0 : i32
    %dma_start3A_77 = tpu.memref_slice %arg6[%dma_start3A_75, %dma_start3A_76] : memref<100000x64xf32, #tpu.memory_space<hbm>> -> memref<100000x64xf32, #tpu.memory_space<hbm>>
    %dma_start3A_78 = arith.constant -1 : i32
    tpu.enqueue_indirect_dma source(%dma_start3A_71 : memref<128x64xf32, #tpu.memory_space<vmem>>) target(%dma_start3A_77 : memref<100000x64xf32, #tpu.memory_space<hbm>>) offsets(%dma_start3A_74 : memref<128xi32, #tpu.memory_space<vmem>>) offset_filter(%dma_start3A_78) semaphore(%arg17 : memref<!tpu.dma_semaphore, #tpu.memory_space<semaphore_mem>>)
    %dma_start3A_79 = arith.constant 2 : i32
    %dma_start3A_80 = arith.constant 0 : i32
    %dma_start3A_81 = arith.constant 0 : i32
    %dma_start3A_82 = tpu.memref_slice %arg15[%dma_start3A_79, %dma_start3A_80, %dma_start3A_81] : memref<3x128x64xf32, #tpu.memory_space<vmem>> -> memref<1x128x64xf32, #tpu.memory_space<vmem>>
    %dma_start3A_83 = tpu.memref_squeeze %dma_start3A_82 : memref<1x128x64xf32, #tpu.memory_space<vmem>> -> memref<128x64xf32, #tpu.memory_space<vmem>>
    %dma_start3A_84 = arith.constant 256 : i32
    %dma_start3A_85 = tpu.memref_slice %arg11[%dma_start3A_84] : memref<3200xi32, #tpu.memory_space<vmem>> -> memref<128xi32, #tpu.memory_space<vmem>>
    %dma_start3A_86 = arith.constant 0 : i32
    %dma_start3A_87 = arith.constant 0 : i32
    %dma_start3A_88 = tpu.memref_slice %arg5[%dma_start3A_86, %dma_start3A_87] : memref<16384x64xf32, #tpu.memory_space<hbm>> -> memref<16384x64xf32, #tpu.memory_space<hbm>>
    %dma_start3A_89 = arith.constant -1 : i32
    tpu.enqueue_indirect_dma source(%dma_start3A_88 : memref<16384x64xf32, #tpu.memory_space<hbm>>) target(%dma_start3A_83 : memref<128x64xf32, #tpu.memory_space<vmem>>) offsets(%dma_start3A_85 : memref<128xi32, #tpu.memory_space<vmem>>) offset_filter(%dma_start3A_89) semaphore(%arg16 : memref<!tpu.dma_semaphore, #tpu.memory_space<semaphore_mem>>)
    %dma_wait3A_90 = arith.constant 1 : i32
    %dma_wait3A_91 = arith.constant 0 : i32
    %dma_wait3A_92 = arith.constant 0 : i32
    %dma_wait3A_93 = tpu.memref_slice %arg15[%dma_wait3A_90, %dma_wait3A_91, %dma_wait3A_92] : memref<3x128x64xf32, #tpu.memory_space<vmem>> -> memref<1x128x64xf32, #tpu.memory_space<vmem>>
    %dma_wait3A_94 = tpu.memref_squeeze %dma_wait3A_93 : memref<1x128x64xf32, #tpu.memory_space<vmem>> -> memref<128x64xf32, #tpu.memory_space<vmem>>
    %dma_wait3A_95 = arith.constant 128 : i32
    %dma_wait3A_96 = tpu.memref_slice %arg11[%dma_wait3A_95] : memref<3200xi32, #tpu.memory_space<vmem>> -> memref<128xi32, #tpu.memory_space<vmem>>
    %dma_wait3A_97 = arith.constant 0 : i32
    %dma_wait3A_98 = arith.constant 0 : i32
    %dma_wait3A_99 = tpu.memref_slice %arg5[%dma_wait3A_97, %dma_wait3A_98] : memref<16384x64xf32, #tpu.memory_space<hbm>> -> memref<16384x64xf32, #tpu.memory_space<hbm>>
    tpu.wait_indirect_dma semaphore(%arg16 : memref<!tpu.dma_semaphore, #tpu.memory_space<semaphore_mem>>) src(%dma_wait3A_99 : memref<16384x64xf32, #tpu.memory_space<hbm>>) dst(%dma_wait3A_94 : memref<128x64xf32, #tpu.memory_space<vmem>>)
    %dma_start3A_100 = arith.constant 1 : i32
    %dma_start3A_101 = arith.constant 1 : i32
    %dma_start3A_102 = arith.constant 0 : i32
    %dma_start3A_103 = arith.constant 0 : i32
    %dma_start3A_104 = tpu.memref_slice %arg15[%dma_start3A_100, %dma_start3A_102, %dma_start3A_103] : memref<3x128x64xf32, #tpu.memory_space<vmem>> -> memref<1x128x64xf32, #tpu.memory_space<vmem>>
    %dma_start3A_105 = tpu.memref_squeeze %dma_start3A_104 : memref<1x128x64xf32, #tpu.memory_space<vmem>> -> memref<128x64xf32, #tpu.memory_space<vmem>>
    %dma_start3A_106 = arith.constant 0 : i32
    %dma_start3A_107 = tpu.memref_slice %arg12[%dma_start3A_101, %dma_start3A_106] : memref<25x128xi32, #tpu.memory_space<vmem>> -> memref<1x128xi32, #tpu.memory_space<vmem>>
    %dma_start3A_108 = tpu.memref_squeeze %dma_start3A_107 : memref<1x128xi32, #tpu.memory_space<vmem>> -> memref<128xi32, #tpu.memory_space<vmem>>
    %dma_start3A_109 = arith.constant 0 : i32
    %dma_start3A_110 = arith.constant 0 : i32
    %dma_start3A_111 = tpu.memref_slice %arg6[%dma_start3A_109, %dma_start3A_110] : memref<100000x64xf32, #tpu.memory_space<hbm>> -> memref<100000x64xf32, #tpu.memory_space<hbm>>
    %dma_start3A_112 = arith.constant -1 : i32
    tpu.enqueue_indirect_dma source(%dma_start3A_105 : memref<128x64xf32, #tpu.memory_space<vmem>>) target(%dma_start3A_111 : memref<100000x64xf32, #tpu.memory_space<hbm>>) offsets(%dma_start3A_108 : memref<128xi32, #tpu.memory_space<vmem>>) offset_filter(%dma_start3A_112) semaphore(%arg17 : memref<!tpu.dma_semaphore, #tpu.memory_space<semaphore_mem>>)
    %dma_wait3A_113 = arith.constant 0 : i32
    %dma_wait3A_114 = arith.constant 0 : i32
    %dma_wait3A_115 = arith.constant 0 : i32
    %dma_wait3A_116 = arith.constant 0 : i32
    %dma_wait3A_117 = tpu.memref_slice %arg15[%dma_wait3A_113, %dma_wait3A_115, %dma_wait3A_116] : memref<3x128x64xf32, #tpu.memory_space<vmem>> -> memref<1x128x64xf32, #tpu.memory_space<vmem>>
    %dma_wait3A_118 = tpu.memref_squeeze %dma_wait3A_117 : memref<1x128x64xf32, #tpu.memory_space<vmem>> -> memref<128x64xf32, #tpu.memory_space<vmem>>
    %dma_wait3A_119 = arith.constant 0 : i32
    %dma_wait3A_120 = tpu.memref_slice %arg12[%dma_wait3A_114, %dma_wait3A_119] : memref<25x128xi32, #tpu.memory_space<vmem>> -> memref<1x128xi32, #tpu.memory_space<vmem>>
    %dma_wait3A_121 = tpu.memref_squeeze %dma_wait3A_120 : memref<1x128xi32, #tpu.memory_space<vmem>> -> memref<128xi32, #tpu.memory_space<vmem>>
    %dma_wait3A_122 = arith.constant 0 : i32
    %dma_wait3A_123 = arith.constant 0 : i32
    %dma_wait3A_124 = tpu.memref_slice %arg6[%dma_wait3A_122, %dma_wait3A_123] : memref<100000x64xf32, #tpu.memory_space<hbm>> -> memref<100000x64xf32, #tpu.memory_space<hbm>>
    tpu.wait_indirect_dma semaphore(%arg17 : memref<!tpu.dma_semaphore, #tpu.memory_space<semaphore_mem>>) src(%dma_wait3A_118 : memref<128x64xf32, #tpu.memory_space<vmem>>) dst(%dma_wait3A_124 : memref<100000x64xf32, #tpu.memory_space<hbm>>)
    %dma_start3A_125 = arith.constant 0 : i32
    %dma_start3A_126 = arith.constant 0 : i32
    %dma_start3A_127 = arith.constant 0 : i32
    %dma_start3A_128 = tpu.memref_slice %arg15[%dma_start3A_125, %dma_start3A_126, %dma_start3A_127] : memref<3x128x64xf32, #tpu.memory_space<vmem>> -> memref<1x128x64xf32, #tpu.memory_space<vmem>>
    %dma_start3A_129 = tpu.memref_squeeze %dma_start3A_128 : memref<1x128x64xf32, #tpu.memory_space<vmem>> -> memref<128x64xf32, #tpu.memory_space<vmem>>
    %dma_start3A_130 = arith.constant 384 : i32
    %dma_start3A_131 = tpu.memref_slice %arg11[%dma_start3A_130] : memref<3200xi32, #tpu.memory_space<vmem>> -> memref<128xi32, #tpu.memory_space<vmem>>
    %dma_start3A_132 = arith.constant 0 : i32
    %dma_start3A_133 = arith.constant 0 : i32
    %dma_start3A_134 = tpu.memref_slice %arg5[%dma_start3A_132, %dma_start3A_133] : memref<16384x64xf32, #tpu.memory_space<hbm>> -> memref<16384x64xf32, #tpu.memory_space<hbm>>
    %dma_start3A_135 = arith.constant -1 : i32
    tpu.enqueue_indirect_dma source(%dma_start3A_134 : memref<16384x64xf32, #tpu.memory_space<hbm>>) target(%dma_start3A_129 : memref<128x64xf32, #tpu.memory_space<vmem>>) offsets(%dma_start3A_131 : memref<128xi32, #tpu.memory_space<vmem>>) offset_filter(%dma_start3A_135) semaphore(%arg16 : memref<!tpu.dma_semaphore, #tpu.memory_space<semaphore_mem>>)
    %dma_wait3A_136 = arith.constant 2 : i32
    %dma_wait3A_137 = arith.constant 0 : i32
    %dma_wait3A_138 = arith.constant 0 : i32
    %dma_wait3A_139 = tpu.memref_slice %arg15[%dma_wait3A_136, %dma_wait3A_137, %dma_wait3A_138] : memref<3x128x64xf32, #tpu.memory_space<vmem>> -> memref<1x128x64xf32, #tpu.memory_space<vmem>>
    %dma_wait3A_140 = tpu.memref_squeeze %dma_wait3A_139 : memref<1x128x64xf32, #tpu.memory_space<vmem>> -> memref<128x64xf32, #tpu.memory_space<vmem>>
    %dma_wait3A_141 = arith.constant 256 : i32
    %dma_wait3A_142 = tpu.memref_slice %arg11[%dma_wait3A_141] : memref<3200xi32, #tpu.memory_space<vmem>> -> memref<128xi32, #tpu.memory_space<vmem>>
    %dma_wait3A_143 = arith.constant 0 : i32
    %dma_wait3A_144 = arith.constant 0 : i32
    %dma_wait3A_145 = tpu.memref_slice %arg5[%dma_wait3A_143, %dma_wait3A_144] : memref<16384x64xf32, #tpu.memory_space<hbm>> -> memref<16384x64xf32, #tpu.memory_space<hbm>>
    tpu.wait_indirect_dma semaphore(%arg16 : memref<!tpu.dma_semaphore, #tpu.memory_space<semaphore_mem>>) src(%dma_wait3A_145 : memref<16384x64xf32, #tpu.memory_space<hbm>>) dst(%dma_wait3A_140 : memref<128x64xf32, #tpu.memory_space<vmem>>)
    %dma_start3A_146 = arith.constant 2 : i32
    %dma_start3A_147 = arith.constant 2 : i32
    %dma_start3A_148 = arith.constant 0 : i32
    %dma_start3A_149 = arith.constant 0 : i32
    %dma_start3A_150 = tpu.memref_slice %arg15[%dma_start3A_146, %dma_start3A_148, %dma_start3A_149] : memref<3x128x64xf32, #tpu.memory_space<vmem>> -> memref<1x128x64xf32, #tpu.memory_space<vmem>>
    %dma_start3A_151 = tpu.memref_squeeze %dma_start3A_150 : memref<1x128x64xf32, #tpu.memory_space<vmem>> -> memref<128x64xf32, #tpu.memory_space<vmem>>
    %dma_start3A_152 = arith.constant 0 : i32
    %dma_start3A_153 = tpu.memref_slice %arg12[%dma_start3A_147, %dma_start3A_152] : memref<25x128xi32, #tpu.memory_space<vmem>> -> memref<1x128xi32, #tpu.memory_space<vmem>>
    %dma_start3A_154 = tpu.memref_squeeze %dma_start3A_153 : memref<1x128xi32, #tpu.memory_space<vmem>> -> memref<128xi32, #tpu.memory_space<vmem>>
    %dma_start3A_155 = arith.constant 0 : i32
    %dma_start3A_156 = arith.constant 0 : i32
    %dma_start3A_157 = tpu.memref_slice %arg6[%dma_start3A_155, %dma_start3A_156] : memref<100000x64xf32, #tpu.memory_space<hbm>> -> memref<100000x64xf32, #tpu.memory_space<hbm>>
    %dma_start3A_158 = arith.constant -1 : i32
    tpu.enqueue_indirect_dma source(%dma_start3A_151 : memref<128x64xf32, #tpu.memory_space<vmem>>) target(%dma_start3A_157 : memref<100000x64xf32, #tpu.memory_space<hbm>>) offsets(%dma_start3A_154 : memref<128xi32, #tpu.memory_space<vmem>>) offset_filter(%dma_start3A_158) semaphore(%arg17 : memref<!tpu.dma_semaphore, #tpu.memory_space<semaphore_mem>>)
    %dma_wait3A_159 = arith.constant 1 : i32
    %dma_wait3A_160 = arith.constant 1 : i32
    %dma_wait3A_161 = arith.constant 0 : i32
    %dma_wait3A_162 = arith.constant 0 : i32
    %dma_wait3A_163 = tpu.memref_slice %arg15[%dma_wait3A_159, %dma_wait3A_161, %dma_wait3A_162] : memref<3x128x64xf32, #tpu.memory_space<vmem>> -> memref<1x128x64xf32, #tpu.memory_space<vmem>>
    %dma_wait3A_164 = tpu.memref_squeeze %dma_wait3A_163 : memref<1x128x64xf32, #tpu.memory_space<vmem>> -> memref<128x64xf32, #tpu.memory_space<vmem>>
    %dma_wait3A_165 = arith.constant 0 : i32
    %dma_wait3A_166 = tpu.memref_slice %arg12[%dma_wait3A_160, %dma_wait3A_165] : memref<25x128xi32, #tpu.memory_space<vmem>> -> memref<1x128xi32, #tpu.memory_space<vmem>>
    %dma_wait3A_167 = tpu.memref_squeeze %dma_wait3A_166 : memref<1x128xi32, #tpu.memory_space<vmem>> -> memref<128xi32, #tpu.memory_space<vmem>>
    %dma_wait3A_168 = arith.constant 0 : i32
    %dma_wait3A_169 = arith.constant 0 : i32
    %dma_wait3A_170 = tpu.memref_slice %arg6[%dma_wait3A_168, %dma_wait3A_169] : memref<100000x64xf32, #tpu.memory_space<hbm>> -> memref<100000x64xf32, #tpu.memory_space<hbm>>
    tpu.wait_indirect_dma semaphore(%arg17 : memref<!tpu.dma_semaphore, #tpu.memory_space<semaphore_mem>>) src(%dma_wait3A_164 : memref<128x64xf32, #tpu.memory_space<vmem>>) dst(%dma_wait3A_170 : memref<100000x64xf32, #tpu.memory_space<hbm>>)
    %dma_start3A_171 = arith.constant 1 : i32
    %dma_start3A_172 = arith.constant 0 : i32
    %dma_start3A_173 = arith.constant 0 : i32
    %dma_start3A_174 = tpu.memref_slice %arg15[%dma_start3A_171, %dma_start3A_172, %dma_start3A_173] : memref<3x128x64xf32, #tpu.memory_space<vmem>> -> memref<1x128x64xf32, #tpu.memory_space<vmem>>
    %dma_start3A_175 = tpu.memref_squeeze %dma_start3A_174 : memref<1x128x64xf32, #tpu.memory_space<vmem>> -> memref<128x64xf32, #tpu.memory_space<vmem>>
    %dma_start3A_176 = arith.constant 512 : i32
    %dma_start3A_177 = tpu.memref_slice %arg11[%dma_start3A_176] : memref<3200xi32, #tpu.memory_space<vmem>> -> memref<128xi32, #tpu.memory_space<vmem>>
    %dma_start3A_178 = arith.constant 0 : i32
    %dma_start3A_179 = arith.constant 0 : i32
    %dma_start3A_180 = tpu.memref_slice %arg5[%dma_start3A_178, %dma_start3A_179] : memref<16384x64xf32, #tpu.memory_space<hbm>> -> memref<16384x64xf32, #tpu.memory_space<hbm>>
    %dma_start3A_181 = arith.constant -1 : i32
    tpu.enqueue_indirect_dma source(%dma_start3A_180 : memref<16384x64xf32, #tpu.memory_space<hbm>>) target(%dma_start3A_175 : memref<128x64xf32, #tpu.memory_space<vmem>>) offsets(%dma_start3A_177 : memref<128xi32, #tpu.memory_space<vmem>>) offset_filter(%dma_start3A_181) semaphore(%arg16 : memref<!tpu.dma_semaphore, #tpu.memory_space<semaphore_mem>>)
    %dma_wait3A_182 = arith.constant 0 : i32
    %dma_wait3A_183 = arith.constant 0 : i32
    %dma_wait3A_184 = arith.constant 0 : i32
    %dma_wait3A_185 = tpu.memref_slice %arg15[%dma_wait3A_182, %dma_wait3A_183, %dma_wait3A_184] : memref<3x128x64xf32, #tpu.memory_space<vmem>> -> memref<1x128x64xf32, #tpu.memory_space<vmem>>
    %dma_wait3A_186 = tpu.memref_squeeze %dma_wait3A_185 : memref<1x128x64xf32, #tpu.memory_space<vmem>> -> memref<128x64xf32, #tpu.memory_space<vmem>>
    %dma_wait3A_187 = arith.constant 384 : i32
    %dma_wait3A_188 = tpu.memref_slice %arg11[%dma_wait3A_187] : memref<3200xi32, #tpu.memory_space<vmem>> -> memref<128xi32, #tpu.memory_space<vmem>>
    %dma_wait3A_189 = arith.constant 0 : i32
    %dma_wait3A_190 = arith.constant 0 : i32
    %dma_wait3A_191 = tpu.memref_slice %arg5[%dma_wait3A_189, %dma_wait3A_190] : memref<16384x64xf32, #tpu.memory_space<hbm>> -> memref<16384x64xf32, #tpu.memory_space<hbm>>
    tpu.wait_indirect_dma semaphore(%arg16 : memref<!tpu.dma_semaphore, #tpu.memory_space<semaphore_mem>>) src(%dma_wait3A_191 : memref<16384x64xf32, #tpu.memory_space<hbm>>) dst(%dma_wait3A_186 : memref<128x64xf32, #tpu.memory_space<vmem>>)
    %dma_start3A_192 = arith.constant 0 : i32
    %dma_start3A_193 = arith.constant 3 : i32
    %dma_start3A_194 = arith.constant 0 : i32
    %dma_start3A_195 = arith.constant 0 : i32
    %dma_start3A_196 = tpu.memref_slice %arg15[%dma_start3A_192, %dma_start3A_194, %dma_start3A_195] : memref<3x128x64xf32, #tpu.memory_space<vmem>> -> memref<1x128x64xf32, #tpu.memory_space<vmem>>
    %dma_start3A_197 = tpu.memref_squeeze %dma_start3A_196 : memref<1x128x64xf32, #tpu.memory_space<vmem>> -> memref<128x64xf32, #tpu.memory_space<vmem>>
    %dma_start3A_198 = arith.constant 0 : i32
    %dma_start3A_199 = tpu.memref_slice %arg12[%dma_start3A_193, %dma_start3A_198] : memref<25x128xi32, #tpu.memory_space<vmem>> -> memref<1x128xi32, #tpu.memory_space<vmem>>
    %dma_start3A_200 = tpu.memref_squeeze %dma_start3A_199 : memref<1x128xi32, #tpu.memory_space<vmem>> -> memref<128xi32, #tpu.memory_space<vmem>>
    %dma_start3A_201 = arith.constant 0 : i32
    %dma_start3A_202 = arith.constant 0 : i32
    %dma_start3A_203 = tpu.memref_slice %arg6[%dma_start3A_201, %dma_start3A_202] : memref<100000x64xf32, #tpu.memory_space<hbm>> -> memref<100000x64xf32, #tpu.memory_space<hbm>>
    %dma_start3A_204 = arith.constant -1 : i32
    tpu.enqueue_indirect_dma source(%dma_start3A_197 : memref<128x64xf32, #tpu.memory_space<vmem>>) target(%dma_start3A_203 : memref<100000x64xf32, #tpu.memory_space<hbm>>) offsets(%dma_start3A_200 : memref<128xi32, #tpu.memory_space<vmem>>) offset_filter(%dma_start3A_204) semaphore(%arg17 : memref<!tpu.dma_semaphore, #tpu.memory_space<semaphore_mem>>)
    %dma_wait3A_205 = arith.constant 2 : i32
    %dma_wait3A_206 = arith.constant 2 : i32
    %dma_wait3A_207 = arith.constant 0 : i32
    %dma_wait3A_208 = arith.constant 0 : i32
    %dma_wait3A_209 = tpu.memref_slice %arg15[%dma_wait3A_205, %dma_wait3A_207, %dma_wait3A_208] : memref<3x128x64xf32, #tpu.memory_space<vmem>> -> memref<1x128x64xf32, #tpu.memory_space<vmem>>
    %dma_wait3A_210 = tpu.memref_squeeze %dma_wait3A_209 : memref<1x128x64xf32, #tpu.memory_space<vmem>> -> memref<128x64xf32, #tpu.memory_space<vmem>>
    %dma_wait3A_211 = arith.constant 0 : i32
    %dma_wait3A_212 = tpu.memref_slice %arg12[%dma_wait3A_206, %dma_wait3A_211] : memref<25x128xi32, #tpu.memory_space<vmem>> -> memref<1x128xi32, #tpu.memory_space<vmem>>
    %dma_wait3A_213 = tpu.memref_squeeze %dma_wait3A_212 : memref<1x128xi32, #tpu.memory_space<vmem>> -> memref<128xi32, #tpu.memory_space<vmem>>
    %dma_wait3A_214 = arith.constant 0 : i32
    %dma_wait3A_215 = arith.constant 0 : i32
    %dma_wait3A_216 = tpu.memref_slice %arg6[%dma_wait3A_214, %dma_wait3A_215] : memref<100000x64xf32, #tpu.memory_space<hbm>> -> memref<100000x64xf32, #tpu.memory_space<hbm>>
    tpu.wait_indirect_dma semaphore(%arg17 : memref<!tpu.dma_semaphore, #tpu.memory_space<semaphore_mem>>) src(%dma_wait3A_210 : memref<128x64xf32, #tpu.memory_space<vmem>>) dst(%dma_wait3A_216 : memref<100000x64xf32, #tpu.memory_space<hbm>>)
    %dma_start3A_217 = arith.constant 2 : i32
    %dma_start3A_218 = arith.constant 0 : i32
    %dma_start3A_219 = arith.constant 0 : i32
    %dma_start3A_220 = tpu.memref_slice %arg15[%dma_start3A_217, %dma_start3A_218, %dma_start3A_219] : memref<3x128x64xf32, #tpu.memory_space<vmem>> -> memref<1x128x64xf32, #tpu.memory_space<vmem>>
    %dma_start3A_221 = tpu.memref_squeeze %dma_start3A_220 : memref<1x128x64xf32, #tpu.memory_space<vmem>> -> memref<128x64xf32, #tpu.memory_space<vmem>>
    %dma_start3A_222 = arith.constant 640 : i32
    %dma_start3A_223 = tpu.memref_slice %arg11[%dma_start3A_222] : memref<3200xi32, #tpu.memory_space<vmem>> -> memref<128xi32, #tpu.memory_space<vmem>>
    %dma_start3A_224 = arith.constant 0 : i32
    %dma_start3A_225 = arith.constant 0 : i32
    %dma_start3A_226 = tpu.memref_slice %arg5[%dma_start3A_224, %dma_start3A_225] : memref<16384x64xf32, #tpu.memory_space<hbm>> -> memref<16384x64xf32, #tpu.memory_space<hbm>>
    %dma_start3A_227 = arith.constant -1 : i32
    tpu.enqueue_indirect_dma source(%dma_start3A_226 : memref<16384x64xf32, #tpu.memory_space<hbm>>) target(%dma_start3A_221 : memref<128x64xf32, #tpu.memory_space<vmem>>) offsets(%dma_start3A_223 : memref<128xi32, #tpu.memory_space<vmem>>) offset_filter(%dma_start3A_227) semaphore(%arg16 : memref<!tpu.dma_semaphore, #tpu.memory_space<semaphore_mem>>)
    %dma_wait3A_228 = arith.constant 1 : i32
    %dma_wait3A_229 = arith.constant 0 : i32
    %dma_wait3A_230 = arith.constant 0 : i32
    %dma_wait3A_231 = tpu.memref_slice %arg15[%dma_wait3A_228, %dma_wait3A_229, %dma_wait3A_230] : memref<3x128x64xf32, #tpu.memory_space<vmem>> -> memref<1x128x64xf32, #tpu.memory_space<vmem>>
    %dma_wait3A_232 = tpu.memref_squeeze %dma_wait3A_231 : memref<1x128x64xf32, #tpu.memory_space<vmem>> -> memref<128x64xf32, #tpu.memory_space<vmem>>
    %dma_wait3A_233 = arith.constant 512 : i32
    %dma_wait3A_234 = tpu.memref_slice %arg11[%dma_wait3A_233] : memref<3200xi32, #tpu.memory_space<vmem>> -> memref<128xi32, #tpu.memory_space<vmem>>
    %dma_wait3A_235 = arith.constant 0 : i32
    %dma_wait3A_236 = arith.constant 0 : i32
    %dma_wait3A_237 = tpu.memref_slice %arg5[%dma_wait3A_235, %dma_wait3A_236] : memref<16384x64xf32, #tpu.memory_space<hbm>> -> memref<16384x64xf32, #tpu.memory_space<hbm>>
    tpu.wait_indirect_dma semaphore(%arg16 : memref<!tpu.dma_semaphore, #tpu.memory_space<semaphore_mem>>) src(%dma_wait3A_237 : memref<16384x64xf32, #tpu.memory_space<hbm>>) dst(%dma_wait3A_232 : memref<128x64xf32, #tpu.memory_space<vmem>>)
    %dma_start3A_238 = arith.constant 1 : i32
    %dma_start3A_239 = arith.constant 4 : i32
    %dma_start3A_240 = arith.constant 0 : i32
    %dma_start3A_241 = arith.constant 0 : i32
    %dma_start3A_242 = tpu.memref_slice %arg15[%dma_start3A_238, %dma_start3A_240, %dma_start3A_241] : memref<3x128x64xf32, #tpu.memory_space<vmem>> -> memref<1x128x64xf32, #tpu.memory_space<vmem>>
    %dma_start3A_243 = tpu.memref_squeeze %dma_start3A_242 : memref<1x128x64xf32, #tpu.memory_space<vmem>> -> memref<128x64xf32, #tpu.memory_space<vmem>>
    %dma_start3A_244 = arith.constant 0 : i32
    %dma_start3A_245 = tpu.memref_slice %arg12[%dma_start3A_239, %dma_start3A_244] : memref<25x128xi32, #tpu.memory_space<vmem>> -> memref<1x128xi32, #tpu.memory_space<vmem>>
    %dma_start3A_246 = tpu.memref_squeeze %dma_start3A_245 : memref<1x128xi32, #tpu.memory_space<vmem>> -> memref<128xi32, #tpu.memory_space<vmem>>
    %dma_start3A_247 = arith.constant 0 : i32
    %dma_start3A_248 = arith.constant 0 : i32
    %dma_start3A_249 = tpu.memref_slice %arg6[%dma_start3A_247, %dma_start3A_248] : memref<100000x64xf32, #tpu.memory_space<hbm>> -> memref<100000x64xf32, #tpu.memory_space<hbm>>
    %dma_start3A_250 = arith.constant -1 : i32
    tpu.enqueue_indirect_dma source(%dma_start3A_243 : memref<128x64xf32, #tpu.memory_space<vmem>>) target(%dma_start3A_249 : memref<100000x64xf32, #tpu.memory_space<hbm>>) offsets(%dma_start3A_246 : memref<128xi32, #tpu.memory_space<vmem>>) offset_filter(%dma_start3A_250) semaphore(%arg17 : memref<!tpu.dma_semaphore, #tpu.memory_space<semaphore_mem>>)
    %dma_wait3A_251 = arith.constant 0 : i32
    %dma_wait3A_252 = arith.constant 3 : i32
    %dma_wait3A_253 = arith.constant 0 : i32
    %dma_wait3A_254 = arith.constant 0 : i32
    %dma_wait3A_255 = tpu.memref_slice %arg15[%dma_wait3A_251, %dma_wait3A_253, %dma_wait3A_254] : memref<3x128x64xf32, #tpu.memory_space<vmem>> -> memref<1x128x64xf32, #tpu.memory_space<vmem>>
    %dma_wait3A_256 = tpu.memref_squeeze %dma_wait3A_255 : memref<1x128x64xf32, #tpu.memory_space<vmem>> -> memref<128x64xf32, #tpu.memory_space<vmem>>
    %dma_wait3A_257 = arith.constant 0 : i32
    %dma_wait3A_258 = tpu.memref_slice %arg12[%dma_wait3A_252, %dma_wait3A_257] : memref<25x128xi32, #tpu.memory_space<vmem>> -> memref<1x128xi32, #tpu.memory_space<vmem>>
    %dma_wait3A_259 = tpu.memref_squeeze %dma_wait3A_258 : memref<1x128xi32, #tpu.memory_space<vmem>> -> memref<128xi32, #tpu.memory_space<vmem>>
    %dma_wait3A_260 = arith.constant 0 : i32
    %dma_wait3A_261 = arith.constant 0 : i32
    %dma_wait3A_262 = tpu.memref_slice %arg6[%dma_wait3A_260, %dma_wait3A_261] : memref<100000x64xf32, #tpu.memory_space<hbm>> -> memref<100000x64xf32, #tpu.memory_space<hbm>>
    tpu.wait_indirect_dma semaphore(%arg17 : memref<!tpu.dma_semaphore, #tpu.memory_space<semaphore_mem>>) src(%dma_wait3A_256 : memref<128x64xf32, #tpu.memory_space<vmem>>) dst(%dma_wait3A_262 : memref<100000x64xf32, #tpu.memory_space<hbm>>)
    %dma_start3A_263 = arith.constant 0 : i32
    %dma_start3A_264 = arith.constant 0 : i32
    %dma_start3A_265 = arith.constant 0 : i32
    %dma_start3A_266 = tpu.memref_slice %arg15[%dma_start3A_263, %dma_start3A_264, %dma_start3A_265] : memref<3x128x64xf32, #tpu.memory_space<vmem>> -> memref<1x128x64xf32, #tpu.memory_space<vmem>>
    %dma_start3A_267 = tpu.memref_squeeze %dma_start3A_266 : memref<1x128x64xf32, #tpu.memory_space<vmem>> -> memref<128x64xf32, #tpu.memory_space<vmem>>
    %dma_start3A_268 = arith.constant 768 : i32
    %dma_start3A_269 = tpu.memref_slice %arg11[%dma_start3A_268] : memref<3200xi32, #tpu.memory_space<vmem>> -> memref<128xi32, #tpu.memory_space<vmem>>
    %dma_start3A_270 = arith.constant 0 : i32
    %dma_start3A_271 = arith.constant 0 : i32
    %dma_start3A_272 = tpu.memref_slice %arg5[%dma_start3A_270, %dma_start3A_271] : memref<16384x64xf32, #tpu.memory_space<hbm>> -> memref<16384x64xf32, #tpu.memory_space<hbm>>
    %dma_start3A_273 = arith.constant -1 : i32
    tpu.enqueue_indirect_dma source(%dma_start3A_272 : memref<16384x64xf32, #tpu.memory_space<hbm>>) target(%dma_start3A_267 : memref<128x64xf32, #tpu.memory_space<vmem>>) offsets(%dma_start3A_269 : memref<128xi32, #tpu.memory_space<vmem>>) offset_filter(%dma_start3A_273) semaphore(%arg16 : memref<!tpu.dma_semaphore, #tpu.memory_space<semaphore_mem>>)
    %dma_wait3A_274 = arith.constant 2 : i32
    %dma_wait3A_275 = arith.constant 0 : i32
    %dma_wait3A_276 = arith.constant 0 : i32
    %dma_wait3A_277 = tpu.memref_slice %arg15[%dma_wait3A_274, %dma_wait3A_275, %dma_wait3A_276] : memref<3x128x64xf32, #tpu.memory_space<vmem>> -> memref<1x128x64xf32, #tpu.memory_space<vmem>>
    %dma_wait3A_278 = tpu.memref_squeeze %dma_wait3A_277 : memref<1x128x64xf32, #tpu.memory_space<vmem>> -> memref<128x64xf32, #tpu.memory_space<vmem>>
    %dma_wait3A_279 = arith.constant 640 : i32
    %dma_wait3A_280 = tpu.memref_slice %arg11[%dma_wait3A_279] : memref<3200xi32, #tpu.memory_space<vmem>> -> memref<128xi32, #tpu.memory_space<vmem>>
    %dma_wait3A_281 = arith.constant 0 : i32
    %dma_wait3A_282 = arith.constant 0 : i32
    %dma_wait3A_283 = tpu.memref_slice %arg5[%dma_wait3A_281, %dma_wait3A_282] : memref<16384x64xf32, #tpu.memory_space<hbm>> -> memref<16384x64xf32, #tpu.memory_space<hbm>>
    tpu.wait_indirect_dma semaphore(%arg16 : memref<!tpu.dma_semaphore, #tpu.memory_space<semaphore_mem>>) src(%dma_wait3A_283 : memref<16384x64xf32, #tpu.memory_space<hbm>>) dst(%dma_wait3A_278 : memref<128x64xf32, #tpu.memory_space<vmem>>)
    %dma_start3A_284 = arith.constant 2 : i32
    %dma_start3A_285 = arith.constant 5 : i32
    %dma_start3A_286 = arith.constant 0 : i32
    %dma_start3A_287 = arith.constant 0 : i32
    %dma_start3A_288 = tpu.memref_slice %arg15[%dma_start3A_284, %dma_start3A_286, %dma_start3A_287] : memref<3x128x64xf32, #tpu.memory_space<vmem>> -> memref<1x128x64xf32, #tpu.memory_space<vmem>>
    %dma_start3A_289 = tpu.memref_squeeze %dma_start3A_288 : memref<1x128x64xf32, #tpu.memory_space<vmem>> -> memref<128x64xf32, #tpu.memory_space<vmem>>
    %dma_start3A_290 = arith.constant 0 : i32
    %dma_start3A_291 = tpu.memref_slice %arg12[%dma_start3A_285, %dma_start3A_290] : memref<25x128xi32, #tpu.memory_space<vmem>> -> memref<1x128xi32, #tpu.memory_space<vmem>>
    %dma_start3A_292 = tpu.memref_squeeze %dma_start3A_291 : memref<1x128xi32, #tpu.memory_space<vmem>> -> memref<128xi32, #tpu.memory_space<vmem>>
    %dma_start3A_293 = arith.constant 0 : i32
    %dma_start3A_294 = arith.constant 0 : i32
    %dma_start3A_295 = tpu.memref_slice %arg6[%dma_start3A_293, %dma_start3A_294] : memref<100000x64xf32, #tpu.memory_space<hbm>> -> memref<100000x64xf32, #tpu.memory_space<hbm>>
    %dma_start3A_296 = arith.constant -1 : i32
    tpu.enqueue_indirect_dma source(%dma_start3A_289 : memref<128x64xf32, #tpu.memory_space<vmem>>) target(%dma_start3A_295 : memref<100000x64xf32, #tpu.memory_space<hbm>>) offsets(%dma_start3A_292 : memref<128xi32, #tpu.memory_space<vmem>>) offset_filter(%dma_start3A_296) semaphore(%arg17 : memref<!tpu.dma_semaphore, #tpu.memory_space<semaphore_mem>>)
    %dma_wait3A_297 = arith.constant 1 : i32
    %dma_wait3A_298 = arith.constant 4 : i32
    %dma_wait3A_299 = arith.constant 0 : i32
    %dma_wait3A_300 = arith.constant 0 : i32
    %dma_wait3A_301 = tpu.memref_slice %arg15[%dma_wait3A_297, %dma_wait3A_299, %dma_wait3A_300] : memref<3x128x64xf32, #tpu.memory_space<vmem>> -> memref<1x128x64xf32, #tpu.memory_space<vmem>>
    %dma_wait3A_302 = tpu.memref_squeeze %dma_wait3A_301 : memref<1x128x64xf32, #tpu.memory_space<vmem>> -> memref<128x64xf32, #tpu.memory_space<vmem>>
    %dma_wait3A_303 = arith.constant 0 : i32
    %dma_wait3A_304 = tpu.memref_slice %arg12[%dma_wait3A_298, %dma_wait3A_303] : memref<25x128xi32, #tpu.memory_space<vmem>> -> memref<1x128xi32, #tpu.memory_space<vmem>>
    %dma_wait3A_305 = tpu.memref_squeeze %dma_wait3A_304 : memref<1x128xi32, #tpu.memory_space<vmem>> -> memref<128xi32, #tpu.memory_space<vmem>>
    %dma_wait3A_306 = arith.constant 0 : i32
    %dma_wait3A_307 = arith.constant 0 : i32
    %dma_wait3A_308 = tpu.memref_slice %arg6[%dma_wait3A_306, %dma_wait3A_307] : memref<100000x64xf32, #tpu.memory_space<hbm>> -> memref<100000x64xf32, #tpu.memory_space<hbm>>
    tpu.wait_indirect_dma semaphore(%arg17 : memref<!tpu.dma_semaphore, #tpu.memory_space<semaphore_mem>>) src(%dma_wait3A_302 : memref<128x64xf32, #tpu.memory_space<vmem>>) dst(%dma_wait3A_308 : memref<100000x64xf32, #tpu.memory_space<hbm>>)
    %dma_start3A_309 = arith.constant 1 : i32
    %dma_start3A_310 = arith.constant 0 : i32
    %dma_start3A_311 = arith.constant 0 : i32
    %dma_start3A_312 = tpu.memref_slice %arg15[%dma_start3A_309, %dma_start3A_310, %dma_start3A_311] : memref<3x128x64xf32, #tpu.memory_space<vmem>> -> memref<1x128x64xf32, #tpu.memory_space<vmem>>
    %dma_start3A_313 = tpu.memref_squeeze %dma_start3A_312 : memref<1x128x64xf32, #tpu.memory_space<vmem>> -> memref<128x64xf32, #tpu.memory_space<vmem>>
    %dma_start3A_314 = arith.constant 896 : i32
    %dma_start3A_315 = tpu.memref_slice %arg11[%dma_start3A_314] : memref<3200xi32, #tpu.memory_space<vmem>> -> memref<128xi32, #tpu.memory_space<vmem>>
    %dma_start3A_316 = arith.constant 0 : i32
    %dma_start3A_317 = arith.constant 0 : i32
    %dma_start3A_318 = tpu.memref_slice %arg5[%dma_start3A_316, %dma_start3A_317] : memref<16384x64xf32, #tpu.memory_space<hbm>> -> memref<16384x64xf32, #tpu.memory_space<hbm>>
    %dma_start3A_319 = arith.constant -1 : i32
    tpu.enqueue_indirect_dma source(%dma_start3A_318 : memref<16384x64xf32, #tpu.memory_space<hbm>>) target(%dma_start3A_313 : memref<128x64xf32, #tpu.memory_space<vmem>>) offsets(%dma_start3A_315 : memref<128xi32, #tpu.memory_space<vmem>>) offset_filter(%dma_start3A_319) semaphore(%arg16 : memref<!tpu.dma_semaphore, #tpu.memory_space<semaphore_mem>>)
    %dma_wait3A_320 = arith.constant 0 : i32
    %dma_wait3A_321 = arith.constant 0 : i32
    %dma_wait3A_322 = arith.constant 0 : i32
    %dma_wait3A_323 = tpu.memref_slice %arg15[%dma_wait3A_320, %dma_wait3A_321, %dma_wait3A_322] : memref<3x128x64xf32, #tpu.memory_space<vmem>> -> memref<1x128x64xf32, #tpu.memory_space<vmem>>
    %dma_wait3A_324 = tpu.memref_squeeze %dma_wait3A_323 : memref<1x128x64xf32, #tpu.memory_space<vmem>> -> memref<128x64xf32, #tpu.memory_space<vmem>>
    %dma_wait3A_325 = arith.constant 768 : i32
    %dma_wait3A_326 = tpu.memref_slice %arg11[%dma_wait3A_325] : memref<3200xi32, #tpu.memory_space<vmem>> -> memref<128xi32, #tpu.memory_space<vmem>>
    %dma_wait3A_327 = arith.constant 0 : i32
    %dma_wait3A_328 = arith.constant 0 : i32
    %dma_wait3A_329 = tpu.memref_slice %arg5[%dma_wait3A_327, %dma_wait3A_328] : memref<16384x64xf32, #tpu.memory_space<hbm>> -> memref<16384x64xf32, #tpu.memory_space<hbm>>
    tpu.wait_indirect_dma semaphore(%arg16 : memref<!tpu.dma_semaphore, #tpu.memory_space<semaphore_mem>>) src(%dma_wait3A_329 : memref<16384x64xf32, #tpu.memory_space<hbm>>) dst(%dma_wait3A_324 : memref<128x64xf32, #tpu.memory_space<vmem>>)
    %dma_start3A_330 = arith.constant 0 : i32
    %dma_start3A_331 = arith.constant 6 : i32
    %dma_start3A_332 = arith.constant 0 : i32
    %dma_start3A_333 = arith.constant 0 : i32
    %dma_start3A_334 = tpu.memref_slice %arg15[%dma_start3A_330, %dma_start3A_332, %dma_start3A_333] : memref<3x128x64xf32, #tpu.memory_space<vmem>> -> memref<1x128x64xf32, #tpu.memory_space<vmem>>
    %dma_start3A_335 = tpu.memref_squeeze %dma_start3A_334 : memref<1x128x64xf32, #tpu.memory_space<vmem>> -> memref<128x64xf32, #tpu.memory_space<vmem>>
    %dma_start3A_336 = arith.constant 0 : i32
    %dma_start3A_337 = tpu.memref_slice %arg12[%dma_start3A_331, %dma_start3A_336] : memref<25x128xi32, #tpu.memory_space<vmem>> -> memref<1x128xi32, #tpu.memory_space<vmem>>
    %dma_start3A_338 = tpu.memref_squeeze %dma_start3A_337 : memref<1x128xi32, #tpu.memory_space<vmem>> -> memref<128xi32, #tpu.memory_space<vmem>>
    %dma_start3A_339 = arith.constant 0 : i32
    %dma_start3A_340 = arith.constant 0 : i32
    %dma_start3A_341 = tpu.memref_slice %arg6[%dma_start3A_339, %dma_start3A_340] : memref<100000x64xf32, #tpu.memory_space<hbm>> -> memref<100000x64xf32, #tpu.memory_space<hbm>>
    %dma_start3A_342 = arith.constant -1 : i32
    tpu.enqueue_indirect_dma source(%dma_start3A_335 : memref<128x64xf32, #tpu.memory_space<vmem>>) target(%dma_start3A_341 : memref<100000x64xf32, #tpu.memory_space<hbm>>) offsets(%dma_start3A_338 : memref<128xi32, #tpu.memory_space<vmem>>) offset_filter(%dma_start3A_342) semaphore(%arg17 : memref<!tpu.dma_semaphore, #tpu.memory_space<semaphore_mem>>)
    %dma_wait3A_343 = arith.constant 2 : i32
    %dma_wait3A_344 = arith.constant 5 : i32
    %dma_wait3A_345 = arith.constant 0 : i32
    %dma_wait3A_346 = arith.constant 0 : i32
    %dma_wait3A_347 = tpu.memref_slice %arg15[%dma_wait3A_343, %dma_wait3A_345, %dma_wait3A_346] : memref<3x128x64xf32, #tpu.memory_space<vmem>> -> memref<1x128x64xf32, #tpu.memory_space<vmem>>
    %dma_wait3A_348 = tpu.memref_squeeze %dma_wait3A_347 : memref<1x128x64xf32, #tpu.memory_space<vmem>> -> memref<128x64xf32, #tpu.memory_space<vmem>>
    %dma_wait3A_349 = arith.constant 0 : i32
    %dma_wait3A_350 = tpu.memref_slice %arg12[%dma_wait3A_344, %dma_wait3A_349] : memref<25x128xi32, #tpu.memory_space<vmem>> -> memref<1x128xi32, #tpu.memory_space<vmem>>
    %dma_wait3A_351 = tpu.memref_squeeze %dma_wait3A_350 : memref<1x128xi32, #tpu.memory_space<vmem>> -> memref<128xi32, #tpu.memory_space<vmem>>
    %dma_wait3A_352 = arith.constant 0 : i32
    %dma_wait3A_353 = arith.constant 0 : i32
    %dma_wait3A_354 = tpu.memref_slice %arg6[%dma_wait3A_352, %dma_wait3A_353] : memref<100000x64xf32, #tpu.memory_space<hbm>> -> memref<100000x64xf32, #tpu.memory_space<hbm>>
    tpu.wait_indirect_dma semaphore(%arg17 : memref<!tpu.dma_semaphore, #tpu.memory_space<semaphore_mem>>) src(%dma_wait3A_348 : memref<128x64xf32, #tpu.memory_space<vmem>>) dst(%dma_wait3A_354 : memref<100000x64xf32, #tpu.memory_space<hbm>>)
    %dma_start3A_355 = arith.constant 2 : i32
    %dma_start3A_356 = arith.constant 0 : i32
    %dma_start3A_357 = arith.constant 0 : i32
    %dma_start3A_358 = tpu.memref_slice %arg15[%dma_start3A_355, %dma_start3A_356, %dma_start3A_357] : memref<3x128x64xf32, #tpu.memory_space<vmem>> -> memref<1x128x64xf32, #tpu.memory_space<vmem>>
    %dma_start3A_359 = tpu.memref_squeeze %dma_start3A_358 : memref<1x128x64xf32, #tpu.memory_space<vmem>> -> memref<128x64xf32, #tpu.memory_space<vmem>>
    %dma_start3A_360 = arith.constant 1024 : i32
    %dma_start3A_361 = tpu.memref_slice %arg11[%dma_start3A_360] : memref<3200xi32, #tpu.memory_space<vmem>> -> memref<128xi32, #tpu.memory_space<vmem>>
    %dma_start3A_362 = arith.constant 0 : i32
    %dma_start3A_363 = arith.constant 0 : i32
    %dma_start3A_364 = tpu.memref_slice %arg5[%dma_start3A_362, %dma_start3A_363] : memref<16384x64xf32, #tpu.memory_space<hbm>> -> memref<16384x64xf32, #tpu.memory_space<hbm>>
    %dma_start3A_365 = arith.constant -1 : i32
    tpu.enqueue_indirect_dma source(%dma_start3A_364 : memref<16384x64xf32, #tpu.memory_space<hbm>>) target(%dma_start3A_359 : memref<128x64xf32, #tpu.memory_space<vmem>>) offsets(%dma_start3A_361 : memref<128xi32, #tpu.memory_space<vmem>>) offset_filter(%dma_start3A_365) semaphore(%arg16 : memref<!tpu.dma_semaphore, #tpu.memory_space<semaphore_mem>>)
    %dma_wait3A_366 = arith.constant 1 : i32
    %dma_wait3A_367 = arith.constant 0 : i32
    %dma_wait3A_368 = arith.constant 0 : i32
    %dma_wait3A_369 = tpu.memref_slice %arg15[%dma_wait3A_366, %dma_wait3A_367, %dma_wait3A_368] : memref<3x128x64xf32, #tpu.memory_space<vmem>> -> memref<1x128x64xf32, #tpu.memory_space<vmem>>
    %dma_wait3A_370 = tpu.memref_squeeze %dma_wait3A_369 : memref<1x128x64xf32, #tpu.memory_space<vmem>> -> memref<128x64xf32, #tpu.memory_space<vmem>>
    %dma_wait3A_371 = arith.constant 896 : i32
    %dma_wait3A_372 = tpu.memref_slice %arg11[%dma_wait3A_371] : memref<3200xi32, #tpu.memory_space<vmem>> -> memref<128xi32, #tpu.memory_space<vmem>>
    %dma_wait3A_373 = arith.constant 0 : i32
    %dma_wait3A_374 = arith.constant 0 : i32
    %dma_wait3A_375 = tpu.memref_slice %arg5[%dma_wait3A_373, %dma_wait3A_374] : memref<16384x64xf32, #tpu.memory_space<hbm>> -> memref<16384x64xf32, #tpu.memory_space<hbm>>
    tpu.wait_indirect_dma semaphore(%arg16 : memref<!tpu.dma_semaphore, #tpu.memory_space<semaphore_mem>>) src(%dma_wait3A_375 : memref<16384x64xf32, #tpu.memory_space<hbm>>) dst(%dma_wait3A_370 : memref<128x64xf32, #tpu.memory_space<vmem>>)
    %dma_start3A_376 = arith.constant 1 : i32
    %dma_start3A_377 = arith.constant 7 : i32
    %dma_start3A_378 = arith.constant 0 : i32
    %dma_start3A_379 = arith.constant 0 : i32
    %dma_start3A_380 = tpu.memref_slice %arg15[%dma_start3A_376, %dma_start3A_378, %dma_start3A_379] : memref<3x128x64xf32, #tpu.memory_space<vmem>> -> memref<1x128x64xf32, #tpu.memory_space<vmem>>
    %dma_start3A_381 = tpu.memref_squeeze %dma_start3A_380 : memref<1x128x64xf32, #tpu.memory_space<vmem>> -> memref<128x64xf32, #tpu.memory_space<vmem>>
    %dma_start3A_382 = arith.constant 0 : i32
    %dma_start3A_383 = tpu.memref_slice %arg12[%dma_start3A_377, %dma_start3A_382] : memref<25x128xi32, #tpu.memory_space<vmem>> -> memref<1x128xi32, #tpu.memory_space<vmem>>
    %dma_start3A_384 = tpu.memref_squeeze %dma_start3A_383 : memref<1x128xi32, #tpu.memory_space<vmem>> -> memref<128xi32, #tpu.memory_space<vmem>>
    %dma_start3A_385 = arith.constant 0 : i32
    %dma_start3A_386 = arith.constant 0 : i32
    %dma_start3A_387 = tpu.memref_slice %arg6[%dma_start3A_385, %dma_start3A_386] : memref<100000x64xf32, #tpu.memory_space<hbm>> -> memref<100000x64xf32, #tpu.memory_space<hbm>>
    %dma_start3A_388 = arith.constant -1 : i32
    tpu.enqueue_indirect_dma source(%dma_start3A_381 : memref<128x64xf32, #tpu.memory_space<vmem>>) target(%dma_start3A_387 : memref<100000x64xf32, #tpu.memory_space<hbm>>) offsets(%dma_start3A_384 : memref<128xi32, #tpu.memory_space<vmem>>) offset_filter(%dma_start3A_388) semaphore(%arg17 : memref<!tpu.dma_semaphore, #tpu.memory_space<semaphore_mem>>)
    %dma_wait3A_389 = arith.constant 0 : i32
    %dma_wait3A_390 = arith.constant 6 : i32
    %dma_wait3A_391 = arith.constant 0 : i32
    %dma_wait3A_392 = arith.constant 0 : i32
    %dma_wait3A_393 = tpu.memref_slice %arg15[%dma_wait3A_389, %dma_wait3A_391, %dma_wait3A_392] : memref<3x128x64xf32, #tpu.memory_space<vmem>> -> memref<1x128x64xf32, #tpu.memory_space<vmem>>
    %dma_wait3A_394 = tpu.memref_squeeze %dma_wait3A_393 : memref<1x128x64xf32, #tpu.memory_space<vmem>> -> memref<128x64xf32, #tpu.memory_space<vmem>>
    %dma_wait3A_395 = arith.constant 0 : i32
    %dma_wait3A_396 = tpu.memref_slice %arg12[%dma_wait3A_390, %dma_wait3A_395] : memref<25x128xi32, #tpu.memory_space<vmem>> -> memref<1x128xi32, #tpu.memory_space<vmem>>
    %dma_wait3A_397 = tpu.memref_squeeze %dma_wait3A_396 : memref<1x128xi32, #tpu.memory_space<vmem>> -> memref<128xi32, #tpu.memory_space<vmem>>
    %dma_wait3A_398 = arith.constant 0 : i32
    %dma_wait3A_399 = arith.constant 0 : i32
    %dma_wait3A_400 = tpu.memref_slice %arg6[%dma_wait3A_398, %dma_wait3A_399] : memref<100000x64xf32, #tpu.memory_space<hbm>> -> memref<100000x64xf32, #tpu.memory_space<hbm>>
    tpu.wait_indirect_dma semaphore(%arg17 : memref<!tpu.dma_semaphore, #tpu.memory_space<semaphore_mem>>) src(%dma_wait3A_394 : memref<128x64xf32, #tpu.memory_space<vmem>>) dst(%dma_wait3A_400 : memref<100000x64xf32, #tpu.memory_space<hbm>>)
    %dma_start3A_401 = arith.constant 0 : i32
    %dma_start3A_402 = arith.constant 0 : i32
    %dma_start3A_403 = arith.constant 0 : i32
    %dma_start3A_404 = tpu.memref_slice %arg15[%dma_start3A_401, %dma_start3A_402, %dma_start3A_403] : memref<3x128x64xf32, #tpu.memory_space<vmem>> -> memref<1x128x64xf32, #tpu.memory_space<vmem>>
    %dma_start3A_405 = tpu.memref_squeeze %dma_start3A_404 : memref<1x128x64xf32, #tpu.memory_space<vmem>> -> memref<128x64xf32, #tpu.memory_space<vmem>>
    %dma_start3A_406 = arith.constant 1152 : i32
    %dma_start3A_407 = tpu.memref_slice %arg11[%dma_start3A_406] : memref<3200xi32, #tpu.memory_space<vmem>> -> memref<128xi32, #tpu.memory_space<vmem>>
    %dma_start3A_408 = arith.constant 0 : i32
    %dma_start3A_409 = arith.constant 0 : i32
    %dma_start3A_410 = tpu.memref_slice %arg5[%dma_start3A_408, %dma_start3A_409] : memref<16384x64xf32, #tpu.memory_space<hbm>> -> memref<16384x64xf32, #tpu.memory_space<hbm>>
    %dma_start3A_411 = arith.constant -1 : i32
    tpu.enqueue_indirect_dma source(%dma_start3A_410 : memref<16384x64xf32, #tpu.memory_space<hbm>>) target(%dma_start3A_405 : memref<128x64xf32, #tpu.memory_space<vmem>>) offsets(%dma_start3A_407 : memref<128xi32, #tpu.memory_space<vmem>>) offset_filter(%dma_start3A_411) semaphore(%arg16 : memref<!tpu.dma_semaphore, #tpu.memory_space<semaphore_mem>>)
    %dma_wait3A_412 = arith.constant 2 : i32
    %dma_wait3A_413 = arith.constant 0 : i32
    %dma_wait3A_414 = arith.constant 0 : i32
    %dma_wait3A_415 = tpu.memref_slice %arg15[%dma_wait3A_412, %dma_wait3A_413, %dma_wait3A_414] : memref<3x128x64xf32, #tpu.memory_space<vmem>> -> memref<1x128x64xf32, #tpu.memory_space<vmem>>
    %dma_wait3A_416 = tpu.memref_squeeze %dma_wait3A_415 : memref<1x128x64xf32, #tpu.memory_space<vmem>> -> memref<128x64xf32, #tpu.memory_space<vmem>>
    %dma_wait3A_417 = arith.constant 1024 : i32
    %dma_wait3A_418 = tpu.memref_slice %arg11[%dma_wait3A_417] : memref<3200xi32, #tpu.memory_space<vmem>> -> memref<128xi32, #tpu.memory_space<vmem>>
    %dma_wait3A_419 = arith.constant 0 : i32
    %dma_wait3A_420 = arith.constant 0 : i32
    %dma_wait3A_421 = tpu.memref_slice %arg5[%dma_wait3A_419, %dma_wait3A_420] : memref<16384x64xf32, #tpu.memory_space<hbm>> -> memref<16384x64xf32, #tpu.memory_space<hbm>>
    tpu.wait_indirect_dma semaphore(%arg16 : memref<!tpu.dma_semaphore, #tpu.memory_space<semaphore_mem>>) src(%dma_wait3A_421 : memref<16384x64xf32, #tpu.memory_space<hbm>>) dst(%dma_wait3A_416 : memref<128x64xf32, #tpu.memory_space<vmem>>)
    %dma_start3A_422 = arith.constant 2 : i32
    %dma_start3A_423 = arith.constant 8 : i32
    %dma_start3A_424 = arith.constant 0 : i32
    %dma_start3A_425 = arith.constant 0 : i32
    %dma_start3A_426 = tpu.memref_slice %arg15[%dma_start3A_422, %dma_start3A_424, %dma_start3A_425] : memref<3x128x64xf32, #tpu.memory_space<vmem>> -> memref<1x128x64xf32, #tpu.memory_space<vmem>>
    %dma_start3A_427 = tpu.memref_squeeze %dma_start3A_426 : memref<1x128x64xf32, #tpu.memory_space<vmem>> -> memref<128x64xf32, #tpu.memory_space<vmem>>
    %dma_start3A_428 = arith.constant 0 : i32
    %dma_start3A_429 = tpu.memref_slice %arg12[%dma_start3A_423, %dma_start3A_428] : memref<25x128xi32, #tpu.memory_space<vmem>> -> memref<1x128xi32, #tpu.memory_space<vmem>>
    %dma_start3A_430 = tpu.memref_squeeze %dma_start3A_429 : memref<1x128xi32, #tpu.memory_space<vmem>> -> memref<128xi32, #tpu.memory_space<vmem>>
    %dma_start3A_431 = arith.constant 0 : i32
    %dma_start3A_432 = arith.constant 0 : i32
    %dma_start3A_433 = tpu.memref_slice %arg6[%dma_start3A_431, %dma_start3A_432] : memref<100000x64xf32, #tpu.memory_space<hbm>> -> memref<100000x64xf32, #tpu.memory_space<hbm>>
    %dma_start3A_434 = arith.constant -1 : i32
    tpu.enqueue_indirect_dma source(%dma_start3A_427 : memref<128x64xf32, #tpu.memory_space<vmem>>) target(%dma_start3A_433 : memref<100000x64xf32, #tpu.memory_space<hbm>>) offsets(%dma_start3A_430 : memref<128xi32, #tpu.memory_space<vmem>>) offset_filter(%dma_start3A_434) semaphore(%arg17 : memref<!tpu.dma_semaphore, #tpu.memory_space<semaphore_mem>>)
    %dma_wait3A_435 = arith.constant 1 : i32
    %dma_wait3A_436 = arith.constant 7 : i32
    %dma_wait3A_437 = arith.constant 0 : i32
    %dma_wait3A_438 = arith.constant 0 : i32
    %dma_wait3A_439 = tpu.memref_slice %arg15[%dma_wait3A_435, %dma_wait3A_437, %dma_wait3A_438] : memref<3x128x64xf32, #tpu.memory_space<vmem>> -> memref<1x128x64xf32, #tpu.memory_space<vmem>>
    %dma_wait3A_440 = tpu.memref_squeeze %dma_wait3A_439 : memref<1x128x64xf32, #tpu.memory_space<vmem>> -> memref<128x64xf32, #tpu.memory_space<vmem>>
    %dma_wait3A_441 = arith.constant 0 : i32
    %dma_wait3A_442 = tpu.memref_slice %arg12[%dma_wait3A_436, %dma_wait3A_441] : memref<25x128xi32, #tpu.memory_space<vmem>> -> memref<1x128xi32, #tpu.memory_space<vmem>>
    %dma_wait3A_443 = tpu.memref_squeeze %dma_wait3A_442 : memref<1x128xi32, #tpu.memory_space<vmem>> -> memref<128xi32, #tpu.memory_space<vmem>>
    %dma_wait3A_444 = arith.constant 0 : i32
    %dma_wait3A_445 = arith.constant 0 : i32
    %dma_wait3A_446 = tpu.memref_slice %arg6[%dma_wait3A_444, %dma_wait3A_445] : memref<100000x64xf32, #tpu.memory_space<hbm>> -> memref<100000x64xf32, #tpu.memory_space<hbm>>
    tpu.wait_indirect_dma semaphore(%arg17 : memref<!tpu.dma_semaphore, #tpu.memory_space<semaphore_mem>>) src(%dma_wait3A_440 : memref<128x64xf32, #tpu.memory_space<vmem>>) dst(%dma_wait3A_446 : memref<100000x64xf32, #tpu.memory_space<hbm>>)
    %dma_start3A_447 = arith.constant 1 : i32
    %dma_start3A_448 = arith.constant 0 : i32
    %dma_start3A_449 = arith.constant 0 : i32
    %dma_start3A_450 = tpu.memref_slice %arg15[%dma_start3A_447, %dma_start3A_448, %dma_start3A_449] : memref<3x128x64xf32, #tpu.memory_space<vmem>> -> memref<1x128x64xf32, #tpu.memory_space<vmem>>
    %dma_start3A_451 = tpu.memref_squeeze %dma_start3A_450 : memref<1x128x64xf32, #tpu.memory_space<vmem>> -> memref<128x64xf32, #tpu.memory_space<vmem>>
    %dma_start3A_452 = arith.constant 1280 : i32
    %dma_start3A_453 = tpu.memref_slice %arg11[%dma_start3A_452] : memref<3200xi32, #tpu.memory_space<vmem>> -> memref<128xi32, #tpu.memory_space<vmem>>
    %dma_start3A_454 = arith.constant 0 : i32
    %dma_start3A_455 = arith.constant 0 : i32
    %dma_start3A_456 = tpu.memref_slice %arg5[%dma_start3A_454, %dma_start3A_455] : memref<16384x64xf32, #tpu.memory_space<hbm>> -> memref<16384x64xf32, #tpu.memory_space<hbm>>
    %dma_start3A_457 = arith.constant -1 : i32
    tpu.enqueue_indirect_dma source(%dma_start3A_456 : memref<16384x64xf32, #tpu.memory_space<hbm>>) target(%dma_start3A_451 : memref<128x64xf32, #tpu.memory_space<vmem>>) offsets(%dma_start3A_453 : memref<128xi32, #tpu.memory_space<vmem>>) offset_filter(%dma_start3A_457) semaphore(%arg16 : memref<!tpu.dma_semaphore, #tpu.memory_space<semaphore_mem>>)
    %dma_wait3A_458 = arith.constant 0 : i32
    %dma_wait3A_459 = arith.constant 0 : i32
    %dma_wait3A_460 = arith.constant 0 : i32
    %dma_wait3A_461 = tpu.memref_slice %arg15[%dma_wait3A_458, %dma_wait3A_459, %dma_wait3A_460] : memref<3x128x64xf32, #tpu.memory_space<vmem>> -> memref<1x128x64xf32, #tpu.memory_space<vmem>>
    %dma_wait3A_462 = tpu.memref_squeeze %dma_wait3A_461 : memref<1x128x64xf32, #tpu.memory_space<vmem>> -> memref<128x64xf32, #tpu.memory_space<vmem>>
    %dma_wait3A_463 = arith.constant 1152 : i32
    %dma_wait3A_464 = tpu.memref_slice %arg11[%dma_wait3A_463] : memref<3200xi32, #tpu.memory_space<vmem>> -> memref<128xi32, #tpu.memory_space<vmem>>
    %dma_wait3A_465 = arith.constant 0 : i32
    %dma_wait3A_466 = arith.constant 0 : i32
    %dma_wait3A_467 = tpu.memref_slice %arg5[%dma_wait3A_465, %dma_wait3A_466] : memref<16384x64xf32, #tpu.memory_space<hbm>> -> memref<16384x64xf32, #tpu.memory_space<hbm>>
    tpu.wait_indirect_dma semaphore(%arg16 : memref<!tpu.dma_semaphore, #tpu.memory_space<semaphore_mem>>) src(%dma_wait3A_467 : memref<16384x64xf32, #tpu.memory_space<hbm>>) dst(%dma_wait3A_462 : memref<128x64xf32, #tpu.memory_space<vmem>>)
    %dma_start3A_468 = arith.constant 0 : i32
    %dma_start3A_469 = arith.constant 9 : i32
    %dma_start3A_470 = arith.constant 0 : i32
    %dma_start3A_471 = arith.constant 0 : i32
    %dma_start3A_472 = tpu.memref_slice %arg15[%dma_start3A_468, %dma_start3A_470, %dma_start3A_471] : memref<3x128x64xf32, #tpu.memory_space<vmem>> -> memref<1x128x64xf32, #tpu.memory_space<vmem>>
    %dma_start3A_473 = tpu.memref_squeeze %dma_start3A_472 : memref<1x128x64xf32, #tpu.memory_space<vmem>> -> memref<128x64xf32, #tpu.memory_space<vmem>>
    %dma_start3A_474 = arith.constant 0 : i32
    %dma_start3A_475 = tpu.memref_slice %arg12[%dma_start3A_469, %dma_start3A_474] : memref<25x128xi32, #tpu.memory_space<vmem>> -> memref<1x128xi32, #tpu.memory_space<vmem>>
    %dma_start3A_476 = tpu.memref_squeeze %dma_start3A_475 : memref<1x128xi32, #tpu.memory_space<vmem>> -> memref<128xi32, #tpu.memory_space<vmem>>
    %dma_start3A_477 = arith.constant 0 : i32
    %dma_start3A_478 = arith.constant 0 : i32
    %dma_start3A_479 = tpu.memref_slice %arg6[%dma_start3A_477, %dma_start3A_478] : memref<100000x64xf32, #tpu.memory_space<hbm>> -> memref<100000x64xf32, #tpu.memory_space<hbm>>
    %dma_start3A_480 = arith.constant -1 : i32
    tpu.enqueue_indirect_dma source(%dma_start3A_473 : memref<128x64xf32, #tpu.memory_space<vmem>>) target(%dma_start3A_479 : memref<100000x64xf32, #tpu.memory_space<hbm>>) offsets(%dma_start3A_476 : memref<128xi32, #tpu.memory_space<vmem>>) offset_filter(%dma_start3A_480) semaphore(%arg17 : memref<!tpu.dma_semaphore, #tpu.memory_space<semaphore_mem>>)
    %dma_wait3A_481 = arith.constant 2 : i32
    %dma_wait3A_482 = arith.constant 8 : i32
    %dma_wait3A_483 = arith.constant 0 : i32
    %dma_wait3A_484 = arith.constant 0 : i32
    %dma_wait3A_485 = tpu.memref_slice %arg15[%dma_wait3A_481, %dma_wait3A_483, %dma_wait3A_484] : memref<3x128x64xf32, #tpu.memory_space<vmem>> -> memref<1x128x64xf32, #tpu.memory_space<vmem>>
    %dma_wait3A_486 = tpu.memref_squeeze %dma_wait3A_485 : memref<1x128x64xf32, #tpu.memory_space<vmem>> -> memref<128x64xf32, #tpu.memory_space<vmem>>
    %dma_wait3A_487 = arith.constant 0 : i32
    %dma_wait3A_488 = tpu.memref_slice %arg12[%dma_wait3A_482, %dma_wait3A_487] : memref<25x128xi32, #tpu.memory_space<vmem>> -> memref<1x128xi32, #tpu.memory_space<vmem>>
    %dma_wait3A_489 = tpu.memref_squeeze %dma_wait3A_488 : memref<1x128xi32, #tpu.memory_space<vmem>> -> memref<128xi32, #tpu.memory_space<vmem>>
    %dma_wait3A_490 = arith.constant 0 : i32
    %dma_wait3A_491 = arith.constant 0 : i32
    %dma_wait3A_492 = tpu.memref_slice %arg6[%dma_wait3A_490, %dma_wait3A_491] : memref<100000x64xf32, #tpu.memory_space<hbm>> -> memref<100000x64xf32, #tpu.memory_space<hbm>>
    tpu.wait_indirect_dma semaphore(%arg17 : memref<!tpu.dma_semaphore, #tpu.memory_space<semaphore_mem>>) src(%dma_wait3A_486 : memref<128x64xf32, #tpu.memory_space<vmem>>) dst(%dma_wait3A_492 : memref<100000x64xf32, #tpu.memory_space<hbm>>)
    %dma_start3A_493 = arith.constant 2 : i32
    %dma_start3A_494 = arith.constant 0 : i32
    %dma_start3A_495 = arith.constant 0 : i32
    %dma_start3A_496 = tpu.memref_slice %arg15[%dma_start3A_493, %dma_start3A_494, %dma_start3A_495] : memref<3x128x64xf32, #tpu.memory_space<vmem>> -> memref<1x128x64xf32, #tpu.memory_space<vmem>>
    %dma_start3A_497 = tpu.memref_squeeze %dma_start3A_496 : memref<1x128x64xf32, #tpu.memory_space<vmem>> -> memref<128x64xf32, #tpu.memory_space<vmem>>
    %dma_start3A_498 = arith.constant 1408 : i32
    %dma_start3A_499 = tpu.memref_slice %arg11[%dma_start3A_498] : memref<3200xi32, #tpu.memory_space<vmem>> -> memref<128xi32, #tpu.memory_space<vmem>>
    %dma_start3A_500 = arith.constant 0 : i32
    %dma_start3A_501 = arith.constant 0 : i32
    %dma_start3A_502 = tpu.memref_slice %arg5[%dma_start3A_500, %dma_start3A_501] : memref<16384x64xf32, #tpu.memory_space<hbm>> -> memref<16384x64xf32, #tpu.memory_space<hbm>>
    %dma_start3A_503 = arith.constant -1 : i32
    tpu.enqueue_indirect_dma source(%dma_start3A_502 : memref<16384x64xf32, #tpu.memory_space<hbm>>) target(%dma_start3A_497 : memref<128x64xf32, #tpu.memory_space<vmem>>) offsets(%dma_start3A_499 : memref<128xi32, #tpu.memory_space<vmem>>) offset_filter(%dma_start3A_503) semaphore(%arg16 : memref<!tpu.dma_semaphore, #tpu.memory_space<semaphore_mem>>)
    %dma_wait3A_504 = arith.constant 1 : i32
    %dma_wait3A_505 = arith.constant 0 : i32
    %dma_wait3A_506 = arith.constant 0 : i32
    %dma_wait3A_507 = tpu.memref_slice %arg15[%dma_wait3A_504, %dma_wait3A_505, %dma_wait3A_506] : memref<3x128x64xf32, #tpu.memory_space<vmem>> -> memref<1x128x64xf32, #tpu.memory_space<vmem>>
    %dma_wait3A_508 = tpu.memref_squeeze %dma_wait3A_507 : memref<1x128x64xf32, #tpu.memory_space<vmem>> -> memref<128x64xf32, #tpu.memory_space<vmem>>
    %dma_wait3A_509 = arith.constant 1280 : i32
    %dma_wait3A_510 = tpu.memref_slice %arg11[%dma_wait3A_509] : memref<3200xi32, #tpu.memory_space<vmem>> -> memref<128xi32, #tpu.memory_space<vmem>>
    %dma_wait3A_511 = arith.constant 0 : i32
    %dma_wait3A_512 = arith.constant 0 : i32
    %dma_wait3A_513 = tpu.memref_slice %arg5[%dma_wait3A_511, %dma_wait3A_512] : memref<16384x64xf32, #tpu.memory_space<hbm>> -> memref<16384x64xf32, #tpu.memory_space<hbm>>
    tpu.wait_indirect_dma semaphore(%arg16 : memref<!tpu.dma_semaphore, #tpu.memory_space<semaphore_mem>>) src(%dma_wait3A_513 : memref<16384x64xf32, #tpu.memory_space<hbm>>) dst(%dma_wait3A_508 : memref<128x64xf32, #tpu.memory_space<vmem>>)
    %dma_start3A_514 = arith.constant 1 : i32
    %dma_start3A_515 = arith.constant 10 : i32
    %dma_start3A_516 = arith.constant 0 : i32
    %dma_start3A_517 = arith.constant 0 : i32
    %dma_start3A_518 = tpu.memref_slice %arg15[%dma_start3A_514, %dma_start3A_516, %dma_start3A_517] : memref<3x128x64xf32, #tpu.memory_space<vmem>> -> memref<1x128x64xf32, #tpu.memory_space<vmem>>
    %dma_start3A_519 = tpu.memref_squeeze %dma_start3A_518 : memref<1x128x64xf32, #tpu.memory_space<vmem>> -> memref<128x64xf32, #tpu.memory_space<vmem>>
    %dma_start3A_520 = arith.constant 0 : i32
    %dma_start3A_521 = tpu.memref_slice %arg12[%dma_start3A_515, %dma_start3A_520] : memref<25x128xi32, #tpu.memory_space<vmem>> -> memref<1x128xi32, #tpu.memory_space<vmem>>
    %dma_start3A_522 = tpu.memref_squeeze %dma_start3A_521 : memref<1x128xi32, #tpu.memory_space<vmem>> -> memref<128xi32, #tpu.memory_space<vmem>>
    %dma_start3A_523 = arith.constant 0 : i32
    %dma_start3A_524 = arith.constant 0 : i32
    %dma_start3A_525 = tpu.memref_slice %arg6[%dma_start3A_523, %dma_start3A_524] : memref<100000x64xf32, #tpu.memory_space<hbm>> -> memref<100000x64xf32, #tpu.memory_space<hbm>>
    %dma_start3A_526 = arith.constant -1 : i32
    tpu.enqueue_indirect_dma source(%dma_start3A_519 : memref<128x64xf32, #tpu.memory_space<vmem>>) target(%dma_start3A_525 : memref<100000x64xf32, #tpu.memory_space<hbm>>) offsets(%dma_start3A_522 : memref<128xi32, #tpu.memory_space<vmem>>) offset_filter(%dma_start3A_526) semaphore(%arg17 : memref<!tpu.dma_semaphore, #tpu.memory_space<semaphore_mem>>)
    %dma_wait3A_527 = arith.constant 0 : i32
    %dma_wait3A_528 = arith.constant 9 : i32
    %dma_wait3A_529 = arith.constant 0 : i32
    %dma_wait3A_530 = arith.constant 0 : i32
    %dma_wait3A_531 = tpu.memref_slice %arg15[%dma_wait3A_527, %dma_wait3A_529, %dma_wait3A_530] : memref<3x128x64xf32, #tpu.memory_space<vmem>> -> memref<1x128x64xf32, #tpu.memory_space<vmem>>
    %dma_wait3A_532 = tpu.memref_squeeze %dma_wait3A_531 : memref<1x128x64xf32, #tpu.memory_space<vmem>> -> memref<128x64xf32, #tpu.memory_space<vmem>>
    %dma_wait3A_533 = arith.constant 0 : i32
    %dma_wait3A_534 = tpu.memref_slice %arg12[%dma_wait3A_528, %dma_wait3A_533] : memref<25x128xi32, #tpu.memory_space<vmem>> -> memref<1x128xi32, #tpu.memory_space<vmem>>
    %dma_wait3A_535 = tpu.memref_squeeze %dma_wait3A_534 : memref<1x128xi32, #tpu.memory_space<vmem>> -> memref<128xi32, #tpu.memory_space<vmem>>
    %dma_wait3A_536 = arith.constant 0 : i32
    %dma_wait3A_537 = arith.constant 0 : i32
    %dma_wait3A_538 = tpu.memref_slice %arg6[%dma_wait3A_536, %dma_wait3A_537] : memref<100000x64xf32, #tpu.memory_space<hbm>> -> memref<100000x64xf32, #tpu.memory_space<hbm>>
    tpu.wait_indirect_dma semaphore(%arg17 : memref<!tpu.dma_semaphore, #tpu.memory_space<semaphore_mem>>) src(%dma_wait3A_532 : memref<128x64xf32, #tpu.memory_space<vmem>>) dst(%dma_wait3A_538 : memref<100000x64xf32, #tpu.memory_space<hbm>>)
    %dma_start3A_539 = arith.constant 0 : i32
    %dma_start3A_540 = arith.constant 0 : i32
    %dma_start3A_541 = arith.constant 0 : i32
    %dma_start3A_542 = tpu.memref_slice %arg15[%dma_start3A_539, %dma_start3A_540, %dma_start3A_541] : memref<3x128x64xf32, #tpu.memory_space<vmem>> -> memref<1x128x64xf32, #tpu.memory_space<vmem>>
    %dma_start3A_543 = tpu.memref_squeeze %dma_start3A_542 : memref<1x128x64xf32, #tpu.memory_space<vmem>> -> memref<128x64xf32, #tpu.memory_space<vmem>>
    %dma_start3A_544 = arith.constant 1536 : i32
    %dma_start3A_545 = tpu.memref_slice %arg11[%dma_start3A_544] : memref<3200xi32, #tpu.memory_space<vmem>> -> memref<128xi32, #tpu.memory_space<vmem>>
    %dma_start3A_546 = arith.constant 0 : i32
    %dma_start3A_547 = arith.constant 0 : i32
    %dma_start3A_548 = tpu.memref_slice %arg5[%dma_start3A_546, %dma_start3A_547] : memref<16384x64xf32, #tpu.memory_space<hbm>> -> memref<16384x64xf32, #tpu.memory_space<hbm>>
    %dma_start3A_549 = arith.constant -1 : i32
    tpu.enqueue_indirect_dma source(%dma_start3A_548 : memref<16384x64xf32, #tpu.memory_space<hbm>>) target(%dma_start3A_543 : memref<128x64xf32, #tpu.memory_space<vmem>>) offsets(%dma_start3A_545 : memref<128xi32, #tpu.memory_space<vmem>>) offset_filter(%dma_start3A_549) semaphore(%arg16 : memref<!tpu.dma_semaphore, #tpu.memory_space<semaphore_mem>>)
    %dma_wait3A_550 = arith.constant 2 : i32
    %dma_wait3A_551 = arith.constant 0 : i32
    %dma_wait3A_552 = arith.constant 0 : i32
    %dma_wait3A_553 = tpu.memref_slice %arg15[%dma_wait3A_550, %dma_wait3A_551, %dma_wait3A_552] : memref<3x128x64xf32, #tpu.memory_space<vmem>> -> memref<1x128x64xf32, #tpu.memory_space<vmem>>
    %dma_wait3A_554 = tpu.memref_squeeze %dma_wait3A_553 : memref<1x128x64xf32, #tpu.memory_space<vmem>> -> memref<128x64xf32, #tpu.memory_space<vmem>>
    %dma_wait3A_555 = arith.constant 1408 : i32
    %dma_wait3A_556 = tpu.memref_slice %arg11[%dma_wait3A_555] : memref<3200xi32, #tpu.memory_space<vmem>> -> memref<128xi32, #tpu.memory_space<vmem>>
    %dma_wait3A_557 = arith.constant 0 : i32
    %dma_wait3A_558 = arith.constant 0 : i32
    %dma_wait3A_559 = tpu.memref_slice %arg5[%dma_wait3A_557, %dma_wait3A_558] : memref<16384x64xf32, #tpu.memory_space<hbm>> -> memref<16384x64xf32, #tpu.memory_space<hbm>>
    tpu.wait_indirect_dma semaphore(%arg16 : memref<!tpu.dma_semaphore, #tpu.memory_space<semaphore_mem>>) src(%dma_wait3A_559 : memref<16384x64xf32, #tpu.memory_space<hbm>>) dst(%dma_wait3A_554 : memref<128x64xf32, #tpu.memory_space<vmem>>)
    %dma_start3A_560 = arith.constant 2 : i32
    %dma_start3A_561 = arith.constant 11 : i32
    %dma_start3A_562 = arith.constant 0 : i32
    %dma_start3A_563 = arith.constant 0 : i32
    %dma_start3A_564 = tpu.memref_slice %arg15[%dma_start3A_560, %dma_start3A_562, %dma_start3A_563] : memref<3x128x64xf32, #tpu.memory_space<vmem>> -> memref<1x128x64xf32, #tpu.memory_space<vmem>>
    %dma_start3A_565 = tpu.memref_squeeze %dma_start3A_564 : memref<1x128x64xf32, #tpu.memory_space<vmem>> -> memref<128x64xf32, #tpu.memory_space<vmem>>
    %dma_start3A_566 = arith.constant 0 : i32
    %dma_start3A_567 = tpu.memref_slice %arg12[%dma_start3A_561, %dma_start3A_566] : memref<25x128xi32, #tpu.memory_space<vmem>> -> memref<1x128xi32, #tpu.memory_space<vmem>>
    %dma_start3A_568 = tpu.memref_squeeze %dma_start3A_567 : memref<1x128xi32, #tpu.memory_space<vmem>> -> memref<128xi32, #tpu.memory_space<vmem>>
    %dma_start3A_569 = arith.constant 0 : i32
    %dma_start3A_570 = arith.constant 0 : i32
    %dma_start3A_571 = tpu.memref_slice %arg6[%dma_start3A_569, %dma_start3A_570] : memref<100000x64xf32, #tpu.memory_space<hbm>> -> memref<100000x64xf32, #tpu.memory_space<hbm>>
    %dma_start3A_572 = arith.constant -1 : i32
    tpu.enqueue_indirect_dma source(%dma_start3A_565 : memref<128x64xf32, #tpu.memory_space<vmem>>) target(%dma_start3A_571 : memref<100000x64xf32, #tpu.memory_space<hbm>>) offsets(%dma_start3A_568 : memref<128xi32, #tpu.memory_space<vmem>>) offset_filter(%dma_start3A_572) semaphore(%arg17 : memref<!tpu.dma_semaphore, #tpu.memory_space<semaphore_mem>>)
    %dma_wait3A_573 = arith.constant 1 : i32
    %dma_wait3A_574 = arith.constant 10 : i32
    %dma_wait3A_575 = arith.constant 0 : i32
    %dma_wait3A_576 = arith.constant 0 : i32
    %dma_wait3A_577 = tpu.memref_slice %arg15[%dma_wait3A_573, %dma_wait3A_575, %dma_wait3A_576] : memref<3x128x64xf32, #tpu.memory_space<vmem>> -> memref<1x128x64xf32, #tpu.memory_space<vmem>>
    %dma_wait3A_578 = tpu.memref_squeeze %dma_wait3A_577 : memref<1x128x64xf32, #tpu.memory_space<vmem>> -> memref<128x64xf32, #tpu.memory_space<vmem>>
    %dma_wait3A_579 = arith.constant 0 : i32
    %dma_wait3A_580 = tpu.memref_slice %arg12[%dma_wait3A_574, %dma_wait3A_579] : memref<25x128xi32, #tpu.memory_space<vmem>> -> memref<1x128xi32, #tpu.memory_space<vmem>>
    %dma_wait3A_581 = tpu.memref_squeeze %dma_wait3A_580 : memref<1x128xi32, #tpu.memory_space<vmem>> -> memref<128xi32, #tpu.memory_space<vmem>>
    %dma_wait3A_582 = arith.constant 0 : i32
    %dma_wait3A_583 = arith.constant 0 : i32
    %dma_wait3A_584 = tpu.memref_slice %arg6[%dma_wait3A_582, %dma_wait3A_583] : memref<100000x64xf32, #tpu.memory_space<hbm>> -> memref<100000x64xf32, #tpu.memory_space<hbm>>
    tpu.wait_indirect_dma semaphore(%arg17 : memref<!tpu.dma_semaphore, #tpu.memory_space<semaphore_mem>>) src(%dma_wait3A_578 : memref<128x64xf32, #tpu.memory_space<vmem>>) dst(%dma_wait3A_584 : memref<100000x64xf32, #tpu.memory_space<hbm>>)
    %dma_start3A_585 = arith.constant 1 : i32
    %dma_start3A_586 = arith.constant 0 : i32
    %dma_start3A_587 = arith.constant 0 : i32
    %dma_start3A_588 = tpu.memref_slice %arg15[%dma_start3A_585, %dma_start3A_586, %dma_start3A_587] : memref<3x128x64xf32, #tpu.memory_space<vmem>> -> memref<1x128x64xf32, #tpu.memory_space<vmem>>
    %dma_start3A_589 = tpu.memref_squeeze %dma_start3A_588 : memref<1x128x64xf32, #tpu.memory_space<vmem>> -> memref<128x64xf32, #tpu.memory_space<vmem>>
    %dma_start3A_590 = arith.constant 1664 : i32
    %dma_start3A_591 = tpu.memref_slice %arg11[%dma_start3A_590] : memref<3200xi32, #tpu.memory_space<vmem>> -> memref<128xi32, #tpu.memory_space<vmem>>
    %dma_start3A_592 = arith.constant 0 : i32
    %dma_start3A_593 = arith.constant 0 : i32
    %dma_start3A_594 = tpu.memref_slice %arg5[%dma_start3A_592, %dma_start3A_593] : memref<16384x64xf32, #tpu.memory_space<hbm>> -> memref<16384x64xf32, #tpu.memory_space<hbm>>
    %dma_start3A_595 = arith.constant -1 : i32
    tpu.enqueue_indirect_dma source(%dma_start3A_594 : memref<16384x64xf32, #tpu.memory_space<hbm>>) target(%dma_start3A_589 : memref<128x64xf32, #tpu.memory_space<vmem>>) offsets(%dma_start3A_591 : memref<128xi32, #tpu.memory_space<vmem>>) offset_filter(%dma_start3A_595) semaphore(%arg16 : memref<!tpu.dma_semaphore, #tpu.memory_space<semaphore_mem>>)
    %dma_wait3A_596 = arith.constant 0 : i32
    %dma_wait3A_597 = arith.constant 0 : i32
    %dma_wait3A_598 = arith.constant 0 : i32
    %dma_wait3A_599 = tpu.memref_slice %arg15[%dma_wait3A_596, %dma_wait3A_597, %dma_wait3A_598] : memref<3x128x64xf32, #tpu.memory_space<vmem>> -> memref<1x128x64xf32, #tpu.memory_space<vmem>>
    %dma_wait3A_600 = tpu.memref_squeeze %dma_wait3A_599 : memref<1x128x64xf32, #tpu.memory_space<vmem>> -> memref<128x64xf32, #tpu.memory_space<vmem>>
    %dma_wait3A_601 = arith.constant 1536 : i32
    %dma_wait3A_602 = tpu.memref_slice %arg11[%dma_wait3A_601] : memref<3200xi32, #tpu.memory_space<vmem>> -> memref<128xi32, #tpu.memory_space<vmem>>
    %dma_wait3A_603 = arith.constant 0 : i32
    %dma_wait3A_604 = arith.constant 0 : i32
    %dma_wait3A_605 = tpu.memref_slice %arg5[%dma_wait3A_603, %dma_wait3A_604] : memref<16384x64xf32, #tpu.memory_space<hbm>> -> memref<16384x64xf32, #tpu.memory_space<hbm>>
    tpu.wait_indirect_dma semaphore(%arg16 : memref<!tpu.dma_semaphore, #tpu.memory_space<semaphore_mem>>) src(%dma_wait3A_605 : memref<16384x64xf32, #tpu.memory_space<hbm>>) dst(%dma_wait3A_600 : memref<128x64xf32, #tpu.memory_space<vmem>>)
    %dma_start3A_606 = arith.constant 0 : i32
    %dma_start3A_607 = arith.constant 12 : i32
    %dma_start3A_608 = arith.constant 0 : i32
    %dma_start3A_609 = arith.constant 0 : i32
    %dma_start3A_610 = tpu.memref_slice %arg15[%dma_start3A_606, %dma_start3A_608, %dma_start3A_609] : memref<3x128x64xf32, #tpu.memory_space<vmem>> -> memref<1x128x64xf32, #tpu.memory_space<vmem>>
    %dma_start3A_611 = tpu.memref_squeeze %dma_start3A_610 : memref<1x128x64xf32, #tpu.memory_space<vmem>> -> memref<128x64xf32, #tpu.memory_space<vmem>>
    %dma_start3A_612 = arith.constant 0 : i32
    %dma_start3A_613 = tpu.memref_slice %arg12[%dma_start3A_607, %dma_start3A_612] : memref<25x128xi32, #tpu.memory_space<vmem>> -> memref<1x128xi32, #tpu.memory_space<vmem>>
    %dma_start3A_614 = tpu.memref_squeeze %dma_start3A_613 : memref<1x128xi32, #tpu.memory_space<vmem>> -> memref<128xi32, #tpu.memory_space<vmem>>
    %dma_start3A_615 = arith.constant 0 : i32
    %dma_start3A_616 = arith.constant 0 : i32
    %dma_start3A_617 = tpu.memref_slice %arg6[%dma_start3A_615, %dma_start3A_616] : memref<100000x64xf32, #tpu.memory_space<hbm>> -> memref<100000x64xf32, #tpu.memory_space<hbm>>
    %dma_start3A_618 = arith.constant -1 : i32
    tpu.enqueue_indirect_dma source(%dma_start3A_611 : memref<128x64xf32, #tpu.memory_space<vmem>>) target(%dma_start3A_617 : memref<100000x64xf32, #tpu.memory_space<hbm>>) offsets(%dma_start3A_614 : memref<128xi32, #tpu.memory_space<vmem>>) offset_filter(%dma_start3A_618) semaphore(%arg17 : memref<!tpu.dma_semaphore, #tpu.memory_space<semaphore_mem>>)
    %dma_wait3A_619 = arith.constant 2 : i32
    %dma_wait3A_620 = arith.constant 11 : i32
    %dma_wait3A_621 = arith.constant 0 : i32
    %dma_wait3A_622 = arith.constant 0 : i32
    %dma_wait3A_623 = tpu.memref_slice %arg15[%dma_wait3A_619, %dma_wait3A_621, %dma_wait3A_622] : memref<3x128x64xf32, #tpu.memory_space<vmem>> -> memref<1x128x64xf32, #tpu.memory_space<vmem>>
    %dma_wait3A_624 = tpu.memref_squeeze %dma_wait3A_623 : memref<1x128x64xf32, #tpu.memory_space<vmem>> -> memref<128x64xf32, #tpu.memory_space<vmem>>
    %dma_wait3A_625 = arith.constant 0 : i32
    %dma_wait3A_626 = tpu.memref_slice %arg12[%dma_wait3A_620, %dma_wait3A_625] : memref<25x128xi32, #tpu.memory_space<vmem>> -> memref<1x128xi32, #tpu.memory_space<vmem>>
    %dma_wait3A_627 = tpu.memref_squeeze %dma_wait3A_626 : memref<1x128xi32, #tpu.memory_space<vmem>> -> memref<128xi32, #tpu.memory_space<vmem>>
    %dma_wait3A_628 = arith.constant 0 : i32
    %dma_wait3A_629 = arith.constant 0 : i32
    %dma_wait3A_630 = tpu.memref_slice %arg6[%dma_wait3A_628, %dma_wait3A_629] : memref<100000x64xf32, #tpu.memory_space<hbm>> -> memref<100000x64xf32, #tpu.memory_space<hbm>>
    tpu.wait_indirect_dma semaphore(%arg17 : memref<!tpu.dma_semaphore, #tpu.memory_space<semaphore_mem>>) src(%dma_wait3A_624 : memref<128x64xf32, #tpu.memory_space<vmem>>) dst(%dma_wait3A_630 : memref<100000x64xf32, #tpu.memory_space<hbm>>)
    %dma_start3A_631 = arith.constant 2 : i32
    %dma_start3A_632 = arith.constant 0 : i32
    %dma_start3A_633 = arith.constant 0 : i32
    %dma_start3A_634 = tpu.memref_slice %arg15[%dma_start3A_631, %dma_start3A_632, %dma_start3A_633] : memref<3x128x64xf32, #tpu.memory_space<vmem>> -> memref<1x128x64xf32, #tpu.memory_space<vmem>>
    %dma_start3A_635 = tpu.memref_squeeze %dma_start3A_634 : memref<1x128x64xf32, #tpu.memory_space<vmem>> -> memref<128x64xf32, #tpu.memory_space<vmem>>
    %dma_start3A_636 = arith.constant 1792 : i32
    %dma_start3A_637 = tpu.memref_slice %arg11[%dma_start3A_636] : memref<3200xi32, #tpu.memory_space<vmem>> -> memref<128xi32, #tpu.memory_space<vmem>>
    %dma_start3A_638 = arith.constant 0 : i32
    %dma_start3A_639 = arith.constant 0 : i32
    %dma_start3A_640 = tpu.memref_slice %arg5[%dma_start3A_638, %dma_start3A_639] : memref<16384x64xf32, #tpu.memory_space<hbm>> -> memref<16384x64xf32, #tpu.memory_space<hbm>>
    %dma_start3A_641 = arith.constant -1 : i32
    tpu.enqueue_indirect_dma source(%dma_start3A_640 : memref<16384x64xf32, #tpu.memory_space<hbm>>) target(%dma_start3A_635 : memref<128x64xf32, #tpu.memory_space<vmem>>) offsets(%dma_start3A_637 : memref<128xi32, #tpu.memory_space<vmem>>) offset_filter(%dma_start3A_641) semaphore(%arg16 : memref<!tpu.dma_semaphore, #tpu.memory_space<semaphore_mem>>)
    %dma_wait3A_642 = arith.constant 1 : i32
    %dma_wait3A_643 = arith.constant 0 : i32
    %dma_wait3A_644 = arith.constant 0 : i32
    %dma_wait3A_645 = tpu.memref_slice %arg15[%dma_wait3A_642, %dma_wait3A_643, %dma_wait3A_644] : memref<3x128x64xf32, #tpu.memory_space<vmem>> -> memref<1x128x64xf32, #tpu.memory_space<vmem>>
    %dma_wait3A_646 = tpu.memref_squeeze %dma_wait3A_645 : memref<1x128x64xf32, #tpu.memory_space<vmem>> -> memref<128x64xf32, #tpu.memory_space<vmem>>
    %dma_wait3A_647 = arith.constant 1664 : i32
    %dma_wait3A_648 = tpu.memref_slice %arg11[%dma_wait3A_647] : memref<3200xi32, #tpu.memory_space<vmem>> -> memref<128xi32, #tpu.memory_space<vmem>>
    %dma_wait3A_649 = arith.constant 0 : i32
    %dma_wait3A_650 = arith.constant 0 : i32
    %dma_wait3A_651 = tpu.memref_slice %arg5[%dma_wait3A_649, %dma_wait3A_650] : memref<16384x64xf32, #tpu.memory_space<hbm>> -> memref<16384x64xf32, #tpu.memory_space<hbm>>
    tpu.wait_indirect_dma semaphore(%arg16 : memref<!tpu.dma_semaphore, #tpu.memory_space<semaphore_mem>>) src(%dma_wait3A_651 : memref<16384x64xf32, #tpu.memory_space<hbm>>) dst(%dma_wait3A_646 : memref<128x64xf32, #tpu.memory_space<vmem>>)
    %dma_start3A_652 = arith.constant 1 : i32
    %dma_start3A_653 = arith.constant 13 : i32
    %dma_start3A_654 = arith.constant 0 : i32
    %dma_start3A_655 = arith.constant 0 : i32
    %dma_start3A_656 = tpu.memref_slice %arg15[%dma_start3A_652, %dma_start3A_654, %dma_start3A_655] : memref<3x128x64xf32, #tpu.memory_space<vmem>> -> memref<1x128x64xf32, #tpu.memory_space<vmem>>
    %dma_start3A_657 = tpu.memref_squeeze %dma_start3A_656 : memref<1x128x64xf32, #tpu.memory_space<vmem>> -> memref<128x64xf32, #tpu.memory_space<vmem>>
    %dma_start3A_658 = arith.constant 0 : i32
    %dma_start3A_659 = tpu.memref_slice %arg12[%dma_start3A_653, %dma_start3A_658] : memref<25x128xi32, #tpu.memory_space<vmem>> -> memref<1x128xi32, #tpu.memory_space<vmem>>
    %dma_start3A_660 = tpu.memref_squeeze %dma_start3A_659 : memref<1x128xi32, #tpu.memory_space<vmem>> -> memref<128xi32, #tpu.memory_space<vmem>>
    %dma_start3A_661 = arith.constant 0 : i32
    %dma_start3A_662 = arith.constant 0 : i32
    %dma_start3A_663 = tpu.memref_slice %arg6[%dma_start3A_661, %dma_start3A_662] : memref<100000x64xf32, #tpu.memory_space<hbm>> -> memref<100000x64xf32, #tpu.memory_space<hbm>>
    %dma_start3A_664 = arith.constant -1 : i32
    tpu.enqueue_indirect_dma source(%dma_start3A_657 : memref<128x64xf32, #tpu.memory_space<vmem>>) target(%dma_start3A_663 : memref<100000x64xf32, #tpu.memory_space<hbm>>) offsets(%dma_start3A_660 : memref<128xi32, #tpu.memory_space<vmem>>) offset_filter(%dma_start3A_664) semaphore(%arg17 : memref<!tpu.dma_semaphore, #tpu.memory_space<semaphore_mem>>)
    %dma_wait3A_665 = arith.constant 0 : i32
    %dma_wait3A_666 = arith.constant 12 : i32
    %dma_wait3A_667 = arith.constant 0 : i32
    %dma_wait3A_668 = arith.constant 0 : i32
    %dma_wait3A_669 = tpu.memref_slice %arg15[%dma_wait3A_665, %dma_wait3A_667, %dma_wait3A_668] : memref<3x128x64xf32, #tpu.memory_space<vmem>> -> memref<1x128x64xf32, #tpu.memory_space<vmem>>
    %dma_wait3A_670 = tpu.memref_squeeze %dma_wait3A_669 : memref<1x128x64xf32, #tpu.memory_space<vmem>> -> memref<128x64xf32, #tpu.memory_space<vmem>>
    %dma_wait3A_671 = arith.constant 0 : i32
    %dma_wait3A_672 = tpu.memref_slice %arg12[%dma_wait3A_666, %dma_wait3A_671] : memref<25x128xi32, #tpu.memory_space<vmem>> -> memref<1x128xi32, #tpu.memory_space<vmem>>
    %dma_wait3A_673 = tpu.memref_squeeze %dma_wait3A_672 : memref<1x128xi32, #tpu.memory_space<vmem>> -> memref<128xi32, #tpu.memory_space<vmem>>
    %dma_wait3A_674 = arith.constant 0 : i32
    %dma_wait3A_675 = arith.constant 0 : i32
    %dma_wait3A_676 = tpu.memref_slice %arg6[%dma_wait3A_674, %dma_wait3A_675] : memref<100000x64xf32, #tpu.memory_space<hbm>> -> memref<100000x64xf32, #tpu.memory_space<hbm>>
    tpu.wait_indirect_dma semaphore(%arg17 : memref<!tpu.dma_semaphore, #tpu.memory_space<semaphore_mem>>) src(%dma_wait3A_670 : memref<128x64xf32, #tpu.memory_space<vmem>>) dst(%dma_wait3A_676 : memref<100000x64xf32, #tpu.memory_space<hbm>>)
    %dma_start3A_677 = arith.constant 0 : i32
    %dma_start3A_678 = arith.constant 0 : i32
    %dma_start3A_679 = arith.constant 0 : i32
    %dma_start3A_680 = tpu.memref_slice %arg15[%dma_start3A_677, %dma_start3A_678, %dma_start3A_679] : memref<3x128x64xf32, #tpu.memory_space<vmem>> -> memref<1x128x64xf32, #tpu.memory_space<vmem>>
    %dma_start3A_681 = tpu.memref_squeeze %dma_start3A_680 : memref<1x128x64xf32, #tpu.memory_space<vmem>> -> memref<128x64xf32, #tpu.memory_space<vmem>>
    %dma_start3A_682 = arith.constant 1920 : i32
    %dma_start3A_683 = tpu.memref_slice %arg11[%dma_start3A_682] : memref<3200xi32, #tpu.memory_space<vmem>> -> memref<128xi32, #tpu.memory_space<vmem>>
    %dma_start3A_684 = arith.constant 0 : i32
    %dma_start3A_685 = arith.constant 0 : i32
    %dma_start3A_686 = tpu.memref_slice %arg5[%dma_start3A_684, %dma_start3A_685] : memref<16384x64xf32, #tpu.memory_space<hbm>> -> memref<16384x64xf32, #tpu.memory_space<hbm>>
    %dma_start3A_687 = arith.constant -1 : i32
    tpu.enqueue_indirect_dma source(%dma_start3A_686 : memref<16384x64xf32, #tpu.memory_space<hbm>>) target(%dma_start3A_681 : memref<128x64xf32, #tpu.memory_space<vmem>>) offsets(%dma_start3A_683 : memref<128xi32, #tpu.memory_space<vmem>>) offset_filter(%dma_start3A_687) semaphore(%arg16 : memref<!tpu.dma_semaphore, #tpu.memory_space<semaphore_mem>>)
    %dma_wait3A_688 = arith.constant 2 : i32
    %dma_wait3A_689 = arith.constant 0 : i32
    %dma_wait3A_690 = arith.constant 0 : i32
    %dma_wait3A_691 = tpu.memref_slice %arg15[%dma_wait3A_688, %dma_wait3A_689, %dma_wait3A_690] : memref<3x128x64xf32, #tpu.memory_space<vmem>> -> memref<1x128x64xf32, #tpu.memory_space<vmem>>
    %dma_wait3A_692 = tpu.memref_squeeze %dma_wait3A_691 : memref<1x128x64xf32, #tpu.memory_space<vmem>> -> memref<128x64xf32, #tpu.memory_space<vmem>>
    %dma_wait3A_693 = arith.constant 1792 : i32
    %dma_wait3A_694 = tpu.memref_slice %arg11[%dma_wait3A_693] : memref<3200xi32, #tpu.memory_space<vmem>> -> memref<128xi32, #tpu.memory_space<vmem>>
    %dma_wait3A_695 = arith.constant 0 : i32
    %dma_wait3A_696 = arith.constant 0 : i32
    %dma_wait3A_697 = tpu.memref_slice %arg5[%dma_wait3A_695, %dma_wait3A_696] : memref<16384x64xf32, #tpu.memory_space<hbm>> -> memref<16384x64xf32, #tpu.memory_space<hbm>>
    tpu.wait_indirect_dma semaphore(%arg16 : memref<!tpu.dma_semaphore, #tpu.memory_space<semaphore_mem>>) src(%dma_wait3A_697 : memref<16384x64xf32, #tpu.memory_space<hbm>>) dst(%dma_wait3A_692 : memref<128x64xf32, #tpu.memory_space<vmem>>)
    %dma_start3A_698 = arith.constant 2 : i32
    %dma_start3A_699 = arith.constant 14 : i32
    %dma_start3A_700 = arith.constant 0 : i32
    %dma_start3A_701 = arith.constant 0 : i32
    %dma_start3A_702 = tpu.memref_slice %arg15[%dma_start3A_698, %dma_start3A_700, %dma_start3A_701] : memref<3x128x64xf32, #tpu.memory_space<vmem>> -> memref<1x128x64xf32, #tpu.memory_space<vmem>>
    %dma_start3A_703 = tpu.memref_squeeze %dma_start3A_702 : memref<1x128x64xf32, #tpu.memory_space<vmem>> -> memref<128x64xf32, #tpu.memory_space<vmem>>
    %dma_start3A_704 = arith.constant 0 : i32
    %dma_start3A_705 = tpu.memref_slice %arg12[%dma_start3A_699, %dma_start3A_704] : memref<25x128xi32, #tpu.memory_space<vmem>> -> memref<1x128xi32, #tpu.memory_space<vmem>>
    %dma_start3A_706 = tpu.memref_squeeze %dma_start3A_705 : memref<1x128xi32, #tpu.memory_space<vmem>> -> memref<128xi32, #tpu.memory_space<vmem>>
    %dma_start3A_707 = arith.constant 0 : i32
    %dma_start3A_708 = arith.constant 0 : i32
    %dma_start3A_709 = tpu.memref_slice %arg6[%dma_start3A_707, %dma_start3A_708] : memref<100000x64xf32, #tpu.memory_space<hbm>> -> memref<100000x64xf32, #tpu.memory_space<hbm>>
    %dma_start3A_710 = arith.constant -1 : i32
    tpu.enqueue_indirect_dma source(%dma_start3A_703 : memref<128x64xf32, #tpu.memory_space<vmem>>) target(%dma_start3A_709 : memref<100000x64xf32, #tpu.memory_space<hbm>>) offsets(%dma_start3A_706 : memref<128xi32, #tpu.memory_space<vmem>>) offset_filter(%dma_start3A_710) semaphore(%arg17 : memref<!tpu.dma_semaphore, #tpu.memory_space<semaphore_mem>>)
    %dma_wait3A_711 = arith.constant 1 : i32
    %dma_wait3A_712 = arith.constant 13 : i32
    %dma_wait3A_713 = arith.constant 0 : i32
    %dma_wait3A_714 = arith.constant 0 : i32
    %dma_wait3A_715 = tpu.memref_slice %arg15[%dma_wait3A_711, %dma_wait3A_713, %dma_wait3A_714] : memref<3x128x64xf32, #tpu.memory_space<vmem>> -> memref<1x128x64xf32, #tpu.memory_space<vmem>>
    %dma_wait3A_716 = tpu.memref_squeeze %dma_wait3A_715 : memref<1x128x64xf32, #tpu.memory_space<vmem>> -> memref<128x64xf32, #tpu.memory_space<vmem>>
    %dma_wait3A_717 = arith.constant 0 : i32
    %dma_wait3A_718 = tpu.memref_slice %arg12[%dma_wait3A_712, %dma_wait3A_717] : memref<25x128xi32, #tpu.memory_space<vmem>> -> memref<1x128xi32, #tpu.memory_space<vmem>>
    %dma_wait3A_719 = tpu.memref_squeeze %dma_wait3A_718 : memref<1x128xi32, #tpu.memory_space<vmem>> -> memref<128xi32, #tpu.memory_space<vmem>>
    %dma_wait3A_720 = arith.constant 0 : i32
    %dma_wait3A_721 = arith.constant 0 : i32
    %dma_wait3A_722 = tpu.memref_slice %arg6[%dma_wait3A_720, %dma_wait3A_721] : memref<100000x64xf32, #tpu.memory_space<hbm>> -> memref<100000x64xf32, #tpu.memory_space<hbm>>
    tpu.wait_indirect_dma semaphore(%arg17 : memref<!tpu.dma_semaphore, #tpu.memory_space<semaphore_mem>>) src(%dma_wait3A_716 : memref<128x64xf32, #tpu.memory_space<vmem>>) dst(%dma_wait3A_722 : memref<100000x64xf32, #tpu.memory_space<hbm>>)
    %dma_start3A_723 = arith.constant 1 : i32
    %dma_start3A_724 = arith.constant 0 : i32
    %dma_start3A_725 = arith.constant 0 : i32
    %dma_start3A_726 = tpu.memref_slice %arg15[%dma_start3A_723, %dma_start3A_724, %dma_start3A_725] : memref<3x128x64xf32, #tpu.memory_space<vmem>> -> memref<1x128x64xf32, #tpu.memory_space<vmem>>
    %dma_start3A_727 = tpu.memref_squeeze %dma_start3A_726 : memref<1x128x64xf32, #tpu.memory_space<vmem>> -> memref<128x64xf32, #tpu.memory_space<vmem>>
    %dma_start3A_728 = arith.constant 2048 : i32
    %dma_start3A_729 = tpu.memref_slice %arg11[%dma_start3A_728] : memref<3200xi32, #tpu.memory_space<vmem>> -> memref<128xi32, #tpu.memory_space<vmem>>
    %dma_start3A_730 = arith.constant 0 : i32
    %dma_start3A_731 = arith.constant 0 : i32
    %dma_start3A_732 = tpu.memref_slice %arg5[%dma_start3A_730, %dma_start3A_731] : memref<16384x64xf32, #tpu.memory_space<hbm>> -> memref<16384x64xf32, #tpu.memory_space<hbm>>
    %dma_start3A_733 = arith.constant -1 : i32
    tpu.enqueue_indirect_dma source(%dma_start3A_732 : memref<16384x64xf32, #tpu.memory_space<hbm>>) target(%dma_start3A_727 : memref<128x64xf32, #tpu.memory_space<vmem>>) offsets(%dma_start3A_729 : memref<128xi32, #tpu.memory_space<vmem>>) offset_filter(%dma_start3A_733) semaphore(%arg16 : memref<!tpu.dma_semaphore, #tpu.memory_space<semaphore_mem>>)
    %dma_wait3A_734 = arith.constant 0 : i32
    %dma_wait3A_735 = arith.constant 0 : i32
    %dma_wait3A_736 = arith.constant 0 : i32
    %dma_wait3A_737 = tpu.memref_slice %arg15[%dma_wait3A_734, %dma_wait3A_735, %dma_wait3A_736] : memref<3x128x64xf32, #tpu.memory_space<vmem>> -> memref<1x128x64xf32, #tpu.memory_space<vmem>>
    %dma_wait3A_738 = tpu.memref_squeeze %dma_wait3A_737 : memref<1x128x64xf32, #tpu.memory_space<vmem>> -> memref<128x64xf32, #tpu.memory_space<vmem>>
    %dma_wait3A_739 = arith.constant 1920 : i32
    %dma_wait3A_740 = tpu.memref_slice %arg11[%dma_wait3A_739] : memref<3200xi32, #tpu.memory_space<vmem>> -> memref<128xi32, #tpu.memory_space<vmem>>
    %dma_wait3A_741 = arith.constant 0 : i32
    %dma_wait3A_742 = arith.constant 0 : i32
    %dma_wait3A_743 = tpu.memref_slice %arg5[%dma_wait3A_741, %dma_wait3A_742] : memref<16384x64xf32, #tpu.memory_space<hbm>> -> memref<16384x64xf32, #tpu.memory_space<hbm>>
    tpu.wait_indirect_dma semaphore(%arg16 : memref<!tpu.dma_semaphore, #tpu.memory_space<semaphore_mem>>) src(%dma_wait3A_743 : memref<16384x64xf32, #tpu.memory_space<hbm>>) dst(%dma_wait3A_738 : memref<128x64xf32, #tpu.memory_space<vmem>>)
    %dma_start3A_744 = arith.constant 0 : i32
    %dma_start3A_745 = arith.constant 15 : i32
    %dma_start3A_746 = arith.constant 0 : i32
    %dma_start3A_747 = arith.constant 0 : i32
    %dma_start3A_748 = tpu.memref_slice %arg15[%dma_start3A_744, %dma_start3A_746, %dma_start3A_747] : memref<3x128x64xf32, #tpu.memory_space<vmem>> -> memref<1x128x64xf32, #tpu.memory_space<vmem>>
    %dma_start3A_749 = tpu.memref_squeeze %dma_start3A_748 : memref<1x128x64xf32, #tpu.memory_space<vmem>> -> memref<128x64xf32, #tpu.memory_space<vmem>>
    %dma_start3A_750 = arith.constant 0 : i32
    %dma_start3A_751 = tpu.memref_slice %arg12[%dma_start3A_745, %dma_start3A_750] : memref<25x128xi32, #tpu.memory_space<vmem>> -> memref<1x128xi32, #tpu.memory_space<vmem>>
    %dma_start3A_752 = tpu.memref_squeeze %dma_start3A_751 : memref<1x128xi32, #tpu.memory_space<vmem>> -> memref<128xi32, #tpu.memory_space<vmem>>
    %dma_start3A_753 = arith.constant 0 : i32
    %dma_start3A_754 = arith.constant 0 : i32
    %dma_start3A_755 = tpu.memref_slice %arg6[%dma_start3A_753, %dma_start3A_754] : memref<100000x64xf32, #tpu.memory_space<hbm>> -> memref<100000x64xf32, #tpu.memory_space<hbm>>
    %dma_start3A_756 = arith.constant -1 : i32
    tpu.enqueue_indirect_dma source(%dma_start3A_749 : memref<128x64xf32, #tpu.memory_space<vmem>>) target(%dma_start3A_755 : memref<100000x64xf32, #tpu.memory_space<hbm>>) offsets(%dma_start3A_752 : memref<128xi32, #tpu.memory_space<vmem>>) offset_filter(%dma_start3A_756) semaphore(%arg17 : memref<!tpu.dma_semaphore, #tpu.memory_space<semaphore_mem>>)
    %dma_wait3A_757 = arith.constant 2 : i32
    %dma_wait3A_758 = arith.constant 14 : i32
    %dma_wait3A_759 = arith.constant 0 : i32
    %dma_wait3A_760 = arith.constant 0 : i32
    %dma_wait3A_761 = tpu.memref_slice %arg15[%dma_wait3A_757, %dma_wait3A_759, %dma_wait3A_760] : memref<3x128x64xf32, #tpu.memory_space<vmem>> -> memref<1x128x64xf32, #tpu.memory_space<vmem>>
    %dma_wait3A_762 = tpu.memref_squeeze %dma_wait3A_761 : memref<1x128x64xf32, #tpu.memory_space<vmem>> -> memref<128x64xf32, #tpu.memory_space<vmem>>
    %dma_wait3A_763 = arith.constant 0 : i32
    %dma_wait3A_764 = tpu.memref_slice %arg12[%dma_wait3A_758, %dma_wait3A_763] : memref<25x128xi32, #tpu.memory_space<vmem>> -> memref<1x128xi32, #tpu.memory_space<vmem>>
    %dma_wait3A_765 = tpu.memref_squeeze %dma_wait3A_764 : memref<1x128xi32, #tpu.memory_space<vmem>> -> memref<128xi32, #tpu.memory_space<vmem>>
    %dma_wait3A_766 = arith.constant 0 : i32
    %dma_wait3A_767 = arith.constant 0 : i32
    %dma_wait3A_768 = tpu.memref_slice %arg6[%dma_wait3A_766, %dma_wait3A_767] : memref<100000x64xf32, #tpu.memory_space<hbm>> -> memref<100000x64xf32, #tpu.memory_space<hbm>>
    tpu.wait_indirect_dma semaphore(%arg17 : memref<!tpu.dma_semaphore, #tpu.memory_space<semaphore_mem>>) src(%dma_wait3A_762 : memref<128x64xf32, #tpu.memory_space<vmem>>) dst(%dma_wait3A_768 : memref<100000x64xf32, #tpu.memory_space<hbm>>)
    %dma_start3A_769 = arith.constant 2 : i32
    %dma_start3A_770 = arith.constant 0 : i32
    %dma_start3A_771 = arith.constant 0 : i32
    %dma_start3A_772 = tpu.memref_slice %arg15[%dma_start3A_769, %dma_start3A_770, %dma_start3A_771] : memref<3x128x64xf32, #tpu.memory_space<vmem>> -> memref<1x128x64xf32, #tpu.memory_space<vmem>>
    %dma_start3A_773 = tpu.memref_squeeze %dma_start3A_772 : memref<1x128x64xf32, #tpu.memory_space<vmem>> -> memref<128x64xf32, #tpu.memory_space<vmem>>
    %dma_start3A_774 = arith.constant 2176 : i32
    %dma_start3A_775 = tpu.memref_slice %arg11[%dma_start3A_774] : memref<3200xi32, #tpu.memory_space<vmem>> -> memref<128xi32, #tpu.memory_space<vmem>>
    %dma_start3A_776 = arith.constant 0 : i32
    %dma_start3A_777 = arith.constant 0 : i32
    %dma_start3A_778 = tpu.memref_slice %arg5[%dma_start3A_776, %dma_start3A_777] : memref<16384x64xf32, #tpu.memory_space<hbm>> -> memref<16384x64xf32, #tpu.memory_space<hbm>>
    %dma_start3A_779 = arith.constant -1 : i32
    tpu.enqueue_indirect_dma source(%dma_start3A_778 : memref<16384x64xf32, #tpu.memory_space<hbm>>) target(%dma_start3A_773 : memref<128x64xf32, #tpu.memory_space<vmem>>) offsets(%dma_start3A_775 : memref<128xi32, #tpu.memory_space<vmem>>) offset_filter(%dma_start3A_779) semaphore(%arg16 : memref<!tpu.dma_semaphore, #tpu.memory_space<semaphore_mem>>)
    %dma_wait3A_780 = arith.constant 1 : i32
    %dma_wait3A_781 = arith.constant 0 : i32
    %dma_wait3A_782 = arith.constant 0 : i32
    %dma_wait3A_783 = tpu.memref_slice %arg15[%dma_wait3A_780, %dma_wait3A_781, %dma_wait3A_782] : memref<3x128x64xf32, #tpu.memory_space<vmem>> -> memref<1x128x64xf32, #tpu.memory_space<vmem>>
    %dma_wait3A_784 = tpu.memref_squeeze %dma_wait3A_783 : memref<1x128x64xf32, #tpu.memory_space<vmem>> -> memref<128x64xf32, #tpu.memory_space<vmem>>
    %dma_wait3A_785 = arith.constant 2048 : i32
    %dma_wait3A_786 = tpu.memref_slice %arg11[%dma_wait3A_785] : memref<3200xi32, #tpu.memory_space<vmem>> -> memref<128xi32, #tpu.memory_space<vmem>>
    %dma_wait3A_787 = arith.constant 0 : i32
    %dma_wait3A_788 = arith.constant 0 : i32
    %dma_wait3A_789 = tpu.memref_slice %arg5[%dma_wait3A_787, %dma_wait3A_788] : memref<16384x64xf32, #tpu.memory_space<hbm>> -> memref<16384x64xf32, #tpu.memory_space<hbm>>
    tpu.wait_indirect_dma semaphore(%arg16 : memref<!tpu.dma_semaphore, #tpu.memory_space<semaphore_mem>>) src(%dma_wait3A_789 : memref<16384x64xf32, #tpu.memory_space<hbm>>) dst(%dma_wait3A_784 : memref<128x64xf32, #tpu.memory_space<vmem>>)
    %dma_start3A_790 = arith.constant 1 : i32
    %dma_start3A_791 = arith.constant 16 : i32
    %dma_start3A_792 = arith.constant 0 : i32
    %dma_start3A_793 = arith.constant 0 : i32
    %dma_start3A_794 = tpu.memref_slice %arg15[%dma_start3A_790, %dma_start3A_792, %dma_start3A_793] : memref<3x128x64xf32, #tpu.memory_space<vmem>> -> memref<1x128x64xf32, #tpu.memory_space<vmem>>
    %dma_start3A_795 = tpu.memref_squeeze %dma_start3A_794 : memref<1x128x64xf32, #tpu.memory_space<vmem>> -> memref<128x64xf32, #tpu.memory_space<vmem>>
    %dma_start3A_796 = arith.constant 0 : i32
    %dma_start3A_797 = tpu.memref_slice %arg12[%dma_start3A_791, %dma_start3A_796] : memref<25x128xi32, #tpu.memory_space<vmem>> -> memref<1x128xi32, #tpu.memory_space<vmem>>
    %dma_start3A_798 = tpu.memref_squeeze %dma_start3A_797 : memref<1x128xi32, #tpu.memory_space<vmem>> -> memref<128xi32, #tpu.memory_space<vmem>>
    %dma_start3A_799 = arith.constant 0 : i32
    %dma_start3A_800 = arith.constant 0 : i32
    %dma_start3A_801 = tpu.memref_slice %arg6[%dma_start3A_799, %dma_start3A_800] : memref<100000x64xf32, #tpu.memory_space<hbm>> -> memref<100000x64xf32, #tpu.memory_space<hbm>>
    %dma_start3A_802 = arith.constant -1 : i32
    tpu.enqueue_indirect_dma source(%dma_start3A_795 : memref<128x64xf32, #tpu.memory_space<vmem>>) target(%dma_start3A_801 : memref<100000x64xf32, #tpu.memory_space<hbm>>) offsets(%dma_start3A_798 : memref<128xi32, #tpu.memory_space<vmem>>) offset_filter(%dma_start3A_802) semaphore(%arg17 : memref<!tpu.dma_semaphore, #tpu.memory_space<semaphore_mem>>)
    %dma_wait3A_803 = arith.constant 0 : i32
    %dma_wait3A_804 = arith.constant 15 : i32
    %dma_wait3A_805 = arith.constant 0 : i32
    %dma_wait3A_806 = arith.constant 0 : i32
    %dma_wait3A_807 = tpu.memref_slice %arg15[%dma_wait3A_803, %dma_wait3A_805, %dma_wait3A_806] : memref<3x128x64xf32, #tpu.memory_space<vmem>> -> memref<1x128x64xf32, #tpu.memory_space<vmem>>
    %dma_wait3A_808 = tpu.memref_squeeze %dma_wait3A_807 : memref<1x128x64xf32, #tpu.memory_space<vmem>> -> memref<128x64xf32, #tpu.memory_space<vmem>>
    %dma_wait3A_809 = arith.constant 0 : i32
    %dma_wait3A_810 = tpu.memref_slice %arg12[%dma_wait3A_804, %dma_wait3A_809] : memref<25x128xi32, #tpu.memory_space<vmem>> -> memref<1x128xi32, #tpu.memory_space<vmem>>
    %dma_wait3A_811 = tpu.memref_squeeze %dma_wait3A_810 : memref<1x128xi32, #tpu.memory_space<vmem>> -> memref<128xi32, #tpu.memory_space<vmem>>
    %dma_wait3A_812 = arith.constant 0 : i32
    %dma_wait3A_813 = arith.constant 0 : i32
    %dma_wait3A_814 = tpu.memref_slice %arg6[%dma_wait3A_812, %dma_wait3A_813] : memref<100000x64xf32, #tpu.memory_space<hbm>> -> memref<100000x64xf32, #tpu.memory_space<hbm>>
    tpu.wait_indirect_dma semaphore(%arg17 : memref<!tpu.dma_semaphore, #tpu.memory_space<semaphore_mem>>) src(%dma_wait3A_808 : memref<128x64xf32, #tpu.memory_space<vmem>>) dst(%dma_wait3A_814 : memref<100000x64xf32, #tpu.memory_space<hbm>>)
    %dma_start3A_815 = arith.constant 0 : i32
    %dma_start3A_816 = arith.constant 0 : i32
    %dma_start3A_817 = arith.constant 0 : i32
    %dma_start3A_818 = tpu.memref_slice %arg15[%dma_start3A_815, %dma_start3A_816, %dma_start3A_817] : memref<3x128x64xf32, #tpu.memory_space<vmem>> -> memref<1x128x64xf32, #tpu.memory_space<vmem>>
    %dma_start3A_819 = tpu.memref_squeeze %dma_start3A_818 : memref<1x128x64xf32, #tpu.memory_space<vmem>> -> memref<128x64xf32, #tpu.memory_space<vmem>>
    %dma_start3A_820 = arith.constant 2304 : i32
    %dma_start3A_821 = tpu.memref_slice %arg11[%dma_start3A_820] : memref<3200xi32, #tpu.memory_space<vmem>> -> memref<128xi32, #tpu.memory_space<vmem>>
    %dma_start3A_822 = arith.constant 0 : i32
    %dma_start3A_823 = arith.constant 0 : i32
    %dma_start3A_824 = tpu.memref_slice %arg5[%dma_start3A_822, %dma_start3A_823] : memref<16384x64xf32, #tpu.memory_space<hbm>> -> memref<16384x64xf32, #tpu.memory_space<hbm>>
    %dma_start3A_825 = arith.constant -1 : i32
    tpu.enqueue_indirect_dma source(%dma_start3A_824 : memref<16384x64xf32, #tpu.memory_space<hbm>>) target(%dma_start3A_819 : memref<128x64xf32, #tpu.memory_space<vmem>>) offsets(%dma_start3A_821 : memref<128xi32, #tpu.memory_space<vmem>>) offset_filter(%dma_start3A_825) semaphore(%arg16 : memref<!tpu.dma_semaphore, #tpu.memory_space<semaphore_mem>>)
    %dma_wait3A_826 = arith.constant 2 : i32
    %dma_wait3A_827 = arith.constant 0 : i32
    %dma_wait3A_828 = arith.constant 0 : i32
    %dma_wait3A_829 = tpu.memref_slice %arg15[%dma_wait3A_826, %dma_wait3A_827, %dma_wait3A_828] : memref<3x128x64xf32, #tpu.memory_space<vmem>> -> memref<1x128x64xf32, #tpu.memory_space<vmem>>
    %dma_wait3A_830 = tpu.memref_squeeze %dma_wait3A_829 : memref<1x128x64xf32, #tpu.memory_space<vmem>> -> memref<128x64xf32, #tpu.memory_space<vmem>>
    %dma_wait3A_831 = arith.constant 2176 : i32
    %dma_wait3A_832 = tpu.memref_slice %arg11[%dma_wait3A_831] : memref<3200xi32, #tpu.memory_space<vmem>> -> memref<128xi32, #tpu.memory_space<vmem>>
    %dma_wait3A_833 = arith.constant 0 : i32
    %dma_wait3A_834 = arith.constant 0 : i32
    %dma_wait3A_835 = tpu.memref_slice %arg5[%dma_wait3A_833, %dma_wait3A_834] : memref<16384x64xf32, #tpu.memory_space<hbm>> -> memref<16384x64xf32, #tpu.memory_space<hbm>>
    tpu.wait_indirect_dma semaphore(%arg16 : memref<!tpu.dma_semaphore, #tpu.memory_space<semaphore_mem>>) src(%dma_wait3A_835 : memref<16384x64xf32, #tpu.memory_space<hbm>>) dst(%dma_wait3A_830 : memref<128x64xf32, #tpu.memory_space<vmem>>)
    %dma_start3A_836 = arith.constant 2 : i32
    %dma_start3A_837 = arith.constant 17 : i32
    %dma_start3A_838 = arith.constant 0 : i32
    %dma_start3A_839 = arith.constant 0 : i32
    %dma_start3A_840 = tpu.memref_slice %arg15[%dma_start3A_836, %dma_start3A_838, %dma_start3A_839] : memref<3x128x64xf32, #tpu.memory_space<vmem>> -> memref<1x128x64xf32, #tpu.memory_space<vmem>>
    %dma_start3A_841 = tpu.memref_squeeze %dma_start3A_840 : memref<1x128x64xf32, #tpu.memory_space<vmem>> -> memref<128x64xf32, #tpu.memory_space<vmem>>
    %dma_start3A_842 = arith.constant 0 : i32
    %dma_start3A_843 = tpu.memref_slice %arg12[%dma_start3A_837, %dma_start3A_842] : memref<25x128xi32, #tpu.memory_space<vmem>> -> memref<1x128xi32, #tpu.memory_space<vmem>>
    %dma_start3A_844 = tpu.memref_squeeze %dma_start3A_843 : memref<1x128xi32, #tpu.memory_space<vmem>> -> memref<128xi32, #tpu.memory_space<vmem>>
    %dma_start3A_845 = arith.constant 0 : i32
    %dma_start3A_846 = arith.constant 0 : i32
    %dma_start3A_847 = tpu.memref_slice %arg6[%dma_start3A_845, %dma_start3A_846] : memref<100000x64xf32, #tpu.memory_space<hbm>> -> memref<100000x64xf32, #tpu.memory_space<hbm>>
    %dma_start3A_848 = arith.constant -1 : i32
    tpu.enqueue_indirect_dma source(%dma_start3A_841 : memref<128x64xf32, #tpu.memory_space<vmem>>) target(%dma_start3A_847 : memref<100000x64xf32, #tpu.memory_space<hbm>>) offsets(%dma_start3A_844 : memref<128xi32, #tpu.memory_space<vmem>>) offset_filter(%dma_start3A_848) semaphore(%arg17 : memref<!tpu.dma_semaphore, #tpu.memory_space<semaphore_mem>>)
    %dma_wait3A_849 = arith.constant 1 : i32
    %dma_wait3A_850 = arith.constant 16 : i32
    %dma_wait3A_851 = arith.constant 0 : i32
    %dma_wait3A_852 = arith.constant 0 : i32
    %dma_wait3A_853 = tpu.memref_slice %arg15[%dma_wait3A_849, %dma_wait3A_851, %dma_wait3A_852] : memref<3x128x64xf32, #tpu.memory_space<vmem>> -> memref<1x128x64xf32, #tpu.memory_space<vmem>>
    %dma_wait3A_854 = tpu.memref_squeeze %dma_wait3A_853 : memref<1x128x64xf32, #tpu.memory_space<vmem>> -> memref<128x64xf32, #tpu.memory_space<vmem>>
    %dma_wait3A_855 = arith.constant 0 : i32
    %dma_wait3A_856 = tpu.memref_slice %arg12[%dma_wait3A_850, %dma_wait3A_855] : memref<25x128xi32, #tpu.memory_space<vmem>> -> memref<1x128xi32, #tpu.memory_space<vmem>>
    %dma_wait3A_857 = tpu.memref_squeeze %dma_wait3A_856 : memref<1x128xi32, #tpu.memory_space<vmem>> -> memref<128xi32, #tpu.memory_space<vmem>>
    %dma_wait3A_858 = arith.constant 0 : i32
    %dma_wait3A_859 = arith.constant 0 : i32
    %dma_wait3A_860 = tpu.memref_slice %arg6[%dma_wait3A_858, %dma_wait3A_859] : memref<100000x64xf32, #tpu.memory_space<hbm>> -> memref<100000x64xf32, #tpu.memory_space<hbm>>
    tpu.wait_indirect_dma semaphore(%arg17 : memref<!tpu.dma_semaphore, #tpu.memory_space<semaphore_mem>>) src(%dma_wait3A_854 : memref<128x64xf32, #tpu.memory_space<vmem>>) dst(%dma_wait3A_860 : memref<100000x64xf32, #tpu.memory_space<hbm>>)
    %dma_start3A_861 = arith.constant 1 : i32
    %dma_start3A_862 = arith.constant 0 : i32
    %dma_start3A_863 = arith.constant 0 : i32
    %dma_start3A_864 = tpu.memref_slice %arg15[%dma_start3A_861, %dma_start3A_862, %dma_start3A_863] : memref<3x128x64xf32, #tpu.memory_space<vmem>> -> memref<1x128x64xf32, #tpu.memory_space<vmem>>
    %dma_start3A_865 = tpu.memref_squeeze %dma_start3A_864 : memref<1x128x64xf32, #tpu.memory_space<vmem>> -> memref<128x64xf32, #tpu.memory_space<vmem>>
    %dma_start3A_866 = arith.constant 2432 : i32
    %dma_start3A_867 = tpu.memref_slice %arg11[%dma_start3A_866] : memref<3200xi32, #tpu.memory_space<vmem>> -> memref<128xi32, #tpu.memory_space<vmem>>
    %dma_start3A_868 = arith.constant 0 : i32
    %dma_start3A_869 = arith.constant 0 : i32
    %dma_start3A_870 = tpu.memref_slice %arg5[%dma_start3A_868, %dma_start3A_869] : memref<16384x64xf32, #tpu.memory_space<hbm>> -> memref<16384x64xf32, #tpu.memory_space<hbm>>
    %dma_start3A_871 = arith.constant -1 : i32
    tpu.enqueue_indirect_dma source(%dma_start3A_870 : memref<16384x64xf32, #tpu.memory_space<hbm>>) target(%dma_start3A_865 : memref<128x64xf32, #tpu.memory_space<vmem>>) offsets(%dma_start3A_867 : memref<128xi32, #tpu.memory_space<vmem>>) offset_filter(%dma_start3A_871) semaphore(%arg16 : memref<!tpu.dma_semaphore, #tpu.memory_space<semaphore_mem>>)
    %dma_wait3A_872 = arith.constant 0 : i32
    %dma_wait3A_873 = arith.constant 0 : i32
    %dma_wait3A_874 = arith.constant 0 : i32
    %dma_wait3A_875 = tpu.memref_slice %arg15[%dma_wait3A_872, %dma_wait3A_873, %dma_wait3A_874] : memref<3x128x64xf32, #tpu.memory_space<vmem>> -> memref<1x128x64xf32, #tpu.memory_space<vmem>>
    %dma_wait3A_876 = tpu.memref_squeeze %dma_wait3A_875 : memref<1x128x64xf32, #tpu.memory_space<vmem>> -> memref<128x64xf32, #tpu.memory_space<vmem>>
    %dma_wait3A_877 = arith.constant 2304 : i32
    %dma_wait3A_878 = tpu.memref_slice %arg11[%dma_wait3A_877] : memref<3200xi32, #tpu.memory_space<vmem>> -> memref<128xi32, #tpu.memory_space<vmem>>
    %dma_wait3A_879 = arith.constant 0 : i32
    %dma_wait3A_880 = arith.constant 0 : i32
    %dma_wait3A_881 = tpu.memref_slice %arg5[%dma_wait3A_879, %dma_wait3A_880] : memref<16384x64xf32, #tpu.memory_space<hbm>> -> memref<16384x64xf32, #tpu.memory_space<hbm>>
    tpu.wait_indirect_dma semaphore(%arg16 : memref<!tpu.dma_semaphore, #tpu.memory_space<semaphore_mem>>) src(%dma_wait3A_881 : memref<16384x64xf32, #tpu.memory_space<hbm>>) dst(%dma_wait3A_876 : memref<128x64xf32, #tpu.memory_space<vmem>>)
    %dma_start3A_882 = arith.constant 0 : i32
    %dma_start3A_883 = arith.constant 18 : i32
    %dma_start3A_884 = arith.constant 0 : i32
    %dma_start3A_885 = arith.constant 0 : i32
    %dma_start3A_886 = tpu.memref_slice %arg15[%dma_start3A_882, %dma_start3A_884, %dma_start3A_885] : memref<3x128x64xf32, #tpu.memory_space<vmem>> -> memref<1x128x64xf32, #tpu.memory_space<vmem>>
    %dma_start3A_887 = tpu.memref_squeeze %dma_start3A_886 : memref<1x128x64xf32, #tpu.memory_space<vmem>> -> memref<128x64xf32, #tpu.memory_space<vmem>>
    %dma_start3A_888 = arith.constant 0 : i32
    %dma_start3A_889 = tpu.memref_slice %arg12[%dma_start3A_883, %dma_start3A_888] : memref<25x128xi32, #tpu.memory_space<vmem>> -> memref<1x128xi32, #tpu.memory_space<vmem>>
    %dma_start3A_890 = tpu.memref_squeeze %dma_start3A_889 : memref<1x128xi32, #tpu.memory_space<vmem>> -> memref<128xi32, #tpu.memory_space<vmem>>
    %dma_start3A_891 = arith.constant 0 : i32
    %dma_start3A_892 = arith.constant 0 : i32
    %dma_start3A_893 = tpu.memref_slice %arg6[%dma_start3A_891, %dma_start3A_892] : memref<100000x64xf32, #tpu.memory_space<hbm>> -> memref<100000x64xf32, #tpu.memory_space<hbm>>
    %dma_start3A_894 = arith.constant -1 : i32
    tpu.enqueue_indirect_dma source(%dma_start3A_887 : memref<128x64xf32, #tpu.memory_space<vmem>>) target(%dma_start3A_893 : memref<100000x64xf32, #tpu.memory_space<hbm>>) offsets(%dma_start3A_890 : memref<128xi32, #tpu.memory_space<vmem>>) offset_filter(%dma_start3A_894) semaphore(%arg17 : memref<!tpu.dma_semaphore, #tpu.memory_space<semaphore_mem>>)
    %dma_wait3A_895 = arith.constant 2 : i32
    %dma_wait3A_896 = arith.constant 17 : i32
    %dma_wait3A_897 = arith.constant 0 : i32
    %dma_wait3A_898 = arith.constant 0 : i32
    %dma_wait3A_899 = tpu.memref_slice %arg15[%dma_wait3A_895, %dma_wait3A_897, %dma_wait3A_898] : memref<3x128x64xf32, #tpu.memory_space<vmem>> -> memref<1x128x64xf32, #tpu.memory_space<vmem>>
    %dma_wait3A_900 = tpu.memref_squeeze %dma_wait3A_899 : memref<1x128x64xf32, #tpu.memory_space<vmem>> -> memref<128x64xf32, #tpu.memory_space<vmem>>
    %dma_wait3A_901 = arith.constant 0 : i32
    %dma_wait3A_902 = tpu.memref_slice %arg12[%dma_wait3A_896, %dma_wait3A_901] : memref<25x128xi32, #tpu.memory_space<vmem>> -> memref<1x128xi32, #tpu.memory_space<vmem>>
    %dma_wait3A_903 = tpu.memref_squeeze %dma_wait3A_902 : memref<1x128xi32, #tpu.memory_space<vmem>> -> memref<128xi32, #tpu.memory_space<vmem>>
    %dma_wait3A_904 = arith.constant 0 : i32
    %dma_wait3A_905 = arith.constant 0 : i32
    %dma_wait3A_906 = tpu.memref_slice %arg6[%dma_wait3A_904, %dma_wait3A_905] : memref<100000x64xf32, #tpu.memory_space<hbm>> -> memref<100000x64xf32, #tpu.memory_space<hbm>>
    tpu.wait_indirect_dma semaphore(%arg17 : memref<!tpu.dma_semaphore, #tpu.memory_space<semaphore_mem>>) src(%dma_wait3A_900 : memref<128x64xf32, #tpu.memory_space<vmem>>) dst(%dma_wait3A_906 : memref<100000x64xf32, #tpu.memory_space<hbm>>)
    %dma_start3A_907 = arith.constant 2 : i32
    %dma_start3A_908 = arith.constant 0 : i32
    %dma_start3A_909 = arith.constant 0 : i32
    %dma_start3A_910 = tpu.memref_slice %arg15[%dma_start3A_907, %dma_start3A_908, %dma_start3A_909] : memref<3x128x64xf32, #tpu.memory_space<vmem>> -> memref<1x128x64xf32, #tpu.memory_space<vmem>>
    %dma_start3A_911 = tpu.memref_squeeze %dma_start3A_910 : memref<1x128x64xf32, #tpu.memory_space<vmem>> -> memref<128x64xf32, #tpu.memory_space<vmem>>
    %dma_start3A_912 = arith.constant 2560 : i32
    %dma_start3A_913 = tpu.memref_slice %arg11[%dma_start3A_912] : memref<3200xi32, #tpu.memory_space<vmem>> -> memref<128xi32, #tpu.memory_space<vmem>>
    %dma_start3A_914 = arith.constant 0 : i32
    %dma_start3A_915 = arith.constant 0 : i32
    %dma_start3A_916 = tpu.memref_slice %arg5[%dma_start3A_914, %dma_start3A_915] : memref<16384x64xf32, #tpu.memory_space<hbm>> -> memref<16384x64xf32, #tpu.memory_space<hbm>>
    %dma_start3A_917 = arith.constant -1 : i32
    tpu.enqueue_indirect_dma source(%dma_start3A_916 : memref<16384x64xf32, #tpu.memory_space<hbm>>) target(%dma_start3A_911 : memref<128x64xf32, #tpu.memory_space<vmem>>) offsets(%dma_start3A_913 : memref<128xi32, #tpu.memory_space<vmem>>) offset_filter(%dma_start3A_917) semaphore(%arg16 : memref<!tpu.dma_semaphore, #tpu.memory_space<semaphore_mem>>)
    %dma_wait3A_918 = arith.constant 1 : i32
    %dma_wait3A_919 = arith.constant 0 : i32
    %dma_wait3A_920 = arith.constant 0 : i32
    %dma_wait3A_921 = tpu.memref_slice %arg15[%dma_wait3A_918, %dma_wait3A_919, %dma_wait3A_920] : memref<3x128x64xf32, #tpu.memory_space<vmem>> -> memref<1x128x64xf32, #tpu.memory_space<vmem>>
    %dma_wait3A_922 = tpu.memref_squeeze %dma_wait3A_921 : memref<1x128x64xf32, #tpu.memory_space<vmem>> -> memref<128x64xf32, #tpu.memory_space<vmem>>
    %dma_wait3A_923 = arith.constant 2432 : i32
    %dma_wait3A_924 = tpu.memref_slice %arg11[%dma_wait3A_923] : memref<3200xi32, #tpu.memory_space<vmem>> -> memref<128xi32, #tpu.memory_space<vmem>>
    %dma_wait3A_925 = arith.constant 0 : i32
    %dma_wait3A_926 = arith.constant 0 : i32
    %dma_wait3A_927 = tpu.memref_slice %arg5[%dma_wait3A_925, %dma_wait3A_926] : memref<16384x64xf32, #tpu.memory_space<hbm>> -> memref<16384x64xf32, #tpu.memory_space<hbm>>
    tpu.wait_indirect_dma semaphore(%arg16 : memref<!tpu.dma_semaphore, #tpu.memory_space<semaphore_mem>>) src(%dma_wait3A_927 : memref<16384x64xf32, #tpu.memory_space<hbm>>) dst(%dma_wait3A_922 : memref<128x64xf32, #tpu.memory_space<vmem>>)
    %dma_start3A_928 = arith.constant 1 : i32
    %dma_start3A_929 = arith.constant 19 : i32
    %dma_start3A_930 = arith.constant 0 : i32
    %dma_start3A_931 = arith.constant 0 : i32
    %dma_start3A_932 = tpu.memref_slice %arg15[%dma_start3A_928, %dma_start3A_930, %dma_start3A_931] : memref<3x128x64xf32, #tpu.memory_space<vmem>> -> memref<1x128x64xf32, #tpu.memory_space<vmem>>
    %dma_start3A_933 = tpu.memref_squeeze %dma_start3A_932 : memref<1x128x64xf32, #tpu.memory_space<vmem>> -> memref<128x64xf32, #tpu.memory_space<vmem>>
    %dma_start3A_934 = arith.constant 0 : i32
    %dma_start3A_935 = tpu.memref_slice %arg12[%dma_start3A_929, %dma_start3A_934] : memref<25x128xi32, #tpu.memory_space<vmem>> -> memref<1x128xi32, #tpu.memory_space<vmem>>
    %dma_start3A_936 = tpu.memref_squeeze %dma_start3A_935 : memref<1x128xi32, #tpu.memory_space<vmem>> -> memref<128xi32, #tpu.memory_space<vmem>>
    %dma_start3A_937 = arith.constant 0 : i32
    %dma_start3A_938 = arith.constant 0 : i32
    %dma_start3A_939 = tpu.memref_slice %arg6[%dma_start3A_937, %dma_start3A_938] : memref<100000x64xf32, #tpu.memory_space<hbm>> -> memref<100000x64xf32, #tpu.memory_space<hbm>>
    %dma_start3A_940 = arith.constant -1 : i32
    tpu.enqueue_indirect_dma source(%dma_start3A_933 : memref<128x64xf32, #tpu.memory_space<vmem>>) target(%dma_start3A_939 : memref<100000x64xf32, #tpu.memory_space<hbm>>) offsets(%dma_start3A_936 : memref<128xi32, #tpu.memory_space<vmem>>) offset_filter(%dma_start3A_940) semaphore(%arg17 : memref<!tpu.dma_semaphore, #tpu.memory_space<semaphore_mem>>)
    %dma_wait3A_941 = arith.constant 0 : i32
    %dma_wait3A_942 = arith.constant 18 : i32
    %dma_wait3A_943 = arith.constant 0 : i32
    %dma_wait3A_944 = arith.constant 0 : i32
    %dma_wait3A_945 = tpu.memref_slice %arg15[%dma_wait3A_941, %dma_wait3A_943, %dma_wait3A_944] : memref<3x128x64xf32, #tpu.memory_space<vmem>> -> memref<1x128x64xf32, #tpu.memory_space<vmem>>
    %dma_wait3A_946 = tpu.memref_squeeze %dma_wait3A_945 : memref<1x128x64xf32, #tpu.memory_space<vmem>> -> memref<128x64xf32, #tpu.memory_space<vmem>>
    %dma_wait3A_947 = arith.constant 0 : i32
    %dma_wait3A_948 = tpu.memref_slice %arg12[%dma_wait3A_942, %dma_wait3A_947] : memref<25x128xi32, #tpu.memory_space<vmem>> -> memref<1x128xi32, #tpu.memory_space<vmem>>
    %dma_wait3A_949 = tpu.memref_squeeze %dma_wait3A_948 : memref<1x128xi32, #tpu.memory_space<vmem>> -> memref<128xi32, #tpu.memory_space<vmem>>
    %dma_wait3A_950 = arith.constant 0 : i32
    %dma_wait3A_951 = arith.constant 0 : i32
    %dma_wait3A_952 = tpu.memref_slice %arg6[%dma_wait3A_950, %dma_wait3A_951] : memref<100000x64xf32, #tpu.memory_space<hbm>> -> memref<100000x64xf32, #tpu.memory_space<hbm>>
    tpu.wait_indirect_dma semaphore(%arg17 : memref<!tpu.dma_semaphore, #tpu.memory_space<semaphore_mem>>) src(%dma_wait3A_946 : memref<128x64xf32, #tpu.memory_space<vmem>>) dst(%dma_wait3A_952 : memref<100000x64xf32, #tpu.memory_space<hbm>>)
    %dma_start3A_953 = arith.constant 0 : i32
    %dma_start3A_954 = arith.constant 0 : i32
    %dma_start3A_955 = arith.constant 0 : i32
    %dma_start3A_956 = tpu.memref_slice %arg15[%dma_start3A_953, %dma_start3A_954, %dma_start3A_955] : memref<3x128x64xf32, #tpu.memory_space<vmem>> -> memref<1x128x64xf32, #tpu.memory_space<vmem>>
    %dma_start3A_957 = tpu.memref_squeeze %dma_start3A_956 : memref<1x128x64xf32, #tpu.memory_space<vmem>> -> memref<128x64xf32, #tpu.memory_space<vmem>>
    %dma_start3A_958 = arith.constant 2688 : i32
    %dma_start3A_959 = tpu.memref_slice %arg11[%dma_start3A_958] : memref<3200xi32, #tpu.memory_space<vmem>> -> memref<128xi32, #tpu.memory_space<vmem>>
    %dma_start3A_960 = arith.constant 0 : i32
    %dma_start3A_961 = arith.constant 0 : i32
    %dma_start3A_962 = tpu.memref_slice %arg5[%dma_start3A_960, %dma_start3A_961] : memref<16384x64xf32, #tpu.memory_space<hbm>> -> memref<16384x64xf32, #tpu.memory_space<hbm>>
    %dma_start3A_963 = arith.constant -1 : i32
    tpu.enqueue_indirect_dma source(%dma_start3A_962 : memref<16384x64xf32, #tpu.memory_space<hbm>>) target(%dma_start3A_957 : memref<128x64xf32, #tpu.memory_space<vmem>>) offsets(%dma_start3A_959 : memref<128xi32, #tpu.memory_space<vmem>>) offset_filter(%dma_start3A_963) semaphore(%arg16 : memref<!tpu.dma_semaphore, #tpu.memory_space<semaphore_mem>>)
    %dma_wait3A_964 = arith.constant 2 : i32
    %dma_wait3A_965 = arith.constant 0 : i32
    %dma_wait3A_966 = arith.constant 0 : i32
    %dma_wait3A_967 = tpu.memref_slice %arg15[%dma_wait3A_964, %dma_wait3A_965, %dma_wait3A_966] : memref<3x128x64xf32, #tpu.memory_space<vmem>> -> memref<1x128x64xf32, #tpu.memory_space<vmem>>
    %dma_wait3A_968 = tpu.memref_squeeze %dma_wait3A_967 : memref<1x128x64xf32, #tpu.memory_space<vmem>> -> memref<128x64xf32, #tpu.memory_space<vmem>>
    %dma_wait3A_969 = arith.constant 2560 : i32
    %dma_wait3A_970 = tpu.memref_slice %arg11[%dma_wait3A_969] : memref<3200xi32, #tpu.memory_space<vmem>> -> memref<128xi32, #tpu.memory_space<vmem>>
    %dma_wait3A_971 = arith.constant 0 : i32
    %dma_wait3A_972 = arith.constant 0 : i32
    %dma_wait3A_973 = tpu.memref_slice %arg5[%dma_wait3A_971, %dma_wait3A_972] : memref<16384x64xf32, #tpu.memory_space<hbm>> -> memref<16384x64xf32, #tpu.memory_space<hbm>>
    tpu.wait_indirect_dma semaphore(%arg16 : memref<!tpu.dma_semaphore, #tpu.memory_space<semaphore_mem>>) src(%dma_wait3A_973 : memref<16384x64xf32, #tpu.memory_space<hbm>>) dst(%dma_wait3A_968 : memref<128x64xf32, #tpu.memory_space<vmem>>)
    %dma_start3A_974 = arith.constant 2 : i32
    %dma_start3A_975 = arith.constant 20 : i32
    %dma_start3A_976 = arith.constant 0 : i32
    %dma_start3A_977 = arith.constant 0 : i32
    %dma_start3A_978 = tpu.memref_slice %arg15[%dma_start3A_974, %dma_start3A_976, %dma_start3A_977] : memref<3x128x64xf32, #tpu.memory_space<vmem>> -> memref<1x128x64xf32, #tpu.memory_space<vmem>>
    %dma_start3A_979 = tpu.memref_squeeze %dma_start3A_978 : memref<1x128x64xf32, #tpu.memory_space<vmem>> -> memref<128x64xf32, #tpu.memory_space<vmem>>
    %dma_start3A_980 = arith.constant 0 : i32
    %dma_start3A_981 = tpu.memref_slice %arg12[%dma_start3A_975, %dma_start3A_980] : memref<25x128xi32, #tpu.memory_space<vmem>> -> memref<1x128xi32, #tpu.memory_space<vmem>>
    %dma_start3A_982 = tpu.memref_squeeze %dma_start3A_981 : memref<1x128xi32, #tpu.memory_space<vmem>> -> memref<128xi32, #tpu.memory_space<vmem>>
    %dma_start3A_983 = arith.constant 0 : i32
    %dma_start3A_984 = arith.constant 0 : i32
    %dma_start3A_985 = tpu.memref_slice %arg6[%dma_start3A_983, %dma_start3A_984] : memref<100000x64xf32, #tpu.memory_space<hbm>> -> memref<100000x64xf32, #tpu.memory_space<hbm>>
    %dma_start3A_986 = arith.constant -1 : i32
    tpu.enqueue_indirect_dma source(%dma_start3A_979 : memref<128x64xf32, #tpu.memory_space<vmem>>) target(%dma_start3A_985 : memref<100000x64xf32, #tpu.memory_space<hbm>>) offsets(%dma_start3A_982 : memref<128xi32, #tpu.memory_space<vmem>>) offset_filter(%dma_start3A_986) semaphore(%arg17 : memref<!tpu.dma_semaphore, #tpu.memory_space<semaphore_mem>>)
    %dma_wait3A_987 = arith.constant 1 : i32
    %dma_wait3A_988 = arith.constant 19 : i32
    %dma_wait3A_989 = arith.constant 0 : i32
    %dma_wait3A_990 = arith.constant 0 : i32
    %dma_wait3A_991 = tpu.memref_slice %arg15[%dma_wait3A_987, %dma_wait3A_989, %dma_wait3A_990] : memref<3x128x64xf32, #tpu.memory_space<vmem>> -> memref<1x128x64xf32, #tpu.memory_space<vmem>>
    %dma_wait3A_992 = tpu.memref_squeeze %dma_wait3A_991 : memref<1x128x64xf32, #tpu.memory_space<vmem>> -> memref<128x64xf32, #tpu.memory_space<vmem>>
    %dma_wait3A_993 = arith.constant 0 : i32
    %dma_wait3A_994 = tpu.memref_slice %arg12[%dma_wait3A_988, %dma_wait3A_993] : memref<25x128xi32, #tpu.memory_space<vmem>> -> memref<1x128xi32, #tpu.memory_space<vmem>>
    %dma_wait3A_995 = tpu.memref_squeeze %dma_wait3A_994 : memref<1x128xi32, #tpu.memory_space<vmem>> -> memref<128xi32, #tpu.memory_space<vmem>>
    %dma_wait3A_996 = arith.constant 0 : i32
    %dma_wait3A_997 = arith.constant 0 : i32
    %dma_wait3A_998 = tpu.memref_slice %arg6[%dma_wait3A_996, %dma_wait3A_997] : memref<100000x64xf32, #tpu.memory_space<hbm>> -> memref<100000x64xf32, #tpu.memory_space<hbm>>
    tpu.wait_indirect_dma semaphore(%arg17 : memref<!tpu.dma_semaphore, #tpu.memory_space<semaphore_mem>>) src(%dma_wait3A_992 : memref<128x64xf32, #tpu.memory_space<vmem>>) dst(%dma_wait3A_998 : memref<100000x64xf32, #tpu.memory_space<hbm>>)
    %dma_start3A_999 = arith.constant 1 : i32
    %dma_start3A_1000 = arith.constant 0 : i32
    %dma_start3A_1001 = arith.constant 0 : i32
    %dma_start3A_1002 = tpu.memref_slice %arg15[%dma_start3A_999, %dma_start3A_1000, %dma_start3A_1001] : memref<3x128x64xf32, #tpu.memory_space<vmem>> -> memref<1x128x64xf32, #tpu.memory_space<vmem>>
    %dma_start3A_1003 = tpu.memref_squeeze %dma_start3A_1002 : memref<1x128x64xf32, #tpu.memory_space<vmem>> -> memref<128x64xf32, #tpu.memory_space<vmem>>
    %dma_start3A_1004 = arith.constant 2816 : i32
    %dma_start3A_1005 = tpu.memref_slice %arg11[%dma_start3A_1004] : memref<3200xi32, #tpu.memory_space<vmem>> -> memref<128xi32, #tpu.memory_space<vmem>>
    %dma_start3A_1006 = arith.constant 0 : i32
    %dma_start3A_1007 = arith.constant 0 : i32
    %dma_start3A_1008 = tpu.memref_slice %arg5[%dma_start3A_1006, %dma_start3A_1007] : memref<16384x64xf32, #tpu.memory_space<hbm>> -> memref<16384x64xf32, #tpu.memory_space<hbm>>
    %dma_start3A_1009 = arith.constant -1 : i32
    tpu.enqueue_indirect_dma source(%dma_start3A_1008 : memref<16384x64xf32, #tpu.memory_space<hbm>>) target(%dma_start3A_1003 : memref<128x64xf32, #tpu.memory_space<vmem>>) offsets(%dma_start3A_1005 : memref<128xi32, #tpu.memory_space<vmem>>) offset_filter(%dma_start3A_1009) semaphore(%arg16 : memref<!tpu.dma_semaphore, #tpu.memory_space<semaphore_mem>>)
    %dma_wait3A_1010 = arith.constant 0 : i32
    %dma_wait3A_1011 = arith.constant 0 : i32
    %dma_wait3A_1012 = arith.constant 0 : i32
    %dma_wait3A_1013 = tpu.memref_slice %arg15[%dma_wait3A_1010, %dma_wait3A_1011, %dma_wait3A_1012] : memref<3x128x64xf32, #tpu.memory_space<vmem>> -> memref<1x128x64xf32, #tpu.memory_space<vmem>>
    %dma_wait3A_1014 = tpu.memref_squeeze %dma_wait3A_1013 : memref<1x128x64xf32, #tpu.memory_space<vmem>> -> memref<128x64xf32, #tpu.memory_space<vmem>>
    %dma_wait3A_1015 = arith.constant 2688 : i32
    %dma_wait3A_1016 = tpu.memref_slice %arg11[%dma_wait3A_1015] : memref<3200xi32, #tpu.memory_space<vmem>> -> memref<128xi32, #tpu.memory_space<vmem>>
    %dma_wait3A_1017 = arith.constant 0 : i32
    %dma_wait3A_1018 = arith.constant 0 : i32
    %dma_wait3A_1019 = tpu.memref_slice %arg5[%dma_wait3A_1017, %dma_wait3A_1018] : memref<16384x64xf32, #tpu.memory_space<hbm>> -> memref<16384x64xf32, #tpu.memory_space<hbm>>
    tpu.wait_indirect_dma semaphore(%arg16 : memref<!tpu.dma_semaphore, #tpu.memory_space<semaphore_mem>>) src(%dma_wait3A_1019 : memref<16384x64xf32, #tpu.memory_space<hbm>>) dst(%dma_wait3A_1014 : memref<128x64xf32, #tpu.memory_space<vmem>>)
    %dma_start3A_1020 = arith.constant 0 : i32
    %dma_start3A_1021 = arith.constant 21 : i32
    %dma_start3A_1022 = arith.constant 0 : i32
    %dma_start3A_1023 = arith.constant 0 : i32
    %dma_start3A_1024 = tpu.memref_slice %arg15[%dma_start3A_1020, %dma_start3A_1022, %dma_start3A_1023] : memref<3x128x64xf32, #tpu.memory_space<vmem>> -> memref<1x128x64xf32, #tpu.memory_space<vmem>>
    %dma_start3A_1025 = tpu.memref_squeeze %dma_start3A_1024 : memref<1x128x64xf32, #tpu.memory_space<vmem>> -> memref<128x64xf32, #tpu.memory_space<vmem>>
    %dma_start3A_1026 = arith.constant 0 : i32
    %dma_start3A_1027 = tpu.memref_slice %arg12[%dma_start3A_1021, %dma_start3A_1026] : memref<25x128xi32, #tpu.memory_space<vmem>> -> memref<1x128xi32, #tpu.memory_space<vmem>>
    %dma_start3A_1028 = tpu.memref_squeeze %dma_start3A_1027 : memref<1x128xi32, #tpu.memory_space<vmem>> -> memref<128xi32, #tpu.memory_space<vmem>>
    %dma_start3A_1029 = arith.constant 0 : i32
    %dma_start3A_1030 = arith.constant 0 : i32
    %dma_start3A_1031 = tpu.memref_slice %arg6[%dma_start3A_1029, %dma_start3A_1030] : memref<100000x64xf32, #tpu.memory_space<hbm>> -> memref<100000x64xf32, #tpu.memory_space<hbm>>
    %dma_start3A_1032 = arith.constant -1 : i32
    tpu.enqueue_indirect_dma source(%dma_start3A_1025 : memref<128x64xf32, #tpu.memory_space<vmem>>) target(%dma_start3A_1031 : memref<100000x64xf32, #tpu.memory_space<hbm>>) offsets(%dma_start3A_1028 : memref<128xi32, #tpu.memory_space<vmem>>) offset_filter(%dma_start3A_1032) semaphore(%arg17 : memref<!tpu.dma_semaphore, #tpu.memory_space<semaphore_mem>>)
    %dma_wait3A_1033 = arith.constant 2 : i32
    %dma_wait3A_1034 = arith.constant 20 : i32
    %dma_wait3A_1035 = arith.constant 0 : i32
    %dma_wait3A_1036 = arith.constant 0 : i32
    %dma_wait3A_1037 = tpu.memref_slice %arg15[%dma_wait3A_1033, %dma_wait3A_1035, %dma_wait3A_1036] : memref<3x128x64xf32, #tpu.memory_space<vmem>> -> memref<1x128x64xf32, #tpu.memory_space<vmem>>
    %dma_wait3A_1038 = tpu.memref_squeeze %dma_wait3A_1037 : memref<1x128x64xf32, #tpu.memory_space<vmem>> -> memref<128x64xf32, #tpu.memory_space<vmem>>
    %dma_wait3A_1039 = arith.constant 0 : i32
    %dma_wait3A_1040 = tpu.memref_slice %arg12[%dma_wait3A_1034, %dma_wait3A_1039] : memref<25x128xi32, #tpu.memory_space<vmem>> -> memref<1x128xi32, #tpu.memory_space<vmem>>
    %dma_wait3A_1041 = tpu.memref_squeeze %dma_wait3A_1040 : memref<1x128xi32, #tpu.memory_space<vmem>> -> memref<128xi32, #tpu.memory_space<vmem>>
    %dma_wait3A_1042 = arith.constant 0 : i32
    %dma_wait3A_1043 = arith.constant 0 : i32
    %dma_wait3A_1044 = tpu.memref_slice %arg6[%dma_wait3A_1042, %dma_wait3A_1043] : memref<100000x64xf32, #tpu.memory_space<hbm>> -> memref<100000x64xf32, #tpu.memory_space<hbm>>
    tpu.wait_indirect_dma semaphore(%arg17 : memref<!tpu.dma_semaphore, #tpu.memory_space<semaphore_mem>>) src(%dma_wait3A_1038 : memref<128x64xf32, #tpu.memory_space<vmem>>) dst(%dma_wait3A_1044 : memref<100000x64xf32, #tpu.memory_space<hbm>>)
    %dma_start3A_1045 = arith.constant 2 : i32
    %dma_start3A_1046 = arith.constant 0 : i32
    %dma_start3A_1047 = arith.constant 0 : i32
    %dma_start3A_1048 = tpu.memref_slice %arg15[%dma_start3A_1045, %dma_start3A_1046, %dma_start3A_1047] : memref<3x128x64xf32, #tpu.memory_space<vmem>> -> memref<1x128x64xf32, #tpu.memory_space<vmem>>
    %dma_start3A_1049 = tpu.memref_squeeze %dma_start3A_1048 : memref<1x128x64xf32, #tpu.memory_space<vmem>> -> memref<128x64xf32, #tpu.memory_space<vmem>>
    %dma_start3A_1050 = arith.constant 2944 : i32
    %dma_start3A_1051 = tpu.memref_slice %arg11[%dma_start3A_1050] : memref<3200xi32, #tpu.memory_space<vmem>> -> memref<128xi32, #tpu.memory_space<vmem>>
    %dma_start3A_1052 = arith.constant 0 : i32
    %dma_start3A_1053 = arith.constant 0 : i32
    %dma_start3A_1054 = tpu.memref_slice %arg5[%dma_start3A_1052, %dma_start3A_1053] : memref<16384x64xf32, #tpu.memory_space<hbm>> -> memref<16384x64xf32, #tpu.memory_space<hbm>>
    %dma_start3A_1055 = arith.constant -1 : i32
    tpu.enqueue_indirect_dma source(%dma_start3A_1054 : memref<16384x64xf32, #tpu.memory_space<hbm>>) target(%dma_start3A_1049 : memref<128x64xf32, #tpu.memory_space<vmem>>) offsets(%dma_start3A_1051 : memref<128xi32, #tpu.memory_space<vmem>>) offset_filter(%dma_start3A_1055) semaphore(%arg16 : memref<!tpu.dma_semaphore, #tpu.memory_space<semaphore_mem>>)
    %dma_wait3A_1056 = arith.constant 1 : i32
    %dma_wait3A_1057 = arith.constant 0 : i32
    %dma_wait3A_1058 = arith.constant 0 : i32
    %dma_wait3A_1059 = tpu.memref_slice %arg15[%dma_wait3A_1056, %dma_wait3A_1057, %dma_wait3A_1058] : memref<3x128x64xf32, #tpu.memory_space<vmem>> -> memref<1x128x64xf32, #tpu.memory_space<vmem>>
    %dma_wait3A_1060 = tpu.memref_squeeze %dma_wait3A_1059 : memref<1x128x64xf32, #tpu.memory_space<vmem>> -> memref<128x64xf32, #tpu.memory_space<vmem>>
    %dma_wait3A_1061 = arith.constant 2816 : i32
    %dma_wait3A_1062 = tpu.memref_slice %arg11[%dma_wait3A_1061] : memref<3200xi32, #tpu.memory_space<vmem>> -> memref<128xi32, #tpu.memory_space<vmem>>
    %dma_wait3A_1063 = arith.constant 0 : i32
    %dma_wait3A_1064 = arith.constant 0 : i32
    %dma_wait3A_1065 = tpu.memref_slice %arg5[%dma_wait3A_1063, %dma_wait3A_1064] : memref<16384x64xf32, #tpu.memory_space<hbm>> -> memref<16384x64xf32, #tpu.memory_space<hbm>>
    tpu.wait_indirect_dma semaphore(%arg16 : memref<!tpu.dma_semaphore, #tpu.memory_space<semaphore_mem>>) src(%dma_wait3A_1065 : memref<16384x64xf32, #tpu.memory_space<hbm>>) dst(%dma_wait3A_1060 : memref<128x64xf32, #tpu.memory_space<vmem>>)
    %dma_start3A_1066 = arith.constant 1 : i32
    %dma_start3A_1067 = arith.constant 22 : i32
    %dma_start3A_1068 = arith.constant 0 : i32
    %dma_start3A_1069 = arith.constant 0 : i32
    %dma_start3A_1070 = tpu.memref_slice %arg15[%dma_start3A_1066, %dma_start3A_1068, %dma_start3A_1069] : memref<3x128x64xf32, #tpu.memory_space<vmem>> -> memref<1x128x64xf32, #tpu.memory_space<vmem>>
    %dma_start3A_1071 = tpu.memref_squeeze %dma_start3A_1070 : memref<1x128x64xf32, #tpu.memory_space<vmem>> -> memref<128x64xf32, #tpu.memory_space<vmem>>
    %dma_start3A_1072 = arith.constant 0 : i32
    %dma_start3A_1073 = tpu.memref_slice %arg12[%dma_start3A_1067, %dma_start3A_1072] : memref<25x128xi32, #tpu.memory_space<vmem>> -> memref<1x128xi32, #tpu.memory_space<vmem>>
    %dma_start3A_1074 = tpu.memref_squeeze %dma_start3A_1073 : memref<1x128xi32, #tpu.memory_space<vmem>> -> memref<128xi32, #tpu.memory_space<vmem>>
    %dma_start3A_1075 = arith.constant 0 : i32
    %dma_start3A_1076 = arith.constant 0 : i32
    %dma_start3A_1077 = tpu.memref_slice %arg6[%dma_start3A_1075, %dma_start3A_1076] : memref<100000x64xf32, #tpu.memory_space<hbm>> -> memref<100000x64xf32, #tpu.memory_space<hbm>>
    %dma_start3A_1078 = arith.constant -1 : i32
    tpu.enqueue_indirect_dma source(%dma_start3A_1071 : memref<128x64xf32, #tpu.memory_space<vmem>>) target(%dma_start3A_1077 : memref<100000x64xf32, #tpu.memory_space<hbm>>) offsets(%dma_start3A_1074 : memref<128xi32, #tpu.memory_space<vmem>>) offset_filter(%dma_start3A_1078) semaphore(%arg17 : memref<!tpu.dma_semaphore, #tpu.memory_space<semaphore_mem>>)
    %dma_wait3A_1079 = arith.constant 0 : i32
    %dma_wait3A_1080 = arith.constant 21 : i32
    %dma_wait3A_1081 = arith.constant 0 : i32
    %dma_wait3A_1082 = arith.constant 0 : i32
    %dma_wait3A_1083 = tpu.memref_slice %arg15[%dma_wait3A_1079, %dma_wait3A_1081, %dma_wait3A_1082] : memref<3x128x64xf32, #tpu.memory_space<vmem>> -> memref<1x128x64xf32, #tpu.memory_space<vmem>>
    %dma_wait3A_1084 = tpu.memref_squeeze %dma_wait3A_1083 : memref<1x128x64xf32, #tpu.memory_space<vmem>> -> memref<128x64xf32, #tpu.memory_space<vmem>>
    %dma_wait3A_1085 = arith.constant 0 : i32
    %dma_wait3A_1086 = tpu.memref_slice %arg12[%dma_wait3A_1080, %dma_wait3A_1085] : memref<25x128xi32, #tpu.memory_space<vmem>> -> memref<1x128xi32, #tpu.memory_space<vmem>>
    %dma_wait3A_1087 = tpu.memref_squeeze %dma_wait3A_1086 : memref<1x128xi32, #tpu.memory_space<vmem>> -> memref<128xi32, #tpu.memory_space<vmem>>
    %dma_wait3A_1088 = arith.constant 0 : i32
    %dma_wait3A_1089 = arith.constant 0 : i32
    %dma_wait3A_1090 = tpu.memref_slice %arg6[%dma_wait3A_1088, %dma_wait3A_1089] : memref<100000x64xf32, #tpu.memory_space<hbm>> -> memref<100000x64xf32, #tpu.memory_space<hbm>>
    tpu.wait_indirect_dma semaphore(%arg17 : memref<!tpu.dma_semaphore, #tpu.memory_space<semaphore_mem>>) src(%dma_wait3A_1084 : memref<128x64xf32, #tpu.memory_space<vmem>>) dst(%dma_wait3A_1090 : memref<100000x64xf32, #tpu.memory_space<hbm>>)
    %dma_start3A_1091 = arith.constant 0 : i32
    %dma_start3A_1092 = arith.constant 0 : i32
    %dma_start3A_1093 = arith.constant 0 : i32
    %dma_start3A_1094 = tpu.memref_slice %arg15[%dma_start3A_1091, %dma_start3A_1092, %dma_start3A_1093] : memref<3x128x64xf32, #tpu.memory_space<vmem>> -> memref<1x128x64xf32, #tpu.memory_space<vmem>>
    %dma_start3A_1095 = tpu.memref_squeeze %dma_start3A_1094 : memref<1x128x64xf32, #tpu.memory_space<vmem>> -> memref<128x64xf32, #tpu.memory_space<vmem>>
    %dma_start3A_1096 = arith.constant 3072 : i32
    %dma_start3A_1097 = tpu.memref_slice %arg11[%dma_start3A_1096] : memref<3200xi32, #tpu.memory_space<vmem>> -> memref<128xi32, #tpu.memory_space<vmem>>
    %dma_start3A_1098 = arith.constant 0 : i32
    %dma_start3A_1099 = arith.constant 0 : i32
    %dma_start3A_1100 = tpu.memref_slice %arg5[%dma_start3A_1098, %dma_start3A_1099] : memref<16384x64xf32, #tpu.memory_space<hbm>> -> memref<16384x64xf32, #tpu.memory_space<hbm>>
    %dma_start3A_1101 = arith.constant -1 : i32
    tpu.enqueue_indirect_dma source(%dma_start3A_1100 : memref<16384x64xf32, #tpu.memory_space<hbm>>) target(%dma_start3A_1095 : memref<128x64xf32, #tpu.memory_space<vmem>>) offsets(%dma_start3A_1097 : memref<128xi32, #tpu.memory_space<vmem>>) offset_filter(%dma_start3A_1101) semaphore(%arg16 : memref<!tpu.dma_semaphore, #tpu.memory_space<semaphore_mem>>)
    %dma_wait3A_1102 = arith.constant 2 : i32
    %dma_wait3A_1103 = arith.constant 0 : i32
    %dma_wait3A_1104 = arith.constant 0 : i32
    %dma_wait3A_1105 = tpu.memref_slice %arg15[%dma_wait3A_1102, %dma_wait3A_1103, %dma_wait3A_1104] : memref<3x128x64xf32, #tpu.memory_space<vmem>> -> memref<1x128x64xf32, #tpu.memory_space<vmem>>
    %dma_wait3A_1106 = tpu.memref_squeeze %dma_wait3A_1105 : memref<1x128x64xf32, #tpu.memory_space<vmem>> -> memref<128x64xf32, #tpu.memory_space<vmem>>
    %dma_wait3A_1107 = arith.constant 2944 : i32
    %dma_wait3A_1108 = tpu.memref_slice %arg11[%dma_wait3A_1107] : memref<3200xi32, #tpu.memory_space<vmem>> -> memref<128xi32, #tpu.memory_space<vmem>>
    %dma_wait3A_1109 = arith.constant 0 : i32
    %dma_wait3A_1110 = arith.constant 0 : i32
    %dma_wait3A_1111 = tpu.memref_slice %arg5[%dma_wait3A_1109, %dma_wait3A_1110] : memref<16384x64xf32, #tpu.memory_space<hbm>> -> memref<16384x64xf32, #tpu.memory_space<hbm>>
    tpu.wait_indirect_dma semaphore(%arg16 : memref<!tpu.dma_semaphore, #tpu.memory_space<semaphore_mem>>) src(%dma_wait3A_1111 : memref<16384x64xf32, #tpu.memory_space<hbm>>) dst(%dma_wait3A_1106 : memref<128x64xf32, #tpu.memory_space<vmem>>)
    %dma_start3A_1112 = arith.constant 2 : i32
    %dma_start3A_1113 = arith.constant 23 : i32
    %dma_start3A_1114 = arith.constant 0 : i32
    %dma_start3A_1115 = arith.constant 0 : i32
    %dma_start3A_1116 = tpu.memref_slice %arg15[%dma_start3A_1112, %dma_start3A_1114, %dma_start3A_1115] : memref<3x128x64xf32, #tpu.memory_space<vmem>> -> memref<1x128x64xf32, #tpu.memory_space<vmem>>
    %dma_start3A_1117 = tpu.memref_squeeze %dma_start3A_1116 : memref<1x128x64xf32, #tpu.memory_space<vmem>> -> memref<128x64xf32, #tpu.memory_space<vmem>>
    %dma_start3A_1118 = arith.constant 0 : i32
    %dma_start3A_1119 = tpu.memref_slice %arg12[%dma_start3A_1113, %dma_start3A_1118] : memref<25x128xi32, #tpu.memory_space<vmem>> -> memref<1x128xi32, #tpu.memory_space<vmem>>
    %dma_start3A_1120 = tpu.memref_squeeze %dma_start3A_1119 : memref<1x128xi32, #tpu.memory_space<vmem>> -> memref<128xi32, #tpu.memory_space<vmem>>
    %dma_start3A_1121 = arith.constant 0 : i32
    %dma_start3A_1122 = arith.constant 0 : i32
    %dma_start3A_1123 = tpu.memref_slice %arg6[%dma_start3A_1121, %dma_start3A_1122] : memref<100000x64xf32, #tpu.memory_space<hbm>> -> memref<100000x64xf32, #tpu.memory_space<hbm>>
    %dma_start3A_1124 = arith.constant -1 : i32
    tpu.enqueue_indirect_dma source(%dma_start3A_1117 : memref<128x64xf32, #tpu.memory_space<vmem>>) target(%dma_start3A_1123 : memref<100000x64xf32, #tpu.memory_space<hbm>>) offsets(%dma_start3A_1120 : memref<128xi32, #tpu.memory_space<vmem>>) offset_filter(%dma_start3A_1124) semaphore(%arg17 : memref<!tpu.dma_semaphore, #tpu.memory_space<semaphore_mem>>)
    %dma_wait3A_1125 = arith.constant 0 : i32
    %dma_wait3A_1126 = arith.constant 0 : i32
    %dma_wait3A_1127 = arith.constant 0 : i32
    %dma_wait3A_1128 = tpu.memref_slice %arg15[%dma_wait3A_1125, %dma_wait3A_1126, %dma_wait3A_1127] : memref<3x128x64xf32, #tpu.memory_space<vmem>> -> memref<1x128x64xf32, #tpu.memory_space<vmem>>
    %dma_wait3A_1129 = tpu.memref_squeeze %dma_wait3A_1128 : memref<1x128x64xf32, #tpu.memory_space<vmem>> -> memref<128x64xf32, #tpu.memory_space<vmem>>
    %dma_wait3A_1130 = arith.constant 3072 : i32
    %dma_wait3A_1131 = tpu.memref_slice %arg11[%dma_wait3A_1130] : memref<3200xi32, #tpu.memory_space<vmem>> -> memref<128xi32, #tpu.memory_space<vmem>>
    %dma_wait3A_1132 = arith.constant 0 : i32
    %dma_wait3A_1133 = arith.constant 0 : i32
    %dma_wait3A_1134 = tpu.memref_slice %arg5[%dma_wait3A_1132, %dma_wait3A_1133] : memref<16384x64xf32, #tpu.memory_space<hbm>> -> memref<16384x64xf32, #tpu.memory_space<hbm>>
    tpu.wait_indirect_dma semaphore(%arg16 : memref<!tpu.dma_semaphore, #tpu.memory_space<semaphore_mem>>) src(%dma_wait3A_1134 : memref<16384x64xf32, #tpu.memory_space<hbm>>) dst(%dma_wait3A_1129 : memref<128x64xf32, #tpu.memory_space<vmem>>)
    %dma_start3A_1135 = arith.constant 0 : i32
    %dma_start3A_1136 = arith.constant 24 : i32
    %dma_start3A_1137 = arith.constant 0 : i32
    %dma_start3A_1138 = arith.constant 0 : i32
    %dma_start3A_1139 = tpu.memref_slice %arg15[%dma_start3A_1135, %dma_start3A_1137, %dma_start3A_1138] : memref<3x128x64xf32, #tpu.memory_space<vmem>> -> memref<1x128x64xf32, #tpu.memory_space<vmem>>
    %dma_start3A_1140 = tpu.memref_squeeze %dma_start3A_1139 : memref<1x128x64xf32, #tpu.memory_space<vmem>> -> memref<128x64xf32, #tpu.memory_space<vmem>>
    %dma_start3A_1141 = arith.constant 0 : i32
    %dma_start3A_1142 = tpu.memref_slice %arg12[%dma_start3A_1136, %dma_start3A_1141] : memref<25x128xi32, #tpu.memory_space<vmem>> -> memref<1x128xi32, #tpu.memory_space<vmem>>
    %dma_start3A_1143 = tpu.memref_squeeze %dma_start3A_1142 : memref<1x128xi32, #tpu.memory_space<vmem>> -> memref<128xi32, #tpu.memory_space<vmem>>
    %dma_start3A_1144 = arith.constant 0 : i32
    %dma_start3A_1145 = arith.constant 0 : i32
    %dma_start3A_1146 = tpu.memref_slice %arg6[%dma_start3A_1144, %dma_start3A_1145] : memref<100000x64xf32, #tpu.memory_space<hbm>> -> memref<100000x64xf32, #tpu.memory_space<hbm>>
    %dma_start3A_1147 = arith.constant -1 : i32
    tpu.enqueue_indirect_dma source(%dma_start3A_1140 : memref<128x64xf32, #tpu.memory_space<vmem>>) target(%dma_start3A_1146 : memref<100000x64xf32, #tpu.memory_space<hbm>>) offsets(%dma_start3A_1143 : memref<128xi32, #tpu.memory_space<vmem>>) offset_filter(%dma_start3A_1147) semaphore(%arg17 : memref<!tpu.dma_semaphore, #tpu.memory_space<semaphore_mem>>)
    %dma_wait3A_1148 = arith.constant 1 : i32
    %dma_wait3A_1149 = arith.constant 22 : i32
    %dma_wait3A_1150 = arith.constant 0 : i32
    %dma_wait3A_1151 = arith.constant 0 : i32
    %dma_wait3A_1152 = tpu.memref_slice %arg15[%dma_wait3A_1148, %dma_wait3A_1150, %dma_wait3A_1151] : memref<3x128x64xf32, #tpu.memory_space<vmem>> -> memref<1x128x64xf32, #tpu.memory_space<vmem>>
    %dma_wait3A_1153 = tpu.memref_squeeze %dma_wait3A_1152 : memref<1x128x64xf32, #tpu.memory_space<vmem>> -> memref<128x64xf32, #tpu.memory_space<vmem>>
    %dma_wait3A_1154 = arith.constant 0 : i32
    %dma_wait3A_1155 = tpu.memref_slice %arg12[%dma_wait3A_1149, %dma_wait3A_1154] : memref<25x128xi32, #tpu.memory_space<vmem>> -> memref<1x128xi32, #tpu.memory_space<vmem>>
    %dma_wait3A_1156 = tpu.memref_squeeze %dma_wait3A_1155 : memref<1x128xi32, #tpu.memory_space<vmem>> -> memref<128xi32, #tpu.memory_space<vmem>>
    %dma_wait3A_1157 = arith.constant 0 : i32
    %dma_wait3A_1158 = arith.constant 0 : i32
    %dma_wait3A_1159 = tpu.memref_slice %arg6[%dma_wait3A_1157, %dma_wait3A_1158] : memref<100000x64xf32, #tpu.memory_space<hbm>> -> memref<100000x64xf32, #tpu.memory_space<hbm>>
    tpu.wait_indirect_dma semaphore(%arg17 : memref<!tpu.dma_semaphore, #tpu.memory_space<semaphore_mem>>) src(%dma_wait3A_1153 : memref<128x64xf32, #tpu.memory_space<vmem>>) dst(%dma_wait3A_1159 : memref<100000x64xf32, #tpu.memory_space<hbm>>)
    %dma_wait3A_1160 = arith.constant 2 : i32
    %dma_wait3A_1161 = arith.constant 23 : i32
    %dma_wait3A_1162 = arith.constant 0 : i32
    %dma_wait3A_1163 = arith.constant 0 : i32
    %dma_wait3A_1164 = tpu.memref_slice %arg15[%dma_wait3A_1160, %dma_wait3A_1162, %dma_wait3A_1163] : memref<3x128x64xf32, #tpu.memory_space<vmem>> -> memref<1x128x64xf32, #tpu.memory_space<vmem>>
    %dma_wait3A_1165 = tpu.memref_squeeze %dma_wait3A_1164 : memref<1x128x64xf32, #tpu.memory_space<vmem>> -> memref<128x64xf32, #tpu.memory_space<vmem>>
    %dma_wait3A_1166 = arith.constant 0 : i32
    %dma_wait3A_1167 = tpu.memref_slice %arg12[%dma_wait3A_1161, %dma_wait3A_1166] : memref<25x128xi32, #tpu.memory_space<vmem>> -> memref<1x128xi32, #tpu.memory_space<vmem>>
    %dma_wait3A_1168 = tpu.memref_squeeze %dma_wait3A_1167 : memref<1x128xi32, #tpu.memory_space<vmem>> -> memref<128xi32, #tpu.memory_space<vmem>>
    %dma_wait3A_1169 = arith.constant 0 : i32
    %dma_wait3A_1170 = arith.constant 0 : i32
    %dma_wait3A_1171 = tpu.memref_slice %arg6[%dma_wait3A_1169, %dma_wait3A_1170] : memref<100000x64xf32, #tpu.memory_space<hbm>> -> memref<100000x64xf32, #tpu.memory_space<hbm>>
    tpu.wait_indirect_dma semaphore(%arg17 : memref<!tpu.dma_semaphore, #tpu.memory_space<semaphore_mem>>) src(%dma_wait3A_1165 : memref<128x64xf32, #tpu.memory_space<vmem>>) dst(%dma_wait3A_1171 : memref<100000x64xf32, #tpu.memory_space<hbm>>)
    %dma_wait3A_1172 = arith.constant 0 : i32
    %dma_wait3A_1173 = arith.constant 24 : i32
    %dma_wait3A_1174 = arith.constant 0 : i32
    %dma_wait3A_1175 = arith.constant 0 : i32
    %dma_wait3A_1176 = tpu.memref_slice %arg15[%dma_wait3A_1172, %dma_wait3A_1174, %dma_wait3A_1175] : memref<3x128x64xf32, #tpu.memory_space<vmem>> -> memref<1x128x64xf32, #tpu.memory_space<vmem>>
    %dma_wait3A_1177 = tpu.memref_squeeze %dma_wait3A_1176 : memref<1x128x64xf32, #tpu.memory_space<vmem>> -> memref<128x64xf32, #tpu.memory_space<vmem>>
    %dma_wait3A_1178 = arith.constant 0 : i32
    %dma_wait3A_1179 = tpu.memref_slice %arg12[%dma_wait3A_1173, %dma_wait3A_1178] : memref<25x128xi32, #tpu.memory_space<vmem>> -> memref<1x128xi32, #tpu.memory_space<vmem>>
    %dma_wait3A_1180 = tpu.memref_squeeze %dma_wait3A_1179 : memref<1x128xi32, #tpu.memory_space<vmem>> -> memref<128xi32, #tpu.memory_space<vmem>>
    %dma_wait3A_1181 = arith.constant 0 : i32
    %dma_wait3A_1182 = arith.constant 0 : i32
    %dma_wait3A_1183 = tpu.memref_slice %arg6[%dma_wait3A_1181, %dma_wait3A_1182] : memref<100000x64xf32, #tpu.memory_space<hbm>> -> memref<100000x64xf32, #tpu.memory_space<hbm>>
    tpu.wait_indirect_dma semaphore(%arg17 : memref<!tpu.dma_semaphore, #tpu.memory_space<semaphore_mem>>) src(%dma_wait3A_1177 : memref<128x64xf32, #tpu.memory_space<vmem>>) dst(%dma_wait3A_1183 : memref<100000x64xf32, #tpu.memory_space<hbm>>)
    return
  }
}

#map = affine_map<(d0, d1) -> (0, 0)>
module attributes {stable_mosaic.version = 14 : i64} {
  func.func @_gather_body(%arg0: i32, %arg1: i32, %arg2: memref<100000x64xf32, #tpu.memory_space<hbm>>, %arg3: memref<128x128xi32, #tpu.memory_space<hbm>>, %arg4: memref<16384x64xf32, #tpu.memory_space<hbm>>, %arg5: memref<4x128xi32, #tpu.memory_space<vmem>>, %arg6: memref<128x64xf32, #tpu.memory_space<vmem>>, %arg7: memref<!tpu.dma_semaphore, #tpu.memory_space<semaphore_mem>>) attributes {dimension_semantics = [#tpu.dimension_semantics<core_parallel>, #tpu.dimension_semantics<subcore_parallel>], iteration_bounds = array<i64: 2, 16>, scalar_prefetch = 0 : i64, scratch_operands = 3 : i64, tpu.core_type = #tpu.core_type<sc_vector_subcore>, window_params = [{transform_indices = #map}, {transform_indices = #map}, {transform_indices = #map}]} {
    %mul3A = arith.constant 2 : i32
    %mul3A_0 = arith.muli %arg1, %mul3A : i32
    %add3A = arith.addi %mul3A_0, %arg0 : i32
    %mul3A_1 = arith.constant 4 : i32
    %mul3A_2 = arith.muli %add3A, %mul3A_1 : i32
    "tpu.region"() ({
      %run_scoped3A = tpu.sem_alloc : memref<!tpu.dma_semaphore, #tpu.memory_space<semaphore_mem>>
      %dma_start3A_73 = arith.constant 0 : i32
      %dma_start3A_74 = tpu.memref_slice %arg3[%mul3A_2, %dma_start3A_73] : memref<128x128xi32, #tpu.memory_space<hbm>> -> memref<4x128xi32, #tpu.memory_space<hbm>>
      %dma_start3A_75 = arith.constant 0 : i32
      %dma_start3A_76 = tpu.memref_slice %arg3[%mul3A_2, %dma_start3A_75] : memref<128x128xi32, #tpu.memory_space<hbm>> -> memref<4x128xi32, #tpu.memory_space<hbm>>
      tpu.enqueue_dma source(%dma_start3A_76 : memref<4x128xi32, #tpu.memory_space<hbm>>) target(%arg5 : memref<4x128xi32, #tpu.memory_space<vmem>>) target_semaphore(%run_scoped3A : memref<!tpu.dma_semaphore, #tpu.memory_space<semaphore_mem>>)
      %dma_wait3A_77 = arith.constant 0 : i32
      %dma_wait3A_78 = tpu.memref_slice %arg3[%mul3A_2, %dma_wait3A_77] : memref<128x128xi32, #tpu.memory_space<hbm>> -> memref<4x128xi32, #tpu.memory_space<hbm>>
      %dma_wait3A_79 = arith.constant 0 : i32
      %dma_wait3A_80 = tpu.memref_slice %arg3[%mul3A_2, %dma_wait3A_79] : memref<128x128xi32, #tpu.memory_space<hbm>> -> memref<4x128xi32, #tpu.memory_space<hbm>>
      tpu.wait_dma2 semaphore(%run_scoped3A : memref<!tpu.dma_semaphore, #tpu.memory_space<semaphore_mem>>) src(%dma_wait3A_80 : memref<4x128xi32, #tpu.memory_space<hbm>>) dst(%arg5 : memref<4x128xi32, #tpu.memory_space<vmem>>)
      tpu.yield
    }) : () -> ()
    %dma_start3A = arith.constant 0 : i32
    %dma_start3A_3 = arith.constant 0 : i32
    %dma_start3A_4 = tpu.memref_slice %arg5[%dma_start3A, %dma_start3A_3] : memref<4x128xi32, #tpu.memory_space<vmem>> -> memref<1x128xi32, #tpu.memory_space<vmem>>
    %dma_start3A_5 = tpu.memref_squeeze %dma_start3A_4 : memref<1x128xi32, #tpu.memory_space<vmem>> -> memref<128xi32, #tpu.memory_space<vmem>>
    %dma_start3A_6 = arith.constant 0 : i32
    %dma_start3A_7 = arith.constant 0 : i32
    %dma_start3A_8 = tpu.memref_slice %arg2[%dma_start3A_6, %dma_start3A_7] : memref<100000x64xf32, #tpu.memory_space<hbm>> -> memref<100000x64xf32, #tpu.memory_space<hbm>>
    tpu.enqueue_indirect_dma source(%dma_start3A_8 : memref<100000x64xf32, #tpu.memory_space<hbm>>) target(%arg6 : memref<128x64xf32, #tpu.memory_space<vmem>>) offsets(%dma_start3A_5 : memref<128xi32, #tpu.memory_space<vmem>>) semaphore(%arg7 : memref<!tpu.dma_semaphore, #tpu.memory_space<semaphore_mem>>)
    %dma_wait3A = arith.constant 0 : i32
    %dma_wait3A_9 = arith.constant 0 : i32
    %dma_wait3A_10 = tpu.memref_slice %arg5[%dma_wait3A, %dma_wait3A_9] : memref<4x128xi32, #tpu.memory_space<vmem>> -> memref<1x128xi32, #tpu.memory_space<vmem>>
    %dma_wait3A_11 = tpu.memref_squeeze %dma_wait3A_10 : memref<1x128xi32, #tpu.memory_space<vmem>> -> memref<128xi32, #tpu.memory_space<vmem>>
    %dma_wait3A_12 = arith.constant 0 : i32
    %dma_wait3A_13 = arith.constant 0 : i32
    %dma_wait3A_14 = tpu.memref_slice %arg2[%dma_wait3A_12, %dma_wait3A_13] : memref<100000x64xf32, #tpu.memory_space<hbm>> -> memref<100000x64xf32, #tpu.memory_space<hbm>>
    tpu.wait_indirect_dma semaphore(%arg7 : memref<!tpu.dma_semaphore, #tpu.memory_space<semaphore_mem>>) src(%dma_wait3A_14 : memref<100000x64xf32, #tpu.memory_space<hbm>>) dst(%arg6 : memref<128x64xf32, #tpu.memory_space<vmem>>)
    %mul3A_15 = arith.constant 512 : i32
    %mul3A_16 = arith.muli %add3A, %mul3A_15 : i32
    %add3A_17 = arith.constant 0 : i32
    %add3A_18 = arith.addi %mul3A_16, %add3A_17 : i32
    "tpu.region"() ({
      %run_scoped3A = tpu.sem_alloc : memref<!tpu.dma_semaphore, #tpu.memory_space<semaphore_mem>>
      %dma_start3A_73 = arith.constant 0 : i32
      %dma_start3A_74 = tpu.memref_slice %arg4[%add3A_18, %dma_start3A_73] : memref<16384x64xf32, #tpu.memory_space<hbm>> -> memref<128x64xf32, #tpu.memory_space<hbm>>
      %dma_start3A_75 = arith.constant 0 : i32
      %dma_start3A_76 = tpu.memref_slice %arg4[%add3A_18, %dma_start3A_75] : memref<16384x64xf32, #tpu.memory_space<hbm>> -> memref<128x64xf32, #tpu.memory_space<hbm>>
      tpu.enqueue_dma source(%arg6 : memref<128x64xf32, #tpu.memory_space<vmem>>) target(%dma_start3A_76 : memref<128x64xf32, #tpu.memory_space<hbm>>) target_semaphore(%run_scoped3A : memref<!tpu.dma_semaphore, #tpu.memory_space<semaphore_mem>>)
      %dma_wait3A_77 = arith.constant 0 : i32
      %dma_wait3A_78 = tpu.memref_slice %arg4[%add3A_18, %dma_wait3A_77] : memref<16384x64xf32, #tpu.memory_space<hbm>> -> memref<128x64xf32, #tpu.memory_space<hbm>>
      %dma_wait3A_79 = arith.constant 0 : i32
      %dma_wait3A_80 = tpu.memref_slice %arg4[%add3A_18, %dma_wait3A_79] : memref<16384x64xf32, #tpu.memory_space<hbm>> -> memref<128x64xf32, #tpu.memory_space<hbm>>
      tpu.wait_dma2 semaphore(%run_scoped3A : memref<!tpu.dma_semaphore, #tpu.memory_space<semaphore_mem>>) src(%arg6 : memref<128x64xf32, #tpu.memory_space<vmem>>) dst(%dma_wait3A_80 : memref<128x64xf32, #tpu.memory_space<hbm>>)
      tpu.yield
    }) : () -> ()
    %dma_start3A_19 = arith.constant 1 : i32
    %dma_start3A_20 = arith.constant 0 : i32
    %dma_start3A_21 = tpu.memref_slice %arg5[%dma_start3A_19, %dma_start3A_20] : memref<4x128xi32, #tpu.memory_space<vmem>> -> memref<1x128xi32, #tpu.memory_space<vmem>>
    %dma_start3A_22 = tpu.memref_squeeze %dma_start3A_21 : memref<1x128xi32, #tpu.memory_space<vmem>> -> memref<128xi32, #tpu.memory_space<vmem>>
    %dma_start3A_23 = arith.constant 0 : i32
    %dma_start3A_24 = arith.constant 0 : i32
    %dma_start3A_25 = tpu.memref_slice %arg2[%dma_start3A_23, %dma_start3A_24] : memref<100000x64xf32, #tpu.memory_space<hbm>> -> memref<100000x64xf32, #tpu.memory_space<hbm>>
    tpu.enqueue_indirect_dma source(%dma_start3A_25 : memref<100000x64xf32, #tpu.memory_space<hbm>>) target(%arg6 : memref<128x64xf32, #tpu.memory_space<vmem>>) offsets(%dma_start3A_22 : memref<128xi32, #tpu.memory_space<vmem>>) semaphore(%arg7 : memref<!tpu.dma_semaphore, #tpu.memory_space<semaphore_mem>>)
    %dma_wait3A_26 = arith.constant 1 : i32
    %dma_wait3A_27 = arith.constant 0 : i32
    %dma_wait3A_28 = tpu.memref_slice %arg5[%dma_wait3A_26, %dma_wait3A_27] : memref<4x128xi32, #tpu.memory_space<vmem>> -> memref<1x128xi32, #tpu.memory_space<vmem>>
    %dma_wait3A_29 = tpu.memref_squeeze %dma_wait3A_28 : memref<1x128xi32, #tpu.memory_space<vmem>> -> memref<128xi32, #tpu.memory_space<vmem>>
    %dma_wait3A_30 = arith.constant 0 : i32
    %dma_wait3A_31 = arith.constant 0 : i32
    %dma_wait3A_32 = tpu.memref_slice %arg2[%dma_wait3A_30, %dma_wait3A_31] : memref<100000x64xf32, #tpu.memory_space<hbm>> -> memref<100000x64xf32, #tpu.memory_space<hbm>>
    tpu.wait_indirect_dma semaphore(%arg7 : memref<!tpu.dma_semaphore, #tpu.memory_space<semaphore_mem>>) src(%dma_wait3A_32 : memref<100000x64xf32, #tpu.memory_space<hbm>>) dst(%arg6 : memref<128x64xf32, #tpu.memory_space<vmem>>)
    %mul3A_33 = arith.constant 512 : i32
    %mul3A_34 = arith.muli %add3A, %mul3A_33 : i32
    %add3A_35 = arith.constant 128 : i32
    %add3A_36 = arith.addi %mul3A_34, %add3A_35 : i32
    "tpu.region"() ({
      %run_scoped3A = tpu.sem_alloc : memref<!tpu.dma_semaphore, #tpu.memory_space<semaphore_mem>>
      %dma_start3A_73 = arith.constant 0 : i32
      %dma_start3A_74 = tpu.memref_slice %arg4[%add3A_36, %dma_start3A_73] : memref<16384x64xf32, #tpu.memory_space<hbm>> -> memref<128x64xf32, #tpu.memory_space<hbm>>
      %dma_start3A_75 = arith.constant 0 : i32
      %dma_start3A_76 = tpu.memref_slice %arg4[%add3A_36, %dma_start3A_75] : memref<16384x64xf32, #tpu.memory_space<hbm>> -> memref<128x64xf32, #tpu.memory_space<hbm>>
      tpu.enqueue_dma source(%arg6 : memref<128x64xf32, #tpu.memory_space<vmem>>) target(%dma_start3A_76 : memref<128x64xf32, #tpu.memory_space<hbm>>) target_semaphore(%run_scoped3A : memref<!tpu.dma_semaphore, #tpu.memory_space<semaphore_mem>>)
      %dma_wait3A_77 = arith.constant 0 : i32
      %dma_wait3A_78 = tpu.memref_slice %arg4[%add3A_36, %dma_wait3A_77] : memref<16384x64xf32, #tpu.memory_space<hbm>> -> memref<128x64xf32, #tpu.memory_space<hbm>>
      %dma_wait3A_79 = arith.constant 0 : i32
      %dma_wait3A_80 = tpu.memref_slice %arg4[%add3A_36, %dma_wait3A_79] : memref<16384x64xf32, #tpu.memory_space<hbm>> -> memref<128x64xf32, #tpu.memory_space<hbm>>
      tpu.wait_dma2 semaphore(%run_scoped3A : memref<!tpu.dma_semaphore, #tpu.memory_space<semaphore_mem>>) src(%arg6 : memref<128x64xf32, #tpu.memory_space<vmem>>) dst(%dma_wait3A_80 : memref<128x64xf32, #tpu.memory_space<hbm>>)
      tpu.yield
    }) : () -> ()
    %dma_start3A_37 = arith.constant 2 : i32
    %dma_start3A_38 = arith.constant 0 : i32
    %dma_start3A_39 = tpu.memref_slice %arg5[%dma_start3A_37, %dma_start3A_38] : memref<4x128xi32, #tpu.memory_space<vmem>> -> memref<1x128xi32, #tpu.memory_space<vmem>>
    %dma_start3A_40 = tpu.memref_squeeze %dma_start3A_39 : memref<1x128xi32, #tpu.memory_space<vmem>> -> memref<128xi32, #tpu.memory_space<vmem>>
    %dma_start3A_41 = arith.constant 0 : i32
    %dma_start3A_42 = arith.constant 0 : i32
    %dma_start3A_43 = tpu.memref_slice %arg2[%dma_start3A_41, %dma_start3A_42] : memref<100000x64xf32, #tpu.memory_space<hbm>> -> memref<100000x64xf32, #tpu.memory_space<hbm>>
    tpu.enqueue_indirect_dma source(%dma_start3A_43 : memref<100000x64xf32, #tpu.memory_space<hbm>>) target(%arg6 : memref<128x64xf32, #tpu.memory_space<vmem>>) offsets(%dma_start3A_40 : memref<128xi32, #tpu.memory_space<vmem>>) semaphore(%arg7 : memref<!tpu.dma_semaphore, #tpu.memory_space<semaphore_mem>>)
    %dma_wait3A_44 = arith.constant 2 : i32
    %dma_wait3A_45 = arith.constant 0 : i32
    %dma_wait3A_46 = tpu.memref_slice %arg5[%dma_wait3A_44, %dma_wait3A_45] : memref<4x128xi32, #tpu.memory_space<vmem>> -> memref<1x128xi32, #tpu.memory_space<vmem>>
    %dma_wait3A_47 = tpu.memref_squeeze %dma_wait3A_46 : memref<1x128xi32, #tpu.memory_space<vmem>> -> memref<128xi32, #tpu.memory_space<vmem>>
    %dma_wait3A_48 = arith.constant 0 : i32
    %dma_wait3A_49 = arith.constant 0 : i32
    %dma_wait3A_50 = tpu.memref_slice %arg2[%dma_wait3A_48, %dma_wait3A_49] : memref<100000x64xf32, #tpu.memory_space<hbm>> -> memref<100000x64xf32, #tpu.memory_space<hbm>>
    tpu.wait_indirect_dma semaphore(%arg7 : memref<!tpu.dma_semaphore, #tpu.memory_space<semaphore_mem>>) src(%dma_wait3A_50 : memref<100000x64xf32, #tpu.memory_space<hbm>>) dst(%arg6 : memref<128x64xf32, #tpu.memory_space<vmem>>)
    %mul3A_51 = arith.constant 512 : i32
    %mul3A_52 = arith.muli %add3A, %mul3A_51 : i32
    %add3A_53 = arith.constant 256 : i32
    %add3A_54 = arith.addi %mul3A_52, %add3A_53 : i32
    "tpu.region"() ({
      %run_scoped3A = tpu.sem_alloc : memref<!tpu.dma_semaphore, #tpu.memory_space<semaphore_mem>>
      %dma_start3A_73 = arith.constant 0 : i32
      %dma_start3A_74 = tpu.memref_slice %arg4[%add3A_54, %dma_start3A_73] : memref<16384x64xf32, #tpu.memory_space<hbm>> -> memref<128x64xf32, #tpu.memory_space<hbm>>
      %dma_start3A_75 = arith.constant 0 : i32
      %dma_start3A_76 = tpu.memref_slice %arg4[%add3A_54, %dma_start3A_75] : memref<16384x64xf32, #tpu.memory_space<hbm>> -> memref<128x64xf32, #tpu.memory_space<hbm>>
      tpu.enqueue_dma source(%arg6 : memref<128x64xf32, #tpu.memory_space<vmem>>) target(%dma_start3A_76 : memref<128x64xf32, #tpu.memory_space<hbm>>) target_semaphore(%run_scoped3A : memref<!tpu.dma_semaphore, #tpu.memory_space<semaphore_mem>>)
      %dma_wait3A_77 = arith.constant 0 : i32
      %dma_wait3A_78 = tpu.memref_slice %arg4[%add3A_54, %dma_wait3A_77] : memref<16384x64xf32, #tpu.memory_space<hbm>> -> memref<128x64xf32, #tpu.memory_space<hbm>>
      %dma_wait3A_79 = arith.constant 0 : i32
      %dma_wait3A_80 = tpu.memref_slice %arg4[%add3A_54, %dma_wait3A_79] : memref<16384x64xf32, #tpu.memory_space<hbm>> -> memref<128x64xf32, #tpu.memory_space<hbm>>
      tpu.wait_dma2 semaphore(%run_scoped3A : memref<!tpu.dma_semaphore, #tpu.memory_space<semaphore_mem>>) src(%arg6 : memref<128x64xf32, #tpu.memory_space<vmem>>) dst(%dma_wait3A_80 : memref<128x64xf32, #tpu.memory_space<hbm>>)
      tpu.yield
    }) : () -> ()
    %dma_start3A_55 = arith.constant 3 : i32
    %dma_start3A_56 = arith.constant 0 : i32
    %dma_start3A_57 = tpu.memref_slice %arg5[%dma_start3A_55, %dma_start3A_56] : memref<4x128xi32, #tpu.memory_space<vmem>> -> memref<1x128xi32, #tpu.memory_space<vmem>>
    %dma_start3A_58 = tpu.memref_squeeze %dma_start3A_57 : memref<1x128xi32, #tpu.memory_space<vmem>> -> memref<128xi32, #tpu.memory_space<vmem>>
    %dma_start3A_59 = arith.constant 0 : i32
    %dma_start3A_60 = arith.constant 0 : i32
    %dma_start3A_61 = tpu.memref_slice %arg2[%dma_start3A_59, %dma_start3A_60] : memref<100000x64xf32, #tpu.memory_space<hbm>> -> memref<100000x64xf32, #tpu.memory_space<hbm>>
    tpu.enqueue_indirect_dma source(%dma_start3A_61 : memref<100000x64xf32, #tpu.memory_space<hbm>>) target(%arg6 : memref<128x64xf32, #tpu.memory_space<vmem>>) offsets(%dma_start3A_58 : memref<128xi32, #tpu.memory_space<vmem>>) semaphore(%arg7 : memref<!tpu.dma_semaphore, #tpu.memory_space<semaphore_mem>>)
    %dma_wait3A_62 = arith.constant 3 : i32
    %dma_wait3A_63 = arith.constant 0 : i32
    %dma_wait3A_64 = tpu.memref_slice %arg5[%dma_wait3A_62, %dma_wait3A_63] : memref<4x128xi32, #tpu.memory_space<vmem>> -> memref<1x128xi32, #tpu.memory_space<vmem>>
    %dma_wait3A_65 = tpu.memref_squeeze %dma_wait3A_64 : memref<1x128xi32, #tpu.memory_space<vmem>> -> memref<128xi32, #tpu.memory_space<vmem>>
    %dma_wait3A_66 = arith.constant 0 : i32
    %dma_wait3A_67 = arith.constant 0 : i32
    %dma_wait3A_68 = tpu.memref_slice %arg2[%dma_wait3A_66, %dma_wait3A_67] : memref<100000x64xf32, #tpu.memory_space<hbm>> -> memref<100000x64xf32, #tpu.memory_space<hbm>>
    tpu.wait_indirect_dma semaphore(%arg7 : memref<!tpu.dma_semaphore, #tpu.memory_space<semaphore_mem>>) src(%dma_wait3A_68 : memref<100000x64xf32, #tpu.memory_space<hbm>>) dst(%arg6 : memref<128x64xf32, #tpu.memory_space<vmem>>)
    %mul3A_69 = arith.constant 512 : i32
    %mul3A_70 = arith.muli %add3A, %mul3A_69 : i32
    %add3A_71 = arith.constant 384 : i32
    %add3A_72 = arith.addi %mul3A_70, %add3A_71 : i32
    "tpu.region"() ({
      %run_scoped3A = tpu.sem_alloc : memref<!tpu.dma_semaphore, #tpu.memory_space<semaphore_mem>>
      %dma_start3A_73 = arith.constant 0 : i32
      %dma_start3A_74 = tpu.memref_slice %arg4[%add3A_72, %dma_start3A_73] : memref<16384x64xf32, #tpu.memory_space<hbm>> -> memref<128x64xf32, #tpu.memory_space<hbm>>
      %dma_start3A_75 = arith.constant 0 : i32
      %dma_start3A_76 = tpu.memref_slice %arg4[%add3A_72, %dma_start3A_75] : memref<16384x64xf32, #tpu.memory_space<hbm>> -> memref<128x64xf32, #tpu.memory_space<hbm>>
      tpu.enqueue_dma source(%arg6 : memref<128x64xf32, #tpu.memory_space<vmem>>) target(%dma_start3A_76 : memref<128x64xf32, #tpu.memory_space<hbm>>) target_semaphore(%run_scoped3A : memref<!tpu.dma_semaphore, #tpu.memory_space<semaphore_mem>>)
      %dma_wait3A_77 = arith.constant 0 : i32
      %dma_wait3A_78 = tpu.memref_slice %arg4[%add3A_72, %dma_wait3A_77] : memref<16384x64xf32, #tpu.memory_space<hbm>> -> memref<128x64xf32, #tpu.memory_space<hbm>>
      %dma_wait3A_79 = arith.constant 0 : i32
      %dma_wait3A_80 = tpu.memref_slice %arg4[%add3A_72, %dma_wait3A_79] : memref<16384x64xf32, #tpu.memory_space<hbm>> -> memref<128x64xf32, #tpu.memory_space<hbm>>
      tpu.wait_dma2 semaphore(%run_scoped3A : memref<!tpu.dma_semaphore, #tpu.memory_space<semaphore_mem>>) src(%arg6 : memref<128x64xf32, #tpu.memory_space<vmem>>) dst(%dma_wait3A_80 : memref<128x64xf32, #tpu.memory_space<hbm>>)
      tpu.yield
    }) : () -> ()
    return
  }
}

module attributes {stable_mosaic.version = 14 : i64} {
  func.func @_gru_body(%arg0: i32, %arg1: memref<2048x64xf32, #tpu.memory_space<vmem>>, %arg2: memref<2048x68xf32, #tpu.memory_space<vmem>>, %arg3: memref<68x64xf32, #tpu.memory_space<vmem>>, %arg4: memref<68x64xf32, #tpu.memory_space<vmem>>, %arg5: memref<68x64xf32, #tpu.memory_space<vmem>>, %arg6: memref<64x64xf32, #tpu.memory_space<vmem>>, %arg7: memref<64x64xf32, #tpu.memory_space<vmem>>, %arg8: memref<64x64xf32, #tpu.memory_space<vmem>>, %arg9: memref<1x64xf32, #tpu.memory_space<vmem>>, %arg10: memref<1x64xf32, #tpu.memory_space<vmem>>, %arg11: memref<1x64xf32, #tpu.memory_space<vmem>>, %arg12: memref<1x64xf32, #tpu.memory_space<vmem>>, %arg13: memref<1x64xf32, #tpu.memory_space<vmem>>, %arg14: memref<1x64xf32, #tpu.memory_space<vmem>>, %arg15: memref<2048x64xf32, #tpu.memory_space<vmem>>) attributes {dimension_semantics = [#tpu.dimension_semantics<arbitrary>], iteration_bounds = array<i64: 8>, scalar_prefetch = 0 : i64, scratch_operands = 0 : i64, tpu.core_type = #tpu.core_type<tc>, window_params = [{transform_indices = @transform_0, window_bounds = array<i64: 2048, 64>}, {transform_indices = @transform_1, window_bounds = array<i64: 2048, 68>}, {pipeline_mode = #tpu.pipeline_mode<synchronous>, transform_indices = @transform_2, window_bounds = array<i64: 68, 64>}, {pipeline_mode = #tpu.pipeline_mode<synchronous>, transform_indices = @transform_3, window_bounds = array<i64: 68, 64>}, {pipeline_mode = #tpu.pipeline_mode<synchronous>, transform_indices = @transform_4, window_bounds = array<i64: 68, 64>}, {pipeline_mode = #tpu.pipeline_mode<synchronous>, transform_indices = @transform_5, window_bounds = array<i64: 64, 64>}, {pipeline_mode = #tpu.pipeline_mode<synchronous>, transform_indices = @transform_6, window_bounds = array<i64: 64, 64>}, {pipeline_mode = #tpu.pipeline_mode<synchronous>, transform_indices = @transform_7, window_bounds = array<i64: 64, 64>}, {pipeline_mode = #tpu.pipeline_mode<synchronous>, transform_indices = @transform_8, window_bounds = array<i64: 1, 64>}, {pipeline_mode = #tpu.pipeline_mode<synchronous>, transform_indices = @transform_9, window_bounds = array<i64: 1, 64>}, {pipeline_mode = #tpu.pipeline_mode<synchronous>, transform_indices = @transform_10, window_bounds = array<i64: 1, 64>}, {pipeline_mode = #tpu.pipeline_mode<synchronous>, transform_indices = @transform_11, window_bounds = array<i64: 1, 64>}, {pipeline_mode = #tpu.pipeline_mode<synchronous>, transform_indices = @transform_12, window_bounds = array<i64: 1, 64>}, {pipeline_mode = #tpu.pipeline_mode<synchronous>, transform_indices = @transform_13, window_bounds = array<i64: 1, 64>}, {transform_indices = @transform_14, window_bounds = array<i64: 2048, 64>}]} {
    %get3A = arith.constant 0 : index
    %get3A_0 = arith.constant 0 : index
    %get3A_1 = vector.load %arg1[%get3A, %get3A_0] : memref<2048x64xf32, #tpu.memory_space<vmem>>, vector<2048x64xf32>
    %get3A_2 = arith.constant 0 : index
    %get3A_3 = arith.constant 0 : index
    %get3A_4 = vector.load %arg2[%get3A_2, %get3A_3] : memref<2048x68xf32, #tpu.memory_space<vmem>>, vector<2048x68xf32>
    %get3A_5 = arith.constant 0 : index
    %get3A_6 = arith.constant 0 : index
    %get3A_7 = vector.load %arg3[%get3A_5, %get3A_6] : memref<68x64xf32, #tpu.memory_space<vmem>>, vector<68x64xf32>
    %dot_general3A = arith.constant dense<0.000000e+00> : vector<2048x64xf32>
    %dot_general3A_8 = tpu.matmul %get3A_4, %get3A_7, %dot_general3A {dimension_numbers = #tpu.dot_dimension_numbers<[1], [0], [0], [1], [0, 0, 1, 1], [], []>, transpose_lhs_hint = false} : vector<2048x68xf32>, vector<68x64xf32>, vector<2048x64xf32> -> vector<2048x64xf32>
    %get3A_9 = arith.constant 0 : index
    %get3A_10 = arith.constant 0 : index
    %get3A_11 = vector.load %arg9[%get3A_9, %get3A_10] : memref<1x64xf32, #tpu.memory_space<vmem>>, vector<1x64xf32>
    %add3A = vector.broadcast %get3A_11 : vector<1x64xf32> to vector<2048x64xf32>
    %add3A_12 = arith.addf %dot_general3A_8, %add3A : vector<2048x64xf32>
    %get3A_13 = arith.constant 0 : index
    %get3A_14 = arith.constant 0 : index
    %get3A_15 = vector.load %arg4[%get3A_13, %get3A_14] : memref<68x64xf32, #tpu.memory_space<vmem>>, vector<68x64xf32>
    %dot_general3A_16 = arith.constant dense<0.000000e+00> : vector<2048x64xf32>
    %dot_general3A_17 = tpu.matmul %get3A_4, %get3A_15, %dot_general3A_16 {dimension_numbers = #tpu.dot_dimension_numbers<[1], [0], [0], [1], [0, 0, 1, 1], [], []>, transpose_lhs_hint = false} : vector<2048x68xf32>, vector<68x64xf32>, vector<2048x64xf32> -> vector<2048x64xf32>
    %get3A_18 = arith.constant 0 : index
    %get3A_19 = arith.constant 0 : index
    %get3A_20 = vector.load %arg10[%get3A_18, %get3A_19] : memref<1x64xf32, #tpu.memory_space<vmem>>, vector<1x64xf32>
    %add3A_21 = vector.broadcast %get3A_20 : vector<1x64xf32> to vector<2048x64xf32>
    %add3A_22 = arith.addf %dot_general3A_17, %add3A_21 : vector<2048x64xf32>
    %get3A_23 = arith.constant 0 : index
    %get3A_24 = arith.constant 0 : index
    %get3A_25 = vector.load %arg5[%get3A_23, %get3A_24] : memref<68x64xf32, #tpu.memory_space<vmem>>, vector<68x64xf32>
    %dot_general3A_26 = arith.constant dense<0.000000e+00> : vector<2048x64xf32>
    %dot_general3A_27 = tpu.matmul %get3A_4, %get3A_25, %dot_general3A_26 {dimension_numbers = #tpu.dot_dimension_numbers<[1], [0], [0], [1], [0, 0, 1, 1], [], []>, transpose_lhs_hint = false} : vector<2048x68xf32>, vector<68x64xf32>, vector<2048x64xf32> -> vector<2048x64xf32>
    %get3A_28 = arith.constant 0 : index
    %get3A_29 = arith.constant 0 : index
    %get3A_30 = vector.load %arg11[%get3A_28, %get3A_29] : memref<1x64xf32, #tpu.memory_space<vmem>>, vector<1x64xf32>
    %add3A_31 = vector.broadcast %get3A_30 : vector<1x64xf32> to vector<2048x64xf32>
    %add3A_32 = arith.addf %dot_general3A_27, %add3A_31 : vector<2048x64xf32>
    %get3A_33 = arith.constant 0 : index
    %get3A_34 = arith.constant 0 : index
    %get3A_35 = vector.load %arg6[%get3A_33, %get3A_34] : memref<64x64xf32, #tpu.memory_space<vmem>>, vector<64x64xf32>
    %dot_general3A_36 = arith.constant dense<0.000000e+00> : vector<2048x64xf32>
    %dot_general3A_37 = tpu.matmul %get3A_1, %get3A_35, %dot_general3A_36 {dimension_numbers = #tpu.dot_dimension_numbers<[1], [0], [0], [1], [0, 0, 1, 1], [], []>, transpose_lhs_hint = false} : vector<2048x64xf32>, vector<64x64xf32>, vector<2048x64xf32> -> vector<2048x64xf32>
    %get3A_38 = arith.constant 0 : index
    %get3A_39 = arith.constant 0 : index
    %get3A_40 = vector.load %arg12[%get3A_38, %get3A_39] : memref<1x64xf32, #tpu.memory_space<vmem>>, vector<1x64xf32>
    %add3A_41 = vector.broadcast %get3A_40 : vector<1x64xf32> to vector<2048x64xf32>
    %add3A_42 = arith.addf %dot_general3A_37, %add3A_41 : vector<2048x64xf32>
    %get3A_43 = arith.constant 0 : index
    %get3A_44 = arith.constant 0 : index
    %get3A_45 = vector.load %arg7[%get3A_43, %get3A_44] : memref<64x64xf32, #tpu.memory_space<vmem>>, vector<64x64xf32>
    %dot_general3A_46 = arith.constant dense<0.000000e+00> : vector<2048x64xf32>
    %dot_general3A_47 = tpu.matmul %get3A_1, %get3A_45, %dot_general3A_46 {dimension_numbers = #tpu.dot_dimension_numbers<[1], [0], [0], [1], [0, 0, 1, 1], [], []>, transpose_lhs_hint = false} : vector<2048x64xf32>, vector<64x64xf32>, vector<2048x64xf32> -> vector<2048x64xf32>
    %get3A_48 = arith.constant 0 : index
    %get3A_49 = arith.constant 0 : index
    %get3A_50 = vector.load %arg13[%get3A_48, %get3A_49] : memref<1x64xf32, #tpu.memory_space<vmem>>, vector<1x64xf32>
    %add3A_51 = vector.broadcast %get3A_50 : vector<1x64xf32> to vector<2048x64xf32>
    %add3A_52 = arith.addf %dot_general3A_47, %add3A_51 : vector<2048x64xf32>
    %get3A_53 = arith.constant 0 : index
    %get3A_54 = arith.constant 0 : index
    %get3A_55 = vector.load %arg8[%get3A_53, %get3A_54] : memref<64x64xf32, #tpu.memory_space<vmem>>, vector<64x64xf32>
    %dot_general3A_56 = arith.constant dense<0.000000e+00> : vector<2048x64xf32>
    %dot_general3A_57 = tpu.matmul %get3A_1, %get3A_55, %dot_general3A_56 {dimension_numbers = #tpu.dot_dimension_numbers<[1], [0], [0], [1], [0, 0, 1, 1], [], []>, transpose_lhs_hint = false} : vector<2048x64xf32>, vector<64x64xf32>, vector<2048x64xf32> -> vector<2048x64xf32>
    %get3A_58 = arith.constant 0 : index
    %get3A_59 = arith.constant 0 : index
    %get3A_60 = vector.load %arg14[%get3A_58, %get3A_59] : memref<1x64xf32, #tpu.memory_space<vmem>>, vector<1x64xf32>
    %add3A_61 = vector.broadcast %get3A_60 : vector<1x64xf32> to vector<2048x64xf32>
    %add3A_62 = arith.addf %dot_general3A_57, %add3A_61 : vector<2048x64xf32>
    %add3A_63 = arith.addf %add3A_12, %add3A_42 : vector<2048x64xf32>
    %logistic3A = arith.negf %add3A_63 : vector<2048x64xf32>
    %logistic3A_64 = math.exp %logistic3A : vector<2048x64xf32>
    %logistic3A_65 = arith.constant 1.000000e+00 : f32
    %logistic3A_66 = vector.broadcast %logistic3A_65 : f32 to vector<2048x64xf32>
    %logistic3A_67 = arith.addf %logistic3A_66, %logistic3A_64 : vector<2048x64xf32>
    %logistic3A_68 = arith.divf %logistic3A_66, %logistic3A_67 : vector<2048x64xf32>
    %add3A_69 = arith.addf %add3A_22, %add3A_52 : vector<2048x64xf32>
    %logistic3A_70 = arith.negf %add3A_69 : vector<2048x64xf32>
    %logistic3A_71 = math.exp %logistic3A_70 : vector<2048x64xf32>
    %logistic3A_72 = arith.constant 1.000000e+00 : f32
    %logistic3A_73 = vector.broadcast %logistic3A_72 : f32 to vector<2048x64xf32>
    %logistic3A_74 = arith.addf %logistic3A_73, %logistic3A_71 : vector<2048x64xf32>
    %logistic3A_75 = arith.divf %logistic3A_73, %logistic3A_74 : vector<2048x64xf32>
    %mul3A = arith.mulf %logistic3A_68, %add3A_62 : vector<2048x64xf32>
    %add3A_76 = arith.addf %add3A_32, %mul3A : vector<2048x64xf32>
    %tanh3A = math.tanh %add3A_76 : vector<2048x64xf32>
    %sub3A = arith.constant 1.000000e+00 : f32
    %sub3A_77 = vector.broadcast %sub3A : f32 to vector<2048x64xf32>
    %sub3A_78 = arith.subf %sub3A_77, %logistic3A_75 : vector<2048x64xf32>
    %mul3A_79 = arith.mulf %sub3A_78, %tanh3A : vector<2048x64xf32>
    %mul3A_80 = arith.mulf %logistic3A_75, %get3A_1 : vector<2048x64xf32>
    %add3A_81 = arith.addf %mul3A_79, %mul3A_80 : vector<2048x64xf32>
    %swap3A = arith.constant 0 : index
    %swap3A_82 = arith.constant 0 : index
    %swap3A_83 = vector.load %arg15[%swap3A, %swap3A_82] : memref<2048x64xf32, #tpu.memory_space<vmem>>, vector<2048x64xf32>
    tpu.vector_store %arg15[%swap3A, %swap3A_82], %add3A_81 {strides = array<i32>} : memref<2048x64xf32, #tpu.memory_space<vmem>>, vector<2048x64xf32>,
    return
  }
  func.func @transform_0(%arg0: i32) -> (i32, i32) {
    %c0_i32 = arith.constant 0 : i32
    %c0_i32_0 = arith.constant 0 : i32
    return %arg0, %c0_i32 : i32, i32
  }
  func.func @transform_1(%arg0: i32) -> (i32, i32) {
    %c0_i32 = arith.constant 0 : i32
    %c0_i32_0 = arith.constant 0 : i32
    return %arg0, %c0_i32 : i32, i32
  }
  func.func @transform_2(%arg0: i32) -> (i32, i32) {
    %c0_i32 = arith.constant 0 : i32
    %c0_i32_0 = arith.constant 0 : i32
    %c0_i32_1 = arith.constant 0 : i32
    return %c0_i32, %c0_i32_0 : i32, i32
  }
  func.func @transform_3(%arg0: i32) -> (i32, i32) {
    %c0_i32 = arith.constant 0 : i32
    %c0_i32_0 = arith.constant 0 : i32
    %c0_i32_1 = arith.constant 0 : i32
    return %c0_i32, %c0_i32_0 : i32, i32
  }
  func.func @transform_4(%arg0: i32) -> (i32, i32) {
    %c0_i32 = arith.constant 0 : i32
    %c0_i32_0 = arith.constant 0 : i32
    %c0_i32_1 = arith.constant 0 : i32
    return %c0_i32, %c0_i32_0 : i32, i32
  }
  func.func @transform_5(%arg0: i32) -> (i32, i32) {
    %c0_i32 = arith.constant 0 : i32
    %c0_i32_0 = arith.constant 0 : i32
    %c0_i32_1 = arith.constant 0 : i32
    return %c0_i32, %c0_i32_0 : i32, i32
  }
  func.func @transform_6(%arg0: i32) -> (i32, i32) {
    %c0_i32 = arith.constant 0 : i32
    %c0_i32_0 = arith.constant 0 : i32
    %c0_i32_1 = arith.constant 0 : i32
    return %c0_i32, %c0_i32_0 : i32, i32
  }
  func.func @transform_7(%arg0: i32) -> (i32, i32) {
    %c0_i32 = arith.constant 0 : i32
    %c0_i32_0 = arith.constant 0 : i32
    %c0_i32_1 = arith.constant 0 : i32
    return %c0_i32, %c0_i32_0 : i32, i32
  }
  func.func @transform_8(%arg0: i32) -> (i32, i32) {
    %c0_i32 = arith.constant 0 : i32
    %c0_i32_0 = arith.constant 0 : i32
    %c0_i32_1 = arith.constant 0 : i32
    return %c0_i32, %c0_i32_0 : i32, i32
  }
  func.func @transform_9(%arg0: i32) -> (i32, i32) {
    %c0_i32 = arith.constant 0 : i32
    %c0_i32_0 = arith.constant 0 : i32
    %c0_i32_1 = arith.constant 0 : i32
    return %c0_i32, %c0_i32_0 : i32, i32
  }
  func.func @transform_10(%arg0: i32) -> (i32, i32) {
    %c0_i32 = arith.constant 0 : i32
    %c0_i32_0 = arith.constant 0 : i32
    %c0_i32_1 = arith.constant 0 : i32
    return %c0_i32, %c0_i32_0 : i32, i32
  }
  func.func @transform_11(%arg0: i32) -> (i32, i32) {
    %c0_i32 = arith.constant 0 : i32
    %c0_i32_0 = arith.constant 0 : i32
    %c0_i32_1 = arith.constant 0 : i32
    return %c0_i32, %c0_i32_0 : i32, i32
  }
  func.func @transform_12(%arg0: i32) -> (i32, i32) {
    %c0_i32 = arith.constant 0 : i32
    %c0_i32_0 = arith.constant 0 : i32
    %c0_i32_1 = arith.constant 0 : i32
    return %c0_i32, %c0_i32_0 : i32, i32
  }
  func.func @transform_13(%arg0: i32) -> (i32, i32) {
    %c0_i32 = arith.constant 0 : i32
    %c0_i32_0 = arith.constant 0 : i32
    %c0_i32_1 = arith.constant 0 : i32
    return %c0_i32, %c0_i32_0 : i32, i32
  }
  func.func @transform_14(%arg0: i32) -> (i32, i32) {
    %c0_i32 = arith.constant 0 : i32
    %c0_i32_0 = arith.constant 0 : i32
    return %arg0, %c0_i32 : i32, i32
  }
}

</mosaic_0001>

<sc_bundles>
// kernel: kernel.5.cloned.1.call-start
scs
__scs_entry_jumppad:
0x0: {  	(pc) =	sbr.rel $0x88, $3  }
0x1: {  	(tag) =	ssettag $0x0;
	lr =	simm.s32 $0x1  }
0x2: {  	[smem:$0x3F98] =	sst lr;
	_ =	strace $0xD0000000  }
0x3: {  	_ = 	snop  }
0x4: {  	_ = 	snop  }
0x5: {  	_ = 	snop  }
0x6: {  	_ = 	snop  }
0x7: {  	_ = 	snop  }
__scs_overlays_trampoline_lowered:
0x8: {  	[smem:$0x3FA7] =	sst s0  }
0x9: {  	[smem:$0x3FA8] =	sst s1  }
0xa: {  	[smem:$0x3FA9] =	sst s2  }
0xb: {  	[smem:$0x3FAA] =	sst s3  }
0xc: {  	[smem:$0x3FAB] =	sst s4  }
0xd: {  	[smem:$0x3FAC] =	sst s5  }
0xe: {  	[smem:$0x3FAD] =	sst s6  }
0xf: {  	[smem:$0x3FAE] =	sst s7  }
0x10: {  	[smem:$0x3FAF] =	sst s8  }
0x11: {  	[smem:$0x3FB0] =	sst s9;
	s0 =	simm.s32 @!p0 $0x0  }
0x12: {  	s1 =	sld [smem:$0x3F96];
	s0 =	simm.s32 @p0 $0x1  }
0x13: {  	[smem:$0x3FB1] =	sst s0;
	s0 =	simm.s32 @!p1 $0x0  }
0x14: {  	s2 =	sld [smem:$0x3F95];
	s0 =	simm.s32 @p1 $0x1  }
0x15: {  	[smem:$0x3FB2] =	sst s0;
	s0 =	simm.s32 @!p2 $0x0  }
0x16: {  	s3 =	sld [smem:$0x3FDB];
	s0 =	simm.s32 @p2 $0x1  }
0x17: {  	s4 =	simm.s32 $0x1BF5;
	[smem:$0x3FB4] =	sst s0  }
0x18: {  	s0 =	sld [smem:$0x3F97];
	_ =	swait.ge [sflag:s4], $0x0  }
0x19: {  	s7 =	sld [smem:$0x3F98]  }
0x1a: {  	s8 =	sadd.s32 $0xFFFFE003, lr  }
0x1b: {  	s9 =	sadd.s32 $0xFFFFFEF7, lr;
	s5 =	simm.s32 $0xFFFFFFFF;
	p2 =	slt.u32 s8, $0xFFFFF086  }
0x1c: {  	p1 =	slt.u32 s9, $0xF7A;
	s5 =	simm.s32 @!p2 $0x0  }
0x1d: {  	s5 =	simm.s32 @p1 $0x1;
	p0 =	seq.s32 s7, s2  }
0x1e: {  	s7 =	smul.u32 @!p0 $0xF7A, s2;
	p2 =	seq.s32 @!p0 s5, $0x0  }
0x1f: {  	s9 =	smul.u32 $0xF7A, s1;
	s8 =	simm.s32 @!p0 $0x1BF5;
	p2 =	por !p2, p0  }
0x20: {  	[sflag:s8] =	ssyncset.s32 @!p0 $0xFFFFF086;
	s6 =	sadd.s32 @!p0 s3, s7;
	s7 =	simm.s32 @!p0 $0x108  }
0x21: {  	s3 =	sadd.s32 s3, s9;
	s6 =	sadd.s32 @!p0 $0x88, s6;
	s7 =	simm.s32 @p2 $0x1082  }
0x22: {  	[simem:s7], [sflag:s8] =	dma.local @!p0 [hbm:s6], $0xF7A  }
0x23: {  	s9 =	sor.u32 $0xD0000000, s2;
	s6 =	simm.s32 $0x108;
	_ =	swait.ge @!p0 [sflag:s8], $0x0  }
0x24: {  	s3 =	sadd.s32 $0x88, s3;
	s6 =	simm.s32 @!p1 $0x1082;
	[sflag:s4] =	ssyncset.s32 $0xFFFFF086  }
0x25: {  	[simem:s6], [sflag:s4] =	dma.local [hbm:s3], $0xF7A  }
0x26: {  	[smem:$0x3F98] =	sst s1;
	(tag) =	ssettag s2;
	_ =	strace s9  }
0x27: {  	s1 =	sld [smem:$0x3FA8]  }
0x28: {  	s2 =	sld [smem:$0x3FA9]  }
0x29: {  	s4 =	sld [smem:$0x3FAB]  }
0x2a: {  	p0 =	seq.s32 s5, $0x0;
	s5 =	sld [smem:$0x3FAC]  }
0x2b: {  	s6 =	sld [smem:$0x3FAD]  }
0x2c: {  	s7 =	sld [smem:$0x3FAE]  }
0x2d: {  	s3 =	simm.s32 $0x108;
	s8 =	sld [smem:$0x3FAF]  }
0x2e: {  	s3 =	simm.s32 @!p0 $0x1082;
	s9 =	sld [smem:$0x3FB0]  }
0x2f: {  	lr =	sadd.s32 s0, s3;
	s0 =	sld [smem:$0x3FA7]  }
0x30: {  	s3 =	sld [smem:$0x3FAA]  }
0x31: {  	[smem:$0x3FB3] =	sst s10  }
0x32: {  	s10 =	sld [smem:$0x3FB1];
	_ =	sdelay $0x3  }
0x33: {  	p0 =	seq.s32 s10, $0x1;
	s10 =	sld [smem:$0x3FB3];
	_ =	sdelay $0x3  }
0x34: {  	[smem:$0x3FB3] =	sst s10  }
0x35: {  	s10 =	sld [smem:$0x3FB2];
	_ =	sdelay $0x3  }
0x36: {  	p1 =	seq.s32 s10, $0x1;
	s10 =	sld [smem:$0x3FB3];
	_ =	sdelay $0x3  }
0x37: {  	[smem:$0x3FB3] =	sst s10  }
0x38: {  	s10 =	sld [smem:$0x3FB4]  }
0x39: {  	_ = 	snop;
	(pc) =	sbr.ind lr, $3  }
0x3a: {  	_ = 	snop  }
0x3b: {  	_ = 	snop  }
0x3c: {  	p2 =	seq.s32 s10, $0x1;
	s10 =	sld [smem:$0x3FB3]  }
0x3d: {  	_ =	shalt  }
0x3e: {  	_ =	shalt  }
0x3f: {  	_ =	shalt  }
0x40: {  	_ =	shalt  }
0x41: {  	_ =	shalt  }
0x42: {  	_ =	shalt  }
0x43: {  	_ =	shalt  }
0x44: {  	_ =	shalt  }
0x45: {  	_ =	shalt  }
0x46: {  	_ =	shalt  }
0x47: {  	_ =	shalt  }
0x48: {  	_ =	shalt  }
0x49: {  	_ =	shalt  }
0x4a: {  	_ =	shalt  }
0x4b: {  	_ =	shalt  }
0x4c: {  	_ =	shalt  }
0x4d: {  	_ =	shalt  }
0x4e: {  	_ =	shalt  }
0x4f: {  	_ =	shalt  }
0x50: {  	_ =	shalt  }
0x51: {  	_ =	shalt  }
0x52: {  	_ =	shalt  }
0x53: {  	_ =	shalt  }
0x54: {  	_ =	shalt  }
0x55: {  	_ =	shalt  }
0x56: {  	_ =	shalt  }
0x57: {  	_ =	shalt  }
0x58: {  	_ =	shalt  }
0x59: {  	_ =	shalt  }
0x5a: {  	_ =	shalt  }
0x5b: {  	_ =	shalt  }
0x5c: {  	_ =	shalt  }
0x5d: {  	_ =	shalt  }
0x5e: {  	_ =	shalt  }
0x5f: {  	_ =	shalt  }
0x60: {  	_ =	shalt  }
0x61: {  	_ =	shalt  }
0x62: {  	_ =	shalt  }
0x63: {  	_ =	shalt  }
0x64: {  	_ =	shalt  }
0x65: {  	_ =	shalt  }
0x66: {  	_ =	shalt  }
0x67: {  	_ =	shalt  }
0x68: {  	_ =	shalt  }
0x69: {  	_ =	shalt  }
0x6a: {  	_ =	shalt  }
0x6b: {  	_ =	shalt  }
0x6c: {  	_ =	shalt  }
0x6d: {  	_ =	shalt  }
0x6e: {  	_ =	shalt  }
0x6f: {  	_ =	shalt  }
0x70: {  	_ =	shalt  }
0x71: {  	_ =	shalt  }
0x72: {  	_ =	shalt  }
0x73: {  	_ =	shalt  }
0x74: {  	_ =	shalt  }
0x75: {  	_ =	shalt  }
0x76: {  	_ =	shalt  }
0x77: {  	_ =	shalt  }
0x78: {  	_ =	shalt  }
0x79: {  	_ =	shalt  }
0x7a: {  	_ =	shalt  }
0x7b: {  	_ =	shalt  }
0x7c: {  	_ =	shalt  }
0x7d: {  	_ =	shalt  }
0x7e: {  	_ =	shalt  }
0x7f: {  	_ =	shalt  }
0x80: {  	_ =	shalt  }
0x81: {  	_ =	shalt  }
0x82: {  	_ =	shalt  }
0x83: {  	_ =	shalt  }
0x84: {  	_ =	shalt  }
0x85: {  	_ =	shalt  }
0x86: {  	_ =	shalt  }
0x87: {  	_ =	shalt  }
.Lfunc_end0:
.L_simem_size_0:
called_computation_lowered:
.L_overlay_start_0:
0x88: {  	s2 =	sld [smem:$0x3FD9]  }
0x89: {  	s3 =	sld [smem:$0x3FFE];
	_ =	sdelay $0x1  }
0x8a: {  	s1 =	srdreg.scid  }
0x8b: {  	s0 =	sand.u32 $0x1, s1  }
0x8c: {  	s14 =	sshll.u32 s0, $0xA;
	s2 =	sadd.s32 s3, s2  }
0x8d: {  	s2 =	sadd.s32 s2, s14  }
0x8e: {  	[smem:$0x3FBF] =	sst s2  }
0x8f: {  	_ = 	snop  }
0x90: {  	s2 =	sld [smem:$0x3FD0];
	_ =	sdelay $0x2  }
0x91: {  	s4 =	simm.s32 $0xA;
	s5 =	simm.s32 $0x10;
	s15 =	sld [smem:$0x3FC8]  }
0x92: {  	[smem:s5], [sflag:s4] =	dma.local [hbm:s2], $0x1  }
0x93: {  	_ =	swait.eq [sflag:s4], $0x1  }
0x94: {  	[sflag:s4] =	ssyncset.done $0x0  }
0x95: {  	[sflag:s4] =	ssyncadd.s32 $0xFFFFFFFF  }
0x96: {  	s16 =	sld [smem:$0x10];
	(tm) =	ssettm $0x1  }
0x97: {  	s17 =	sld [smem:$0x3FFB];
	_ =	sdelay $0x3  }
0x98: {  	_ =	strace s17  }
0x99: {  	s4 =	sld [smem:$0x3FFC];
	_ =	sdelay $0x3  }
0x9a: {  	_ =	strace s4  }
0x9b: {  	s4 =	sld [smem:$0x3FFD];
	_ =	sdelay $0x3  }
0x9c: {  	_ =	strace s4  }
0x9d: {  	_ =	strace $0x8FFFFFFF  }
0x9e: {  	s18 =	sld [smem:$0x3FDB];
	_ =	sdelay $0x1  }
0x9f: {  	s19 =	simm.s32 $_scs_section_size  }
0xa0: {  	s6 =	simm.s32 $_size__tile_overlayer_lowered;
	s7 =	simm.s32 $_tile_overlayer_lowered  }
0xa1: {  	s22 =	simm.s32 $0x1BFF;
	s21 =	sshll.u32 s7, $0x1;
	s4 =	sadd.s32 s19, s18  }
0xa2: {  	s8 =	simm.s32 $0x0;
	s20 =	sshll.u32 s6, $0x1;
	s6 =	sadd.s32 s21, s4  }
0xa3: {  	[timem:s8], [sflag:s22] =	dma.local [hbm:s6], s20  }
0xa4: {  	_ =	swait.ge [sflag:s22], s20  }
0xa5: {  	s5 =	ssub.s32 $0x0, s20;
	[sflag:s22] =	ssyncset.done $0x0  }
0xa6: {  	[sflag:s22] =	ssyncadd.s32 s5;
	_ =	sdelay $0x1  }
0xa7: {  	s23 =	simm.s32 $0x1B8B  }
0xa8: {  	_ =	swait.ge [sflag:s23], $0x1  }
0xa9: {  	[sflag:s23] =	ssyncset.done $0x0  }
0xaa: {  	s25 =	simm.s32 $0x1B8E;
	s24 =	sld [smem:$0x3FFE];
	[sflag:s23] =	ssyncadd.s32 $0xFFFFFFFF  }
0xab: {  	s26 =	simm.s32 $execute0_lowered;
	[smem:$0x3FD2] =	sst s25  }
0xac: {  	s6 =	sshll.u32 s26, $0x1;
	_ =	strace $0x80000046;
	[dreg:$0x1] =	wrdreg $0xFFFFFFFF  }
0xad: {  	s28 =	simm.s32 $_size_execute0_lowered;
	s4 =	sadd.s32 s4, s6;
	[dreg:$0x0] =	wrdreg $0x0  }
0xae: {  	s6 =	sshll.u32 s28, $0x1;
	[dreg:$0x2] =	wrdreg s4  }
0xaf: {  	[dreg:$0x3] =	wrdreg s6  }
0xb0: {  	[dreg:$0x4] =	wrdreg $0xC0  }
0xb1: {  	_ =	task [dreg:s8], $0x5FFFF  }
0xb2: {  	[dreg:$0x1] =	wrdreg $0xFFFFFFFF  }
0xb3: {  	[dreg:$0x0] =	wrdreg $0x60  }
0xb4: {  	[dreg:$0x2] =	wrdreg s16  }
0xb5: {  	[dreg:$0x3] =	wrdreg s15  }
0xb6: {  	[dreg:$0x4] =	wrdreg s24  }
0xb7: {  	[dreg:$0x5] =	wrdreg $0x9  }
0xb8: {  	_ =	task.clear_ibuf [dreg:s8], $0x6FFFF;
	_ =	strace $0x90000046  }
0xb9: {  	s29 =	simm.s32 $0x9;
	_ =	strace $0x80000048  }
0xba: {  	_ =	swait.ge [sflag:s29], $0x1  }
0xbb: {  	[sflag:s29] =	ssyncadd.s32 $0xFFFFFFFF  }
0xbc: {  	_ =	strace $0x90000048  }
0xbd: {  	_ =	sfence  }
0xbe: {  	s30 =	sld [smem:$0x0];
	_ =	sdelay $0x2  }
0xbf: {  	s31 =	sshll.u32 s1, $0xD;
	s1 =	sshrl.u32 s1, $0x2  }
0xc0: {  	s3 =	sand.u32 $0x4000, s31;
	s1 =	sadd.s32 s1, s30  }
0xc1: {  	s0 =	sor.u32 s3, s0;
	s1 =	sshll.u32 s1, $0x11  }
0xc2: {  	s0 =	sor.u32 s1, s0  }
0xc3: {  	s0 =	sadd.s32 $0x8F2B, s0  }
0xc4: {  	[sflag:s0] =	ssyncadd.remote.s32 $0x1  }
0xc5: {  	_ =	sfence.sel $0xFFFF  }
0xc6: {  	[dreg:$0x0] =	wrdreg $0xFFFFFFFF;
	(pc) =	sbr.abs _section_cstart, $3  }
0xc7: {  	[dreg:$0x1] =	wrdreg $0xFFFFFFFF  }
0xc8: {  	_ =	task.clear_ibuf [dreg:s8], $0x2FFFF;
	_ =	strace $0x9FFFFFFF  }
0xc9: {  	(tm) =	ssettm $0x7FFFFFFF  }
tec
execute0_lowered:
.L_overlay_start_1:
0x0: {  	(tag) =	ssettag $0x1  }
0x1: {  	s2 =	rddreg [dreg:$0x0]  }
0x2: {  	s4 =	rddreg [dreg:$0x1]  }
0x3: {  	s1 =	srdreg.scid;
	s0 =	stileid.u32  }
0x4: {  	s9 =	rddreg [dreg:$0x2];
	s13 =	sand.u32 $0x1, s1;
	s5 =	sshll.u32 s0, $0x1  }
0x5: {  	s3 =	simm.s32 $0x0;
	s1 =	rddreg [dreg:$0x3];
	s10 =	sor.u32 s13, s5  }
0x6: {  	[smem:$0x7FF] =	sst s3;
	s5 =	sshll.u32 s10, $0x6  }
0x7: {  	_ =	strace $0x80000047;
	s5 =	sadd.s32 s4, s5;
	s4 =	simm.s32 $0x2  }
0x8: {  	[tilespmem:s3], [sflag:$0x2] =	stream.linear.gather [hbm4b:s5+s3], $0x200, $0x38;
	[tilespmem:$0x2200] =	vst v63  }
0x9: {  	_ =	swait.ge [sflag:s4], $0x200  }
0xa: {  	s6 =	simm.s32 $0x80;
	[sflag:s4] =	ssyncset.done $0x0  }
0xb: {  	s7 =	simm.s32 $0x200;
	s8 =	simm.s32 $0x1;
	[sflag:s4] =	ssyncadd.s32 $0xFFFFFE00  }
0xc: {  	[tilespmem:s7], [sflag:$0x1] =	stream.indirect.gather [hbm4b:s2+s6], $0x40, s3, s6, $0xb8;
	[tilespmem:$0x2200] =	vst v63  }
0xd: {  	s10 =	sshll.u32 s10, $0xC;
	_ =	swait.ge [sflag:s8], $0x2000  }
0xe: {  	s14 =	sadd.s32 s10, s9;
	[sflag:s8] =	ssyncset.done $0x0  }
0xf: {  	s9 =	sadd.s32 $0x2200, s14;
	[sflag:s8] =	ssyncadd.s32 $0xFFFFE000  }
0x10: {  	[hbm4b:s9+s3] =	stream.linear.scatter [tilespmem:s7], [sflag:$0x2], $0x2000, $0x38;
	[tilespmem:$0x2200] =	vst v63  }
0x11: {  	_ =	swait.ge [sflag:s4], $0x2000  }
0x12: {  	[sflag:s4] =	ssyncset.done $0x0  }
0x13: {  	[sflag:s4] =	ssyncadd.s32 $0xFFFFE000  }
0x14: {  	[tilespmem:s7], [sflag:$0x1] =	stream.indirect.gather [hbm4b:s2+s6], $0x40, s6, s6, $0xb8;
	[tilespmem:$0x2200] =	vst v63  }
0x15: {  	_ =	swait.ge [sflag:s8], $0x2000  }
0x16: {  	[sflag:s8] =	ssyncset.done $0x0  }
0x17: {  	s10 =	sadd.s32 $0x2600, s14;
	[sflag:s8] =	ssyncadd.s32 $0xFFFFE000  }
0x18: {  	[hbm4b:s10+s3] =	stream.linear.scatter [tilespmem:s7], [sflag:$0x2], $0x2000, $0x38;
	[tilespmem:$0x2200] =	vst v63  }
0x19: {  	_ =	swait.ge [sflag:s4], $0x2000  }
0x1a: {  	[sflag:s4] =	ssyncset.done $0x0  }
0x1b: {  	s11 =	simm.s32 $0x100;
	[sflag:s4] =	ssyncadd.s32 $0xFFFFE000  }
0x1c: {  	[tilespmem:s7], [sflag:$0x1] =	stream.indirect.gather [hbm4b:s2+s6], $0x40, s11, s6, $0xb8;
	[tilespmem:$0x2200] =	vst v63  }
0x1d: {  	_ =	swait.ge [sflag:s8], $0x2000  }
0x1e: {  	[sflag:s8] =	ssyncset.done $0x0  }
0x1f: {  	s15 =	ssub.s32 $0x2, s13;
	s12 =	sadd.s32 $0x2A00, s14;
	[sflag:s8] =	ssyncadd.s32 $0xFFFFE000  }
0x20: {  	[hbm4b:s12+s3] =	stream.linear.scatter [tilespmem:s7], [sflag:$0x2], $0x2000, $0x38;
	[tilespmem:$0x2200] =	vst v63  }
0x21: {  	s16 =	sshrl.u32 s15, $0x1;
	_ =	swait.ge [sflag:s4], $0x2000  }
0x22: {  	s15 =	ssub.s32 s15, s16;
	[sflag:s4] =	ssyncset.done $0x0  }
0x23: {  	s13 =	simm.s32 $0x180;
	s15 =	smax.u32 s15, $0x1;
	[sflag:s4] =	ssyncadd.s32 $0xFFFFE000  }
0x24: {  	[tilespmem:s7], [sflag:$0x1] =	stream.indirect.gather [hbm4b:s2+s6], $0x40, s13, s6, $0xb8;
	[tilespmem:$0x2200] =	vst v63  }
0x25: {  	p0 =	sne.s32 s15, $0x1;
	_ =	swait.ge [sflag:s8], $0x2000  }
.Ltmp0:
0x26: {  	[sflag:s8] =	ssyncset.done $0x0;
	(pc) =	sbr.rel @!p0 .LBB2_2-.Ltmp0, $4  }
0x27: {  	s14 =	sadd.s32 $0x2E00, s14;
	[sflag:s8] =	ssyncadd.s32 $0xFFFFE000  }
0x28: {  	[hbm4b:s14+s3] =	stream.linear.scatter [tilespmem:s7], [sflag:$0x2], $0x2000, $0x38;
	[tilespmem:$0x2200] =	vst v63  }
0x29: {  	_ =	swait.ge [sflag:s4], $0x2000  }
0x2a: {  	s15 =	sadd.s32 $0xFFFFFFFF, s15;
	[sflag:s4] =	ssyncset.done $0x0  }
.LBB2_1:
0x2b: {  	p0 =	sne.s32 s15, $0x1;
	s15 =	sadd.s32 $0xFFFFFFFF, s15;
	[sflag:s4] =	ssyncadd.s32 $0xFFFFE000  }
0x2c: {  	[tilespmem:s3], [sflag:$0x2] =	stream.linear.gather [hbm4b:s5+s3], $0x200, $0x38;
	[tilespmem:$0x2200] =	vst v63  }
0x2d: {  	_ =	swait.ge [sflag:s4], $0x200  }
0x2e: {  	[sflag:s4] =	ssyncset.done $0x0  }
0x2f: {  	[sflag:s4] =	ssyncadd.s32 $0xFFFFFE00  }
0x30: {  	[tilespmem:s7], [sflag:$0x1] =	stream.indirect.gather [hbm4b:s2+s6], $0x40, s3, s6, $0xb8;
	[tilespmem:$0x2200] =	vst v63  }
0x31: {  	_ =	swait.ge [sflag:s8], $0x2000  }
0x32: {  	[sflag:s8] =	ssyncset.done $0x0  }
0x33: {  	[sflag:s8] =	ssyncadd.s32 $0xFFFFE000  }
0x34: {  	[hbm4b:s9+s3] =	stream.linear.scatter [tilespmem:s7], [sflag:$0x2], $0x2000, $0x38;
	[tilespmem:$0x2200] =	vst v63  }
0x35: {  	_ =	swait.ge [sflag:s4], $0x2000  }
0x36: {  	[sflag:s4] =	ssyncset.done $0x0  }
0x37: {  	[sflag:s4] =	ssyncadd.s32 $0xFFFFE000  }
0x38: {  	[tilespmem:s7], [sflag:$0x1] =	stream.indirect.gather [hbm4b:s2+s6], $0x40, s6, s6, $0xb8;
	[tilespmem:$0x2200] =	vst v63  }
0x39: {  	_ =	swait.ge [sflag:s8], $0x2000  }
0x3a: {  	[sflag:s8] =	ssyncset.done $0x0  }
0x3b: {  	[sflag:s8] =	ssyncadd.s32 $0xFFFFE000  }
0x3c: {  	[hbm4b:s10+s3] =	stream.linear.scatter [tilespmem:s7], [sflag:$0x2], $0x2000, $0x38;
	[tilespmem:$0x2200] =	vst v63  }
0x3d: {  	_ =	swait.ge [sflag:s4], $0x2000  }
0x3e: {  	[sflag:s4] =	ssyncset.done $0x0  }
0x3f: {  	[sflag:s4] =	ssyncadd.s32 $0xFFFFE000  }
0x40: {  	[tilespmem:s7], [sflag:$0x1] =	stream.indirect.gather [hbm4b:s2+s6], $0x40, s11, s6, $0xb8;
	[tilespmem:$0x2200] =	vst v63  }
0x41: {  	_ =	swait.ge [sflag:s8], $0x2000  }
0x42: {  	[sflag:s8] =	ssyncset.done $0x0  }
0x43: {  	[sflag:s8] =	ssyncadd.s32 $0xFFFFE000  }
0x44: {  	[hbm4b:s12+s3] =	stream.linear.scatter [tilespmem:s7], [sflag:$0x2], $0x2000, $0x38;
	[tilespmem:$0x2200] =	vst v63  }
0x45: {  	_ =	swait.ge [sflag:s4], $0x2000  }
0x46: {  	[sflag:s4] =	ssyncset.done $0x0  }
0x47: {  	[sflag:s4] =	ssyncadd.s32 $0xFFFFE000  }
0x48: {  	[tilespmem:s7], [sflag:$0x1] =	stream.indirect.gather [hbm4b:s2+s6], $0x40, s13, s6, $0xb8;
	[tilespmem:$0x2200] =	vst v63  }
0x49: {  	_ =	swait.ge [sflag:s8], $0x2000  }
.Ltmp1:
0x4a: {  	[sflag:s8] =	ssyncset.done $0x0;
	(pc) =	sbr.rel @p0 .LBB2_1-.Ltmp1, $4  }
0x4b: {  	[sflag:s8] =	ssyncadd.s32 $0xFFFFE000  }
0x4c: {  	[hbm4b:s14+s3] =	stream.linear.scatter [tilespmem:s7], [sflag:$0x2], $0x2000, $0x38;
	[tilespmem:$0x2200] =	vst v63  }
0x4d: {  	_ =	swait.ge [sflag:s4], $0x2000  }
0x4e: {  	[sflag:s4] =	ssyncset.done $0x0  }
.LBB2_2:
0x4f: {  	[sflag:s4] =	ssyncadd.s32 $0xFFFFE000  }
0x50: {  	_ =	sfence.sel $0x180000  }
0x51: {  	[bflag:$0x0] =	sbarrier.arrive $0xFFFF  }
0x52: {  	p0 =	sne.s32 s0, $0x0;
	_ =	strace $0x90000047  }
0x53: {  	s0 =	sadd.s32 @!p0 $0x100000, s1;
	[bflag:$0x2] =	sbarrier.arrive $0xFFFF  }
0x54: {  	[sflag:s0] =	ssyncadd.tile.s32 @!p0 $0x1;
	_ =	shalt  }
.Lfunc_end2:
_tile_overlayer_lowered:
.L_overlay_start_2:
0x55: {  	(tag) =	ssettag $0x2  }
0x56: {  	s0 =	rddreg [dreg:$0x0];
	s2 =	stileid.u32  }
0x57: {  	s1 =	rddreg [dreg:$0x1];
	p0 =	sne.s32 s2, $0x0  }
0x58: {  	s3 =	rddreg [dreg:$0x2];
	[bflag:$0x3] =	sbarrier.arrive $0xFFFF;
	s2 =	simm.s32 @!p0 $0x1C02  }
0x59: {  	[timem:s3], [sflag:s2] =	dma.local @!p0 [hbm:s0], s1  }
0x5a: {  	s0 =	simm.s32 @!p0 $0x2  }
0x5b: {  	_ =	swait.ge @!p0 [sflag:s0], s1  }
0x5c: {  	s1 =	ssub.s32 @!p0 $0x0, s1;
	[sflag:s0] =	ssyncset.done @!p0 $0x0  }
0x5d: {  	[sflag:s0] =	ssyncadd.s32 @!p0 s1  }
0x5e: {  	[bflag:$0x3] =	sbarrier.arrive $0xFFFF  }
0x5f: {  	_ =	shalt  }

// kernel: kernel.8.cloned.1.call-start
scs
__scs_entry_jumppad:
0x0: {  	(pc) =	sbr.rel $0x88, $3  }
0x1: {  	(tag) =	ssettag $0x0;
	lr =	simm.s32 $0x1  }
0x2: {  	[smem:$0x3F98] =	sst lr;
	_ =	strace $0xD0000000  }
0x3: {  	_ = 	snop  }
0x4: {  	_ = 	snop  }
0x5: {  	_ = 	snop  }
0x6: {  	_ = 	snop  }
0x7: {  	_ = 	snop  }
__scs_overlays_trampoline_lowered:
0x8: {  	[smem:$0x3FA7] =	sst s0  }
0x9: {  	[smem:$0x3FA8] =	sst s1  }
0xa: {  	[smem:$0x3FA9] =	sst s2  }
0xb: {  	[smem:$0x3FAA] =	sst s3  }
0xc: {  	[smem:$0x3FAB] =	sst s4  }
0xd: {  	[smem:$0x3FAC] =	sst s5  }
0xe: {  	[smem:$0x3FAD] =	sst s6  }
0xf: {  	[smem:$0x3FAE] =	sst s7  }
0x10: {  	[smem:$0x3FAF] =	sst s8  }
0x11: {  	[smem:$0x3FB0] =	sst s9;
	s0 =	simm.s32 @!p0 $0x0  }
0x12: {  	s1 =	sld [smem:$0x3F96];
	s0 =	simm.s32 @p0 $0x1  }
0x13: {  	[smem:$0x3FB1] =	sst s0;
	s0 =	simm.s32 @!p1 $0x0  }
0x14: {  	s2 =	sld [smem:$0x3F95];
	s0 =	simm.s32 @p1 $0x1  }
0x15: {  	[smem:$0x3FB2] =	sst s0;
	s0 =	simm.s32 @!p2 $0x0  }
0x16: {  	s3 =	sld [smem:$0x3FDB];
	s0 =	simm.s32 @p2 $0x1  }
0x17: {  	s4 =	simm.s32 $0x1BF5;
	[smem:$0x3FB4] =	sst s0  }
0x18: {  	s0 =	sld [smem:$0x3F97];
	_ =	swait.ge [sflag:s4], $0x0  }
0x19: {  	s7 =	sld [smem:$0x3F98]  }
0x1a: {  	s8 =	sadd.s32 $0xFFFFE003, lr  }
0x1b: {  	s9 =	sadd.s32 $0xFFFFFEF7, lr;
	s5 =	simm.s32 $0xFFFFFFFF;
	p2 =	slt.u32 s8, $0xFFFFF086  }
0x1c: {  	p1 =	slt.u32 s9, $0xF7A;
	s5 =	simm.s32 @!p2 $0x0  }
0x1d: {  	s5 =	simm.s32 @p1 $0x1;
	p0 =	seq.s32 s7, s2  }
0x1e: {  	s7 =	smul.u32 @!p0 $0xF7A, s2;
	p2 =	seq.s32 @!p0 s5, $0x0  }
0x1f: {  	s9 =	smul.u32 $0xF7A, s1;
	s8 =	simm.s32 @!p0 $0x1BF5;
	p2 =	por !p2, p0  }
0x20: {  	[sflag:s8] =	ssyncset.s32 @!p0 $0xFFFFF086;
	s6 =	sadd.s32 @!p0 s3, s7;
	s7 =	simm.s32 @!p0 $0x108  }
0x21: {  	s3 =	sadd.s32 s3, s9;
	s6 =	sadd.s32 @!p0 $0x88, s6;
	s7 =	simm.s32 @p2 $0x1082  }
0x22: {  	[simem:s7], [sflag:s8] =	dma.local @!p0 [hbm:s6], $0xF7A  }
0x23: {  	s9 =	sor.u32 $0xD0000000, s2;
	s6 =	simm.s32 $0x108;
	_ =	swait.ge @!p0 [sflag:s8], $0x0  }
0x24: {  	s3 =	sadd.s32 $0x88, s3;
	s6 =	simm.s32 @!p1 $0x1082;
	[sflag:s4] =	ssyncset.s32 $0xFFFFF086  }
0x25: {  	[simem:s6], [sflag:s4] =	dma.local [hbm:s3], $0xF7A  }
0x26: {  	[smem:$0x3F98] =	sst s1;
	(tag) =	ssettag s2;
	_ =	strace s9  }
0x27: {  	s1 =	sld [smem:$0x3FA8]  }
0x28: {  	s2 =	sld [smem:$0x3FA9]  }
0x29: {  	s4 =	sld [smem:$0x3FAB]  }
0x2a: {  	p0 =	seq.s32 s5, $0x0;
	s5 =	sld [smem:$0x3FAC]  }
0x2b: {  	s6 =	sld [smem:$0x3FAD]  }
0x2c: {  	s7 =	sld [smem:$0x3FAE]  }
0x2d: {  	s3 =	simm.s32 $0x108;
	s8 =	sld [smem:$0x3FAF]  }
0x2e: {  	s3 =	simm.s32 @!p0 $0x1082;
	s9 =	sld [smem:$0x3FB0]  }
0x2f: {  	lr =	sadd.s32 s0, s3;
	s0 =	sld [smem:$0x3FA7]  }
0x30: {  	s3 =	sld [smem:$0x3FAA]  }
0x31: {  	[smem:$0x3FB3] =	sst s10  }
0x32: {  	s10 =	sld [smem:$0x3FB1];
	_ =	sdelay $0x3  }
0x33: {  	p0 =	seq.s32 s10, $0x1;
	s10 =	sld [smem:$0x3FB3];
	_ =	sdelay $0x3  }
0x34: {  	[smem:$0x3FB3] =	sst s10  }
0x35: {  	s10 =	sld [smem:$0x3FB2];
	_ =	sdelay $0x3  }
0x36: {  	p1 =	seq.s32 s10, $0x1;
	s10 =	sld [smem:$0x3FB3];
	_ =	sdelay $0x3  }
0x37: {  	[smem:$0x3FB3] =	sst s10  }
0x38: {  	s10 =	sld [smem:$0x3FB4]  }
0x39: {  	_ = 	snop;
	(pc) =	sbr.ind lr, $3  }
0x3a: {  	_ = 	snop  }
0x3b: {  	_ = 	snop  }
0x3c: {  	p2 =	seq.s32 s10, $0x1;
	s10 =	sld [smem:$0x3FB3]  }
0x3d: {  	_ =	shalt  }
0x3e: {  	_ =	shalt  }
0x3f: {  	_ =	shalt  }
0x40: {  	_ =	shalt  }
0x41: {  	_ =	shalt  }
0x42: {  	_ =	shalt  }
0x43: {  	_ =	shalt  }
0x44: {  	_ =	shalt  }
0x45: {  	_ =	shalt  }
0x46: {  	_ =	shalt  }
0x47: {  	_ =	shalt  }
0x48: {  	_ =	shalt  }
0x49: {  	_ =	shalt  }
0x4a: {  	_ =	shalt  }
0x4b: {  	_ =	shalt  }
0x4c: {  	_ =	shalt  }
0x4d: {  	_ =	shalt  }
0x4e: {  	_ =	shalt  }
0x4f: {  	_ =	shalt  }
0x50: {  	_ =	shalt  }
0x51: {  	_ =	shalt  }
0x52: {  	_ =	shalt  }
0x53: {  	_ =	shalt  }
0x54: {  	_ =	shalt  }
0x55: {  	_ =	shalt  }
0x56: {  	_ =	shalt  }
0x57: {  	_ =	shalt  }
0x58: {  	_ =	shalt  }
0x59: {  	_ =	shalt  }
0x5a: {  	_ =	shalt  }
0x5b: {  	_ =	shalt  }
0x5c: {  	_ =	shalt  }
0x5d: {  	_ =	shalt  }
0x5e: {  	_ =	shalt  }
0x5f: {  	_ =	shalt  }
0x60: {  	_ =	shalt  }
0x61: {  	_ =	shalt  }
0x62: {  	_ =	shalt  }
0x63: {  	_ =	shalt  }
0x64: {  	_ =	shalt  }
0x65: {  	_ =	shalt  }
0x66: {  	_ =	shalt  }
0x67: {  	_ =	shalt  }
0x68: {  	_ =	shalt  }
0x69: {  	_ =	shalt  }
0x6a: {  	_ =	shalt  }
0x6b: {  	_ =	shalt  }
0x6c: {  	_ =	shalt  }
0x6d: {  	_ =	shalt  }
0x6e: {  	_ =	shalt  }
0x6f: {  	_ =	shalt  }
0x70: {  	_ =	shalt  }
0x71: {  	_ =	shalt  }
0x72: {  	_ =	shalt  }
0x73: {  	_ =	shalt  }
0x74: {  	_ =	shalt  }
0x75: {  	_ =	shalt  }
0x76: {  	_ =	shalt  }
0x77: {  	_ =	shalt  }
0x78: {  	_ =	shalt  }
0x79: {  	_ =	shalt  }
0x7a: {  	_ =	shalt  }
0x7b: {  	_ =	shalt  }
0x7c: {  	_ =	shalt  }
0x7d: {  	_ =	shalt  }
0x7e: {  	_ =	shalt  }
0x7f: {  	_ =	shalt  }
0x80: {  	_ =	shalt  }
0x81: {  	_ =	shalt  }
0x82: {  	_ =	shalt  }
0x83: {  	_ =	shalt  }
0x84: {  	_ =	shalt  }
0x85: {  	_ =	shalt  }
0x86: {  	_ =	shalt  }
0x87: {  	_ =	shalt  }
.Lfunc_end0:
.L_simem_size_0:
called_computation.1_lowered:
.L_overlay_start_0:
0x88: {  	s2 =	sld [smem:$0x3FD9]  }
0x89: {  	s3 =	sld [smem:$0x3FFE];
	_ =	sdelay $0x1  }
0x8a: {  	s1 =	srdreg.scid  }
0x8b: {  	s0 =	sand.u32 $0x1, s1  }
0x8c: {  	s14 =	sshll.u32 s0, $0xA;
	s2 =	sadd.s32 s3, s2  }
0x8d: {  	s2 =	sadd.s32 s2, s14  }
0x8e: {  	[smem:$0x3FBF] =	sst s2  }
0x8f: {  	_ = 	snop  }
0x90: {  	s2 =	sld [smem:$0x3FD0]  }
0x91: {  	s15 =	sld [smem:$0x3FC8]  }
0x92: {  	s4 =	sld [smem:$0x3FC6]  }
0x93: {  	s6 =	simm.s32 $0xA;
	s7 =	simm.s32 $0x10;
	s5 =	sld [smem:$0x3FC5]  }
0x94: {  	[smem:s7], [sflag:s6] =	dma.local [hbm:s2], $0x1  }
0x95: {  	_ =	swait.eq [sflag:s6], $0x1  }
0x96: {  	[sflag:s6] =	ssyncset.done $0x0  }
0x97: {  	s16 =	sld [smem:$0x10];
	[sflag:s6] =	ssyncadd.s32 $0xFFFFFFFF  }
0x98: {  	s17 =	sld [smem:$0x11];
	(tm) =	ssettm $0x1  }
0x99: {  	s18 =	sld [smem:$0x3FFB];
	_ =	sdelay $0x3  }
0x9a: {  	_ =	strace s18  }
0x9b: {  	s7 =	sld [smem:$0x3FFC];
	_ =	sdelay $0x3  }
0x9c: {  	_ =	strace s7  }
0x9d: {  	s7 =	sld [smem:$0x3FFD];
	_ =	sdelay $0x3  }
0x9e: {  	_ =	strace s7  }
0x9f: {  	_ =	strace $0x8FFFFFFF  }
0xa0: {  	s19 =	sld [smem:$0x3FDB];
	_ =	sdelay $0x1  }
0xa1: {  	s8 =	simm.s32 $_scs_section_size  }
0xa2: {  	s9 =	simm.s32 $_size__tile_overlayer_lowered;
	s10 =	simm.s32 $_tile_overlayer_lowered  }
0xa3: {  	s22 =	simm.s32 $0x1BFF;
	s21 =	sshll.u32 s10, $0x1;
	s7 =	sadd.s32 s8, s19  }
0xa4: {  	s11 =	simm.s32 $0x0;
	s20 =	sshll.u32 s9, $0x1;
	s9 =	sadd.s32 s21, s7  }
0xa5: {  	[timem:s11], [sflag:s22] =	dma.local [hbm:s9], s20  }
0xa6: {  	_ =	swait.ge [sflag:s22], s20  }
0xa7: {  	s8 =	ssub.s32 $0x0, s20;
	[sflag:s22] =	ssyncset.done $0x0  }
0xa8: {  	[sflag:s22] =	ssyncadd.s32 s8;
	_ =	sdelay $0x1  }
0xa9: {  	s23 =	simm.s32 $0x1B8B  }
0xaa: {  	_ =	swait.ge [sflag:s23], $0x1  }
0xab: {  	[sflag:s23] =	ssyncset.done $0x0  }
0xac: {  	s25 =	simm.s32 $0x1B8E;
	s24 =	sld [smem:$0x3FFE];
	[sflag:s23] =	ssyncadd.s32 $0xFFFFFFFF  }
0xad: {  	s26 =	simm.s32 $execute0_lowered;
	[smem:$0x3FD2] =	sst s25  }
0xae: {  	s9 =	sshll.u32 s26, $0x1;
	_ =	strace $0x80000049;
	[dreg:$0x1] =	wrdreg $0xFFFFFFFF  }
0xaf: {  	s28 =	simm.s32 $_size_execute0_lowered;
	s7 =	sadd.s32 s7, s9;
	[dreg:$0x0] =	wrdreg $0x0  }
0xb0: {  	s9 =	sshll.u32 s28, $0x1;
	[dreg:$0x2] =	wrdreg s7  }
0xb1: {  	[dreg:$0x3] =	wrdreg s9  }
0xb2: {  	[dreg:$0x4] =	wrdreg $0xC0  }
0xb3: {  	_ =	task [dreg:s11], $0x5FFFF  }
0xb4: {  	[dreg:$0x1] =	wrdreg $0xFFFFFFFF  }
0xb5: {  	[dreg:$0x0] =	wrdreg $0x60  }
0xb6: {  	[dreg:$0x2] =	wrdreg s15  }
0xb7: {  	[dreg:$0x3] =	wrdreg s4  }
0xb8: {  	[dreg:$0x4] =	wrdreg s5  }
0xb9: {  	[dreg:$0x5] =	wrdreg s24  }
0xba: {  	[dreg:$0x6] =	wrdreg s16  }
0xbb: {  	[dreg:$0x7] =	wrdreg s17  }
0xbc: {  	[dreg:$0x8] =	wrdreg $0x9  }
0xbd: {  	_ =	task.clear_ibuf [dreg:s11], $0x9FFFF;
	_ =	strace $0x90000049  }
0xbe: {  	s29 =	simm.s32 $0x9;
	_ =	strace $0x8000004B  }
0xbf: {  	_ =	swait.ge [sflag:s29], $0x1  }
0xc0: {  	[sflag:s29] =	ssyncadd.s32 $0xFFFFFFFF  }
0xc1: {  	_ =	strace $0x9000004B  }
0xc2: {  	_ =	sfence  }
0xc3: {  	s30 =	sld [smem:$0x0];
	_ =	sdelay $0x2  }
0xc4: {  	s31 =	sshll.u32 s1, $0xD;
	s1 =	sshrl.u32 s1, $0x2  }
0xc5: {  	s3 =	sand.u32 $0x4000, s31;
	s1 =	sadd.s32 s1, s30  }
0xc6: {  	s0 =	sor.u32 s3, s0;
	s1 =	sshll.u32 s1, $0x11  }
0xc7: {  	s0 =	sor.u32 s1, s0  }
0xc8: {  	s0 =	sadd.s32 $0x8F2B, s0  }
0xc9: {  	[sflag:s0] =	ssyncadd.remote.s32 $0x1  }
0xca: {  	_ =	sfence.sel $0xFFFF  }
0xcb: {  	[dreg:$0x0] =	wrdreg $0xFFFFFFFF;
	(pc) =	sbr.abs _section_cstart, $3  }
0xcc: {  	[dreg:$0x1] =	wrdreg $0xFFFFFFFF  }
0xcd: {  	_ =	task.clear_ibuf [dreg:s11], $0x2FFFF;
	_ =	strace $0x9FFFFFFF  }
0xce: {  	(tm) =	ssettm $0x7FFFFFFF  }
0xcf: {  	_ =	shalt  }
tec
execute0_lowered:
.L_overlay_start_1:
0x0: {  	(tag) =	ssettag $0x1  }
0x1: {  	s2 =	rddreg [dreg:$0x2]  }
0x2: {  	s0 =	rddreg [dreg:$0x3]  }
0x3: {  	s3 =	rddreg [dreg:$0x4]  }
0x4: {  	s4 =	rddreg [dreg:$0x5];
	s5 =	simm.s32 $0x0  }
0x5: {  	s1 =	srdreg.scid;
	s12 =	stileid.u32;
	s13 =	simm.s32 $0x3  }
0x6: {  	s14 =	simm.s32 $0x4000;
	s15 =	simm.s32 $0x8000;
	s16 =	simm.s32 $0x80  }
0x7: {  	s17 =	simm.s32 $0xB200;
	s19 =	simm.s32 $0xD200;
	s20 =	simm.s32 $0x1  }
0x8: {  	s23 =	simm.s32 $0xF200;
	s28 =	simm.s32 $0x8B80;
	s29 =	simm.s32 $0x9780  }
0x9: {  	s30 =	simm.s32 $0x8C00;
	s31 =	simm.s32 $0x9800;
	[smem:$0x7FF] =	sst s5  }
0xa: {  	s9 =	sand.u32 $0x1, s1;
	s24 =	sshll.u32 s12, $0x1;
	s6 =	sadd.s32 $0x2200, s0  }
0xb: {  	s0 =	simm.s32 $0xBD8;
	s12 =	smul.u32 $0x1870, s12;
	_ =	strace $0x8000004A  }
0xc: {  	s7 =	ssub.s32 $0x2, s9;
	s8 =	sor.u32 s9, s24;
	s26 =	smul.u32 $0xC38, s9  }
0xd: {  	s25 =	sshrl.u32 s7, $0x1;
	s1 =	smul.u32 $0xC38, s8;
	p0 =	seq.s32 s8, $0x1F  }
0xe: {  	s8 =	sadd.s32 $0x2F59, s2;
	s11 =	ssub.s32 s7, s25;
	s0 =	simm.s32 @!p0 $0xC38  }
0xf: {  	s12 =	sadd.s32 s26, s12;
	s25 =	simm.s32 $0x2;
	s10 =	sshrl.u32 s1, $0x3  }
0x10: {  	s11 =	smax.u32 s11, $0x1;
	v1 =	vmov s0;
	s0 =	simm.s32 $0x9880;
	s7 =	sadd.s32 s2, s10  }
0x11: {  	v2 =	vimm.s32 $0xFFFFFFFF;
	v3 =	vlaneseq.u32;
	v0 =	vmov s1;
	s9 =	sadd.s32 s4, s10;
	s10 =	sadd.s32 $0x2F59, s4;
	s4 =	simm.s32 $0x0  }
.LBB2_1:
0x12: {  	s1 =	simm.s32 @p0 $0x0;
	s2 =	simm.s32 @p0 $0x9900  }
0x13: {  	[tilespmem:s2], [sflag:$0x3] =	stream.linear.gather @p0 [hbm4b:s8+s1], $0xBD8, $0x38;
	[tilespmem:$0x11200] =	vst v63  }
0x14: {  	s1 =	simm.s32 @p0 $0x3  }
0x15: {  	_ =	swait.ge @p0 [sflag:s1], $0xBD8  }
0x16: {  	[sflag:s1] =	ssyncset.done @p0 $0x0  }
0x17: {  	s2 =	simm.s32 @!p0 $0x9900;
	[sflag:s1] =	ssyncadd.s32 @p0 $0xFFFFF428;
	s1 =	simm.s32 @!p0 $0x0  }
0x18: {  	[tilespmem:s2], [sflag:$0x3] =	stream.linear.gather @!p0 [hbm4b:s7+s1], $0xC38, $0x38;
	[tilespmem:$0x11200] =	vst v63  }
0x19: {  	s1 =	simm.s32 @!p0 $0x3  }
0x1a: {  	_ =	swait.ge @!p0 [sflag:s1], $0xC38  }
0x1b: {  	[sflag:s1] =	ssyncset.done @!p0 $0x0  }
0x1c: {  	[sflag:s1] =	ssyncadd.s32 @!p0 $0xFFFFF3C8  }
0x1d: {  	s1 =	rddreg [dreg:$0x0]  }
0x1e: {  	[tilespmem:s5], [sflag:$0x3] =	stream.linear.gather [hbm4b:s1+s5], $0x4000, $0x38;
	[tilespmem:$0x11200] =	vst v63  }
0x1f: {  	_ =	swait.ge [sflag:s13], $0x4000  }
0x20: {  	[sflag:s13] =	ssyncset.done $0x0  }
0x21: {  	[sflag:s13] =	ssyncadd.s32 $0xFFFFC000  }
0x22: {  	s26 =	rddreg [dreg:$0x1]  }
0x23: {  	[tilespmem:s14], [sflag:$0x3] =	stream.linear.gather [hbm4b:s26+s5], $0x4000, $0x38;
	[tilespmem:$0x11200] =	vst v63  }
0x24: {  	_ =	swait.ge [sflag:s13], $0x4000  }
0x25: {  	[sflag:s13] =	ssyncset.done $0x0  }
0x26: {  	s2 =	simm.s32 $0x200;
	s1 =	simm.s32 $0x0;
	[sflag:s13] =	ssyncadd.s32 $0xFFFFC000  }
.LBB2_2:
0x27: {  	p1 =	sne.s32 s2, $0x3000;
	[tilespmem:s1+$0x8070] =	vst v2  }
0x28: {  	[tilespmem:s1+$0x8000] =	vst v2  }
0x29: {  	[tilespmem:s1+$0x8010] =	vst v2  }
.Ltmp0:
0x2a: {  	[tilespmem:s1+$0x8020] =	vst v2;
	(pc) =	sbr.rel @p1 .LBB2_2-.Ltmp0, $4  }
0x2b: {  	[tilespmem:s1+$0x8030] =	vst v2  }
0x2c: {  	[tilespmem:s1+$0x8040] =	vst v2  }
0x2d: {  	[tilespmem:s1+$0x8050] =	vst v2  }
0x2e: {  	[tilespmem:s1+$0x8060] =	vst v2;
	s1 =	sshra.s32 s2, $0x2;
	s2 =	sadd.s32 $0x200, s2  }
0x2f: {  	[tilespmem:s1+$0x8070] =	vst v2  }
0x30: {  	[tilespmem:s1+$0x8000] =	vst v2  }
0x31: {  	[tilespmem:s1+$0x8010] =	vst v2  }
0x32: {  	[tilespmem:s1+$0x8020] =	vst v2  }
0x33: {  	[tilespmem:s1+$0x8030] =	vst v2  }
0x34: {  	[tilespmem:s1+$0x8040] =	vst v2  }
0x35: {  	[tilespmem:s1+$0x8050] =	vst v2  }
0x36: {  	[tilespmem:s1+$0x8060] =	vst v2;
	s1 =	simm.s32 $0x70;
	s2 =	simm.s32 $0x40  }
.LBB2_4:
0x37: {  	v4 =	vld [tilespmem:s2+$0xFFFFFFC0];
	_ =	sdelay $0x4  }
0x38: {  	v4 =	vsub.s32 v4, v0  }
0x39: {  	vm0 =	vgt.s32 v4, $0xFFFFFFFF;
	vm1 =	vlt.s32 v4, v1  }
0x3a: {  	vm0 =	vmand vm0, vm1  }
0x3b: {  	v4 =	vnsel vm0, $0x0, v4;
	_ =	sdelay $0x2  }
0x3c: {  	s18 =	sadd.s32 $0xFFFFFF90, s1  }
0x3d: {  	v5 =	vor.u32 s18, v3  }
0x3e: {  	[tilespmem:v4+s15+$0x0] =	vst.idx.msk vm0, v5  }
0x3f: {  	v4 =	vld [tilespmem:s2+$0xFFFFFFD0];
	_ =	sdelay $0x4  }
0x40: {  	v4 =	vsub.s32 v4, v0  }
0x41: {  	vm14 =	vgt.s32 v4, $0xFFFFFFFF;
	vm15 =	vlt.s32 v4, v1  }
0x42: {  	vm0 =	vmand vm14, vm15  }
0x43: {  	v4 =	vnsel vm0, $0x0, v4;
	_ =	sdelay $0x2  }
0x44: {  	s24 =	sadd.s32 $0xFFFFFFA0, s1  }
0x45: {  	v5 =	vor.u32 s24, v3  }
0x46: {  	[tilespmem:v4+s15+$0x0] =	vst.idx.msk vm0, v5  }
0x47: {  	v4 =	vld [tilespmem:s2+$0xFFFFFFE0];
	_ =	sdelay $0x4  }
0x48: {  	v4 =	vsub.s32 v4, v0  }
0x49: {  	vm4 =	vgt.s32 v4, $0xFFFFFFFF;
	vm5 =	vlt.s32 v4, v1  }
0x4a: {  	vm0 =	vmand vm4, vm5  }
0x4b: {  	v4 =	vnsel vm0, $0x0, v4;
	_ =	sdelay $0x2  }
0x4c: {  	s26 =	sadd.s32 $0xFFFFFFB0, s1  }
0x4d: {  	v5 =	vor.u32 s26, v3  }
0x4e: {  	[tilespmem:v4+s15+$0x0] =	vst.idx.msk vm0, v5  }
0x4f: {  	v4 =	vld [tilespmem:s2+$0xFFFFFFF0];
	_ =	sdelay $0x4  }
0x50: {  	v4 =	vsub.s32 v4, v0  }
0x51: {  	vm6 =	vgt.s32 v4, $0xFFFFFFFF;
	vm7 =	vlt.s32 v4, v1  }
0x52: {  	vm0 =	vmand vm6, vm7  }
0x53: {  	v4 =	vnsel vm0, $0x0, v4;
	_ =	sdelay $0x2  }
0x54: {  	s21 =	sadd.s32 $0xFFFFFFC0, s1  }
0x55: {  	v5 =	vor.u32 s21, v3  }
0x56: {  	[tilespmem:v4+s15+$0x0] =	vst.idx.msk vm0, v5  }
0x57: {  	v4 =	vld [tilespmem:s2+$0x0];
	_ =	sdelay $0x4  }
0x58: {  	v4 =	vsub.s32 v4, v0  }
0x59: {  	vm8 =	vgt.s32 v4, $0xFFFFFFFF;
	vm9 =	vlt.s32 v4, v1  }
0x5a: {  	vm0 =	vmand vm8, vm9  }
0x5b: {  	v4 =	vnsel vm0, $0x0, v4;
	_ =	sdelay $0x2  }
0x5c: {  	s22 =	sadd.s32 $0xFFFFFFD0, s1  }
0x5d: {  	v5 =	vor.u32 s22, v3  }
0x5e: {  	[tilespmem:v4+s15+$0x0] =	vst.idx.msk vm0, v5  }
0x5f: {  	v4 =	vld [tilespmem:s2+$0x10];
	_ =	sdelay $0x4  }
0x60: {  	v4 =	vsub.s32 v4, v0  }
0x61: {  	vm10 =	vgt.s32 v4, $0xFFFFFFFF;
	vm11 =	vlt.s32 v4, v1  }
0x62: {  	vm0 =	vmand vm10, vm11  }
0x63: {  	v4 =	vnsel vm0, $0x0, v4;
	_ =	sdelay $0x2  }
0x64: {  	s24 =	sadd.s32 $0xFFFFFFE0, s1  }
0x65: {  	v5 =	vor.u32 s24, v3  }
0x66: {  	[tilespmem:v4+s15+$0x0] =	vst.idx.msk vm0, v5  }
0x67: {  	v4 =	vld [tilespmem:s2+$0x20];
	_ =	sdelay $0x4  }
0x68: {  	v4 =	vsub.s32 v4, v0  }
0x69: {  	vm12 =	vgt.s32 v4, $0xFFFFFFFF;
	vm13 =	vlt.s32 v4, v1  }
0x6a: {  	vm0 =	vmand vm12, vm13  }
0x6b: {  	v4 =	vnsel vm0, $0x0, v4;
	_ =	sdelay $0x2  }
0x6c: {  	s26 =	sadd.s32 $0xFFFFFFF0, s1  }
0x6d: {  	v5 =	vor.u32 s26, v3  }
0x6e: {  	[tilespmem:v4+s15+$0x0] =	vst.idx.msk vm0, v5  }
0x6f: {  	v4 =	vld [tilespmem:s2+$0x30];
	_ =	sdelay $0x4  }
0x70: {  	v4 =	vsub.s32 v4, v0  }
0x71: {  	vm14 =	vgt.s32 v4, $0xFFFFFFFF;
	vm15 =	vlt.s32 v4, v1  }
0x72: {  	vm0 =	vmand vm14, vm15  }
0x73: {  	p1 =	sne.s32 s1, $0x3FF0;
	v4 =	vnsel vm0, $0x0, v4  }
.Ltmp1:
0x74: {  	_ = 	snop;
	(pc) =	sbr.rel @p1 .LBB2_4-.Ltmp1, $3  }
0x75: {  	_ =	sdelay $0x1  }
0x76: {  	v5 =	vor.u32 s1, v3  }
0x77: {  	s1 =	sadd.s32 $0x80, s1;
	s2 =	sadd.s32 $0x80, s2;
	[tilespmem:v4+s15+$0x0] =	vst.idx.msk vm0, v5  }
0x78: {  	s1 =	simm.s32 $0x0;
	s2 =	simm.s32 $0x8CC0  }
0x79: {  	s18 =	simm.s32 $0xA5C0;
	s21 =	simm.s32 $0x9940;
	s22 =	simm.s32 $0x8040  }
.LBB2_6:
0x7a: {  	v4 =	vld [tilespmem:s22+$0xFFFFFFC0];
	_ =	sdelay $0x4  }
0x7b: {  	vm0 =	vgt.s32 v4, $0x0  }
0x7c: {  	v5 =	vnsel vm0, $0x0, v4  }
0x7d: {  	s24 =	sadd.s32 s1, s12  }
0x7e: {  	vm13 =	vgt.s32 v4, $0xFFFFFFFF;
	v4 =	vadd.s32 s24, v3  }
0x7f: {  	v4 =	vnsel vm13, $0xFFFFFFFF, v4  }
0x80: {  	[tilespmem:s2+$0xFFFFFFC0] =	vst v4  }
0x81: {  	v4 =	vld.idx.msk [tilespmem:v5+s14+$0x0], $0xffff  }
0x82: {  	v5 =	vld [tilespmem:s21+$0xFFFFFFC0];
	_ =	sdelay $0x4  }
0x83: {  	v4 =	vsel vm13, v4, v5  }
0x84: {  	[tilespmem:s18+$0xFFFFFFC0] =	vst v4  }
0x85: {  	v4 =	vld [tilespmem:s22+$0xFFFFFFD0];
	_ =	sdelay $0x4  }
0x86: {  	vm14 =	vgt.s32 v4, $0x0  }
0x87: {  	v5 =	vnsel vm14, $0x0, v4  }
0x88: {  	s26 =	sadd.s32 $0x10, s24  }
0x89: {  	vm15 =	vgt.s32 v4, $0xFFFFFFFF;
	v4 =	vadd.s32 s26, v3  }
0x8a: {  	v4 =	vnsel vm15, $0xFFFFFFFF, v4  }
0x8b: {  	[tilespmem:s2+$0xFFFFFFD0] =	vst v4  }
0x8c: {  	v4 =	vld.idx.msk [tilespmem:v5+s14+$0x0], $0xffff  }
0x8d: {  	v5 =	vld [tilespmem:s21+$0xFFFFFFD0];
	_ =	sdelay $0x4  }
0x8e: {  	v4 =	vsel vm15, v4, v5  }
0x8f: {  	[tilespmem:s18+$0xFFFFFFD0] =	vst v4  }
0x90: {  	v4 =	vld [tilespmem:s22+$0xFFFFFFE0];
	_ =	sdelay $0x4  }
0x91: {  	vm4 =	vgt.s32 v4, $0x0  }
0x92: {  	v5 =	vnsel vm4, $0x0, v4  }
0x93: {  	s26 =	sadd.s32 $0x20, s24  }
0x94: {  	vm5 =	vgt.s32 v4, $0xFFFFFFFF;
	v4 =	vadd.s32 s26, v3  }
0x95: {  	v4 =	vnsel vm5, $0xFFFFFFFF, v4  }
0x96: {  	[tilespmem:s2+$0xFFFFFFE0] =	vst v4  }
0x97: {  	v4 =	vld.idx.msk [tilespmem:v5+s14+$0x0], $0xffff  }
0x98: {  	v5 =	vld [tilespmem:s21+$0xFFFFFFE0];
	_ =	sdelay $0x4  }
0x99: {  	v4 =	vsel vm5, v4, v5  }
0x9a: {  	[tilespmem:s18+$0xFFFFFFE0] =	vst v4  }
0x9b: {  	v4 =	vld [tilespmem:s22+$0xFFFFFFF0];
	_ =	sdelay $0x4  }
0x9c: {  	vm6 =	vgt.s32 v4, $0x0  }
0x9d: {  	v5 =	vnsel vm6, $0x0, v4  }
0x9e: {  	s26 =	sadd.s32 $0x30, s24  }
0x9f: {  	vm7 =	vgt.s32 v4, $0xFFFFFFFF;
	v4 =	vadd.s32 s26, v3  }
0xa0: {  	v4 =	vnsel vm7, $0xFFFFFFFF, v4  }
0xa1: {  	[tilespmem:s2+$0xFFFFFFF0] =	vst v4  }
0xa2: {  	v4 =	vld.idx.msk [tilespmem:v5+s14+$0x0], $0xffff  }
0xa3: {  	v5 =	vld [tilespmem:s21+$0xFFFFFFF0];
	_ =	sdelay $0x4  }
0xa4: {  	v4 =	vsel vm7, v4, v5  }
0xa5: {  	[tilespmem:s18+$0xFFFFFFF0] =	vst v4  }
0xa6: {  	v4 =	vld [tilespmem:s22+$0x0];
	_ =	sdelay $0x4  }
0xa7: {  	vm8 =	vgt.s32 v4, $0x0  }
0xa8: {  	v5 =	vnsel vm8, $0x0, v4  }
0xa9: {  	s26 =	sadd.s32 $0x40, s24  }
0xaa: {  	vm9 =	vgt.s32 v4, $0xFFFFFFFF;
	v4 =	vadd.s32 s26, v3  }
0xab: {  	v4 =	vnsel vm9, $0xFFFFFFFF, v4  }
0xac: {  	[tilespmem:s2+$0x0] =	vst v4  }
0xad: {  	v4 =	vld.idx.msk [tilespmem:v5+s14+$0x0], $0xffff  }
0xae: {  	v5 =	vld [tilespmem:s21+$0x0];
	_ =	sdelay $0x4  }
0xaf: {  	v4 =	vsel vm9, v4, v5  }
0xb0: {  	[tilespmem:s18+$0x0] =	vst v4  }
0xb1: {  	v4 =	vld [tilespmem:s22+$0x10];
	_ =	sdelay $0x4  }
0xb2: {  	vm10 =	vgt.s32 v4, $0x0  }
0xb3: {  	v5 =	vnsel vm10, $0x0, v4  }
0xb4: {  	s26 =	sadd.s32 $0x50, s24  }
0xb5: {  	vm11 =	vgt.s32 v4, $0xFFFFFFFF;
	v4 =	vadd.s32 s26, v3  }
0xb6: {  	v4 =	vnsel vm11, $0xFFFFFFFF, v4  }
0xb7: {  	[tilespmem:s2+$0x10] =	vst v4  }
0xb8: {  	v4 =	vld.idx.msk [tilespmem:v5+s14+$0x0], $0xffff  }
0xb9: {  	v5 =	vld [tilespmem:s21+$0x10];
	_ =	sdelay $0x4  }
0xba: {  	v4 =	vsel vm11, v4, v5  }
0xbb: {  	[tilespmem:s18+$0x10] =	vst v4  }
0xbc: {  	v4 =	vld [tilespmem:s22+$0x20];
	_ =	sdelay $0x4  }
0xbd: {  	vm12 =	vgt.s32 v4, $0x0  }
0xbe: {  	v5 =	vnsel vm12, $0x0, v4  }
0xbf: {  	s26 =	sadd.s32 $0x60, s24  }
0xc0: {  	vm13 =	vgt.s32 v4, $0xFFFFFFFF;
	v4 =	vadd.s32 s26, v3  }
0xc1: {  	v4 =	vnsel vm13, $0xFFFFFFFF, v4  }
0xc2: {  	[tilespmem:s2+$0x20] =	vst v4  }
0xc3: {  	v4 =	vld.idx.msk [tilespmem:v5+s14+$0x0], $0xffff  }
0xc4: {  	v5 =	vld [tilespmem:s21+$0x20];
	_ =	sdelay $0x4  }
0xc5: {  	v4 =	vsel vm13, v4, v5  }
0xc6: {  	[tilespmem:s18+$0x20] =	vst v4  }
0xc7: {  	v4 =	vld [tilespmem:s22+$0x30];
	_ =	sdelay $0x4  }
0xc8: {  	vm14 =	vgt.s32 v4, $0x0  }
0xc9: {  	v5 =	vnsel vm14, $0x0, v4  }
0xca: {  	s24 =	sadd.s32 $0x70, s24  }
0xcb: {  	vm15 =	vgt.s32 v4, $0xFFFFFFFF;
	v4 =	vadd.s32 s24, v3  }
0xcc: {  	v4 =	vnsel vm15, $0xFFFFFFFF, v4  }
0xcd: {  	[tilespmem:s2+$0x30] =	vst v4  }
0xce: {  	v4 =	vld.idx.msk [tilespmem:v5+s14+$0x0], $0xffff  }
0xcf: {  	v5 =	vld [tilespmem:s21+$0x30]  }
0xd0: {  	p1 =	sne.s32 s1, $0xC00  }
.Ltmp2:
0xd1: {  	_ = 	snop;
	(pc) =	sbr.rel @p1 .LBB2_6-.Ltmp2, $3  }
0xd2: {  	_ =	sdelay $0x1  }
0xd3: {  	s1 =	sadd.s32 $0x80, s1;
	s22 =	sadd.s32 $0x80, s22;
	v4 =	vsel vm15, v4, v5  }
0xd4: {  	s2 =	sadd.s32 $0x80, s2;
	s21 =	sadd.s32 $0x80, s21;
	[tilespmem:s18+$0x30] =	vst v4;
	s18 =	sadd.s32 $0x80, s18  }
0xd5: {  	s1 =	simm.s32 @p0 $0x0;
	s2 =	simm.s32 @p0 $0xA580  }
0xd6: {  	[hbm4b:s10+s1] =	stream.linear.scatter @p0 [tilespmem:s2], [sflag:$0x3], $0xBD8, $0x38;
	[tilespmem:$0x11200] =	vst v63  }
0xd7: {  	s1 =	simm.s32 @p0 $0x3  }
0xd8: {  	_ =	swait.ge @p0 [sflag:s1], $0xBD8  }
0xd9: {  	[sflag:s1] =	ssyncset.done @p0 $0x0  }
0xda: {  	s2 =	simm.s32 @!p0 $0xA580;
	[sflag:s1] =	ssyncadd.s32 @p0 $0xFFFFF428;
	s1 =	simm.s32 @!p0 $0x0  }
0xdb: {  	[hbm4b:s9+s1] =	stream.linear.scatter @!p0 [tilespmem:s2], [sflag:$0x3], $0xC38, $0x38;
	[tilespmem:$0x11200] =	vst v63  }
0xdc: {  	s1 =	simm.s32 @!p0 $0x3  }
0xdd: {  	_ =	swait.ge @!p0 [sflag:s1], $0xC38  }
0xde: {  	[sflag:s1] =	ssyncset.done @!p0 $0x0  }
0xdf: {  	[sflag:s1] =	ssyncadd.s32 @!p0 $0xFFFFF3C8;
	(ifvalue) =	ssetifvalue $0xFFFFFFFF  }
0xe0: {  	(ifvalue) =	ssetifvalue $0xFFFFFFFF  }
0xe1: {  	[tilespmem:s17], [sflag:$0x1] =	stream.indirect.gather [hbm4b:s6+s16], $0x40, s15, s16, $0x40b8;
	[tilespmem:$0x11200] =	vst v63  }
0xe2: {  	(ifvalue) =	ssetifvalue $0xFFFFFFFF  }
0xe3: {  	s24 =	simm.s32 $0x8080;
	(ifvalue) =	ssetifvalue $0xFFFFFFFF  }
0xe4: {  	[tilespmem:s19], [sflag:$0x1] =	stream.indirect.gather [hbm4b:s6+s16], $0x40, s24, s16, $0x40b8;
	[tilespmem:$0x11200] =	vst v63  }
0xe5: {  	_ =	swait.ge [sflag:s20], $0x2000  }
0xe6: {  	[sflag:s20] =	ssyncset.done $0x0  }
0xe7: {  	[sflag:s20] =	ssyncadd.s32 $0xFFFFE000;
	(ifvalue) =	ssetifvalue $0xFFFFFFFF  }
0xe8: {  	s26 =	simm.s32 $0x8C80;
	(ifvalue) =	ssetifvalue $0xFFFFFFFF  }
0xe9: {  	[hbm4b:s3+s16] =	stream.indirect.scatter [tilespmem:s17], [sflag:$0x2], $0x40, s26, s16, $0x40b8;
	[tilespmem:$0x11200] =	vst v63  }
0xea: {  	(ifvalue) =	ssetifvalue $0xFFFFFFFF  }
0xeb: {  	s2 =	simm.s32 $0x8100;
	(ifvalue) =	ssetifvalue $0xFFFFFFFF  }
0xec: {  	[tilespmem:s23], [sflag:$0x1] =	stream.indirect.gather [hbm4b:s6+s16], $0x40, s2, s16, $0x40b8;
	[tilespmem:$0x11200] =	vst v63  }
0xed: {  	_ =	swait.ge [sflag:s20], $0x2000  }
0xee: {  	[sflag:s20] =	ssyncset.done $0x0  }
0xef: {  	[sflag:s20] =	ssyncadd.s32 $0xFFFFE000;
	(ifvalue) =	ssetifvalue $0xFFFFFFFF  }
0xf0: {  	s18 =	simm.s32 $0x8D00;
	(ifvalue) =	ssetifvalue $0xFFFFFFFF  }
0xf1: {  	[hbm4b:s3+s16] =	stream.indirect.scatter [tilespmem:s19], [sflag:$0x2], $0x40, s18, s16, $0x40b8;
	[tilespmem:$0x11200] =	vst v63  }
0xf2: {  	_ =	swait.ge [sflag:s25], $0x2000  }
0xf3: {  	[sflag:s25] =	ssyncset.done $0x0  }
0xf4: {  	[sflag:s25] =	ssyncadd.s32 $0xFFFFE000;
	(ifvalue) =	ssetifvalue $0xFFFFFFFF  }
0xf5: {  	s21 =	simm.s32 $0x8180;
	(ifvalue) =	ssetifvalue $0xFFFFFFFF  }
0xf6: {  	[tilespmem:s17], [sflag:$0x1] =	stream.indirect.gather [hbm4b:s6+s16], $0x40, s21, s16, $0x40b8;
	[tilespmem:$0x11200] =	vst v63  }
0xf7: {  	_ =	swait.ge [sflag:s20], $0x2000  }
0xf8: {  	[sflag:s20] =	ssyncset.done $0x0  }
0xf9: {  	[sflag:s20] =	ssyncadd.s32 $0xFFFFE000;
	(ifvalue) =	ssetifvalue $0xFFFFFFFF  }
0xfa: {  	s22 =	simm.s32 $0x8D80;
	(ifvalue) =	ssetifvalue $0xFFFFFFFF  }
0xfb: {  	[hbm4b:s3+s16] =	stream.indirect.scatter [tilespmem:s23], [sflag:$0x2], $0x40, s22, s16, $0x40b8;
	[tilespmem:$0x11200] =	vst v63  }
0xfc: {  	_ =	swait.ge [sflag:s25], $0x2000  }
0xfd: {  	[sflag:s25] =	ssyncset.done $0x0  }
0xfe: {  	[sflag:s25] =	ssyncadd.s32 $0xFFFFE000;
	(ifvalue) =	ssetifvalue $0xFFFFFFFF  }
0xff: {  	s24 =	simm.s32 $0x8200;
	(ifvalue) =	ssetifvalue $0xFFFFFFFF  }
0x100: {  	[tilespmem:s19], [sflag:$0x1] =	stream.indirect.gather [hbm4b:s6+s16], $0x40, s24, s16, $0x40b8;
	[tilespmem:$0x11200] =	vst v63  }
0x101: {  	_ =	swait.ge [sflag:s20], $0x2000  }
0x102: {  	[sflag:s20] =	ssyncset.done $0x0  }
0x103: {  	[sflag:s20] =	ssyncadd.s32 $0xFFFFE000;
	(ifvalue) =	ssetifvalue $0xFFFFFFFF  }
0x104: {  	s26 =	simm.s32 $0x8E00;
	(ifvalue) =	ssetifvalue $0xFFFFFFFF  }
0x105: {  	[hbm4b:s3+s16] =	stream.indirect.scatter [tilespmem:s17], [sflag:$0x2], $0x40, s26, s16, $0x40b8;
	[tilespmem:$0x11200] =	vst v63  }
0x106: {  	_ =	swait.ge [sflag:s25], $0x2000  }
0x107: {  	[sflag:s25] =	ssyncset.done $0x0  }
0x108: {  	[sflag:s25] =	ssyncadd.s32 $0xFFFFE000;
	(ifvalue) =	ssetifvalue $0xFFFFFFFF  }
0x109: {  	s2 =	simm.s32 $0x8280;
	(ifvalue) =	ssetifvalue $0xFFFFFFFF  }
0x10a: {  	[tilespmem:s23], [sflag:$0x1] =	stream.indirect.gather [hbm4b:s6+s16], $0x40, s2, s16, $0x40b8;
	[tilespmem:$0x11200] =	vst v63  }
0x10b: {  	_ =	swait.ge [sflag:s20], $0x2000  }
0x10c: {  	[sflag:s20] =	ssyncset.done $0x0  }
0x10d: {  	[sflag:s20] =	ssyncadd.s32 $0xFFFFE000;
	(ifvalue) =	ssetifvalue $0xFFFFFFFF  }
0x10e: {  	s18 =	simm.s32 $0x8E80;
	(ifvalue) =	ssetifvalue $0xFFFFFFFF  }
0x10f: {  	[hbm4b:s3+s16] =	stream.indirect.scatter [tilespmem:s19], [sflag:$0x2], $0x40, s18, s16, $0x40b8;
	[tilespmem:$0x11200] =	vst v63  }
0x110: {  	_ =	swait.ge [sflag:s25], $0x2000  }
0x111: {  	[sflag:s25] =	ssyncset.done $0x0  }
0x112: {  	[sflag:s25] =	ssyncadd.s32 $0xFFFFE000;
	(ifvalue) =	ssetifvalue $0xFFFFFFFF  }
0x113: {  	s21 =	simm.s32 $0x8300;
	(ifvalue) =	ssetifvalue $0xFFFFFFFF  }
0x114: {  	[tilespmem:s17], [sflag:$0x1] =	stream.indirect.gather [hbm4b:s6+s16], $0x40, s21, s16, $0x40b8;
	[tilespmem:$0x11200] =	vst v63  }
0x115: {  	_ =	swait.ge [sflag:s20], $0x2000  }
0x116: {  	[sflag:s20] =	ssyncset.done $0x0  }
0x117: {  	[sflag:s20] =	ssyncadd.s32 $0xFFFFE000;
	(ifvalue) =	ssetifvalue $0xFFFFFFFF  }
0x118: {  	s22 =	simm.s32 $0x8F00;
	(ifvalue) =	ssetifvalue $0xFFFFFFFF  }
0x119: {  	[hbm4b:s3+s16] =	stream.indirect.scatter [tilespmem:s23], [sflag:$0x2], $0x40, s22, s16, $0x40b8;
	[tilespmem:$0x11200] =	vst v63  }
0x11a: {  	_ =	swait.ge [sflag:s25], $0x2000  }
0x11b: {  	[sflag:s25] =	ssyncset.done $0x0  }
0x11c: {  	[sflag:s25] =	ssyncadd.s32 $0xFFFFE000;
	(ifvalue) =	ssetifvalue $0xFFFFFFFF  }
0x11d: {  	s24 =	simm.s32 $0x8380;
	(ifvalue) =	ssetifvalue $0xFFFFFFFF  }
0x11e: {  	[tilespmem:s19], [sflag:$0x1] =	stream.indirect.gather [hbm4b:s6+s16], $0x40, s24, s16, $0x40b8;
	[tilespmem:$0x11200] =	vst v63  }
0x11f: {  	_ =	swait.ge [sflag:s20], $0x2000  }
0x120: {  	[sflag:s20] =	ssyncset.done $0x0  }
0x121: {  	[sflag:s20] =	ssyncadd.s32 $0xFFFFE000;
	(ifvalue) =	ssetifvalue $0xFFFFFFFF  }
0x122: {  	s26 =	simm.s32 $0x8F80;
	(ifvalue) =	ssetifvalue $0xFFFFFFFF  }
0x123: {  	[hbm4b:s3+s16] =	stream.indirect.scatter [tilespmem:s17], [sflag:$0x2], $0x40, s26, s16, $0x40b8;
	[tilespmem:$0x11200] =	vst v63  }
0x124: {  	_ =	swait.ge [sflag:s25], $0x2000  }
0x125: {  	[sflag:s25] =	ssyncset.done $0x0  }
0x126: {  	[sflag:s25] =	ssyncadd.s32 $0xFFFFE000;
	(ifvalue) =	ssetifvalue $0xFFFFFFFF  }
0x127: {  	s2 =	simm.s32 $0x8400;
	(ifvalue) =	ssetifvalue $0xFFFFFFFF  }
0x128: {  	[tilespmem:s23], [sflag:$0x1] =	stream.indirect.gather [hbm4b:s6+s16], $0x40, s2, s16, $0x40b8;
	[tilespmem:$0x11200] =	vst v63  }
0x129: {  	_ =	swait.ge [sflag:s20], $0x2000  }
0x12a: {  	[sflag:s20] =	ssyncset.done $0x0  }
0x12b: {  	[sflag:s20] =	ssyncadd.s32 $0xFFFFE000;
	(ifvalue) =	ssetifvalue $0xFFFFFFFF  }
0x12c: {  	s18 =	simm.s32 $0x9000;
	(ifvalue) =	ssetifvalue $0xFFFFFFFF  }
0x12d: {  	[hbm4b:s3+s16] =	stream.indirect.scatter [tilespmem:s19], [sflag:$0x2], $0x40, s18, s16, $0x40b8;
	[tilespmem:$0x11200] =	vst v63  }
0x12e: {  	_ =	swait.ge [sflag:s25], $0x2000  }
0x12f: {  	[sflag:s25] =	ssyncset.done $0x0  }
0x130: {  	[sflag:s25] =	ssyncadd.s32 $0xFFFFE000;
	(ifvalue) =	ssetifvalue $0xFFFFFFFF  }
0x131: {  	s21 =	simm.s32 $0x8480;
	(ifvalue) =	ssetifvalue $0xFFFFFFFF  }
0x132: {  	[tilespmem:s17], [sflag:$0x1] =	stream.indirect.gather [hbm4b:s6+s16], $0x40, s21, s16, $0x40b8;
	[tilespmem:$0x11200] =	vst v63  }
0x133: {  	_ =	swait.ge [sflag:s20], $0x2000  }
0x134: {  	[sflag:s20] =	ssyncset.done $0x0  }
0x135: {  	[sflag:s20] =	ssyncadd.s32 $0xFFFFE000;
	(ifvalue) =	ssetifvalue $0xFFFFFFFF  }
0x136: {  	s22 =	simm.s32 $0x9080;
	(ifvalue) =	ssetifvalue $0xFFFFFFFF  }
0x137: {  	[hbm4b:s3+s16] =	stream.indirect.scatter [tilespmem:s23], [sflag:$0x2], $0x40, s22, s16, $0x40b8;
	[tilespmem:$0x11200] =	vst v63  }
0x138: {  	_ =	swait.ge [sflag:s25], $0x2000  }
0x139: {  	[sflag:s25] =	ssyncset.done $0x0  }
0x13a: {  	[sflag:s25] =	ssyncadd.s32 $0xFFFFE000;
	(ifvalue) =	ssetifvalue $0xFFFFFFFF  }
0x13b: {  	s24 =	simm.s32 $0x8500;
	(ifvalue) =	ssetifvalue $0xFFFFFFFF  }
0x13c: {  	[tilespmem:s19], [sflag:$0x1] =	stream.indirect.gather [hbm4b:s6+s16], $0x40, s24, s16, $0x40b8;
	[tilespmem:$0x11200] =	vst v63  }
0x13d: {  	_ =	swait.ge [sflag:s20], $0x2000  }
0x13e: {  	[sflag:s20] =	ssyncset.done $0x0  }
0x13f: {  	[sflag:s20] =	ssyncadd.s32 $0xFFFFE000;
	(ifvalue) =	ssetifvalue $0xFFFFFFFF  }
0x140: {  	s26 =	simm.s32 $0x9100;
	(ifvalue) =	ssetifvalue $0xFFFFFFFF  }
0x141: {  	[hbm4b:s3+s16] =	stream.indirect.scatter [tilespmem:s17], [sflag:$0x2], $0x40, s26, s16, $0x40b8;
	[tilespmem:$0x11200] =	vst v63  }
0x142: {  	_ =	swait.ge [sflag:s25], $0x2000  }
0x143: {  	[sflag:s25] =	ssyncset.done $0x0  }
0x144: {  	[sflag:s25] =	ssyncadd.s32 $0xFFFFE000;
	(ifvalue) =	ssetifvalue $0xFFFFFFFF  }
0x145: {  	s2 =	simm.s32 $0x8580;
	(ifvalue) =	ssetifvalue $0xFFFFFFFF  }
0x146: {  	[tilespmem:s23], [sflag:$0x1] =	stream.indirect.gather [hbm4b:s6+s16], $0x40, s2, s16, $0x40b8;
	[tilespmem:$0x11200] =	vst v63  }
0x147: {  	_ =	swait.ge [sflag:s20], $0x2000  }
0x148: {  	[sflag:s20] =	ssyncset.done $0x0  }
0x149: {  	[sflag:s20] =	ssyncadd.s32 $0xFFFFE000;
	(ifvalue) =	ssetifvalue $0xFFFFFFFF  }
0x14a: {  	s18 =	simm.s32 $0x9180;
	(ifvalue) =	ssetifvalue $0xFFFFFFFF  }
0x14b: {  	[hbm4b:s3+s16] =	stream.indirect.scatter [tilespmem:s19], [sflag:$0x2], $0x40, s18, s16, $0x40b8;
	[tilespmem:$0x11200] =	vst v63  }
0x14c: {  	_ =	swait.ge [sflag:s25], $0x2000  }
0x14d: {  	[sflag:s25] =	ssyncset.done $0x0  }
0x14e: {  	[sflag:s25] =	ssyncadd.s32 $0xFFFFE000;
	(ifvalue) =	ssetifvalue $0xFFFFFFFF  }
0x14f: {  	s21 =	simm.s32 $0x8600;
	(ifvalue) =	ssetifvalue $0xFFFFFFFF  }
0x150: {  	[tilespmem:s17], [sflag:$0x1] =	stream.indirect.gather [hbm4b:s6+s16], $0x40, s21, s16, $0x40b8;
	[tilespmem:$0x11200] =	vst v63  }
0x151: {  	_ =	swait.ge [sflag:s20], $0x2000  }
0x152: {  	[sflag:s20] =	ssyncset.done $0x0  }
0x153: {  	[sflag:s20] =	ssyncadd.s32 $0xFFFFE000;
	(ifvalue) =	ssetifvalue $0xFFFFFFFF  }
0x154: {  	s22 =	simm.s32 $0x9200;
	(ifvalue) =	ssetifvalue $0xFFFFFFFF  }
0x155: {  	[hbm4b:s3+s16] =	stream.indirect.scatter [tilespmem:s23], [sflag:$0x2], $0x40, s22, s16, $0x40b8;
	[tilespmem:$0x11200] =	vst v63  }
0x156: {  	_ =	swait.ge [sflag:s25], $0x2000  }
0x157: {  	[sflag:s25] =	ssyncset.done $0x0  }
0x158: {  	[sflag:s25] =	ssyncadd.s32 $0xFFFFE000;
	(ifvalue) =	ssetifvalue $0xFFFFFFFF  }
0x159: {  	s24 =	simm.s32 $0x8680;
	(ifvalue) =	ssetifvalue $0xFFFFFFFF  }
0x15a: {  	[tilespmem:s19], [sflag:$0x1] =	stream.indirect.gather [hbm4b:s6+s16], $0x40, s24, s16, $0x40b8;
	[tilespmem:$0x11200] =	vst v63  }
0x15b: {  	_ =	swait.ge [sflag:s20], $0x2000  }
0x15c: {  	[sflag:s20] =	ssyncset.done $0x0  }
0x15d: {  	[sflag:s20] =	ssyncadd.s32 $0xFFFFE000;
	(ifvalue) =	ssetifvalue $0xFFFFFFFF  }
0x15e: {  	s26 =	simm.s32 $0x9280;
	(ifvalue) =	ssetifvalue $0xFFFFFFFF  }
0x15f: {  	[hbm4b:s3+s16] =	stream.indirect.scatter [tilespmem:s17], [sflag:$0x2], $0x40, s26, s16, $0x40b8;
	[tilespmem:$0x11200] =	vst v63  }
0x160: {  	_ =	swait.ge [sflag:s25], $0x2000  }
0x161: {  	[sflag:s25] =	ssyncset.done $0x0  }
0x162: {  	[sflag:s25] =	ssyncadd.s32 $0xFFFFE000;
	(ifvalue) =	ssetifvalue $0xFFFFFFFF  }
0x163: {  	s2 =	simm.s32 $0x8700;
	(ifvalue) =	ssetifvalue $0xFFFFFFFF  }
0x164: {  	[tilespmem:s23], [sflag:$0x1] =	stream.indirect.gather [hbm4b:s6+s16], $0x40, s2, s16, $0x40b8;
	[tilespmem:$0x11200] =	vst v63  }
0x165: {  	_ =	swait.ge [sflag:s20], $0x2000  }
0x166: {  	[sflag:s20] =	ssyncset.done $0x0  }
0x167: {  	[sflag:s20] =	ssyncadd.s32 $0xFFFFE000;
	(ifvalue) =	ssetifvalue $0xFFFFFFFF  }
0x168: {  	s18 =	simm.s32 $0x9300;
	(ifvalue) =	ssetifvalue $0xFFFFFFFF  }
0x169: {  	[hbm4b:s3+s16] =	stream.indirect.scatter [tilespmem:s19], [sflag:$0x2], $0x40, s18, s16, $0x40b8;
	[tilespmem:$0x11200] =	vst v63  }
0x16a: {  	_ =	swait.ge [sflag:s25], $0x2000  }
0x16b: {  	[sflag:s25] =	ssyncset.done $0x0  }
0x16c: {  	[sflag:s25] =	ssyncadd.s32 $0xFFFFE000;
	(ifvalue) =	ssetifvalue $0xFFFFFFFF  }
0x16d: {  	s21 =	simm.s32 $0x8780;
	(ifvalue) =	ssetifvalue $0xFFFFFFFF  }
0x16e: {  	[tilespmem:s17], [sflag:$0x1] =	stream.indirect.gather [hbm4b:s6+s16], $0x40, s21, s16, $0x40b8;
	[tilespmem:$0x11200] =	vst v63  }
0x16f: {  	_ =	swait.ge [sflag:s20], $0x2000  }
0x170: {  	[sflag:s20] =	ssyncset.done $0x0  }
0x171: {  	[sflag:s20] =	ssyncadd.s32 $0xFFFFE000;
	(ifvalue) =	ssetifvalue $0xFFFFFFFF  }
0x172: {  	s22 =	simm.s32 $0x9380;
	(ifvalue) =	ssetifvalue $0xFFFFFFFF  }
0x173: {  	[hbm4b:s3+s16] =	stream.indirect.scatter [tilespmem:s23], [sflag:$0x2], $0x40, s22, s16, $0x40b8;
	[tilespmem:$0x11200] =	vst v63  }
0x174: {  	_ =	swait.ge [sflag:s25], $0x2000  }
0x175: {  	[sflag:s25] =	ssyncset.done $0x0  }
0x176: {  	[sflag:s25] =	ssyncadd.s32 $0xFFFFE000;
	(ifvalue) =	ssetifvalue $0xFFFFFFFF  }
0x177: {  	s24 =	simm.s32 $0x8800;
	(ifvalue) =	ssetifvalue $0xFFFFFFFF  }
0x178: {  	[tilespmem:s19], [sflag:$0x1] =	stream.indirect.gather [hbm4b:s6+s16], $0x40, s24, s16, $0x40b8;
	[tilespmem:$0x11200] =	vst v63  }
0x179: {  	_ =	swait.ge [sflag:s20], $0x2000  }
0x17a: {  	[sflag:s20] =	ssyncset.done $0x0  }
0x17b: {  	[sflag:s20] =	ssyncadd.s32 $0xFFFFE000;
	(ifvalue) =	ssetifvalue $0xFFFFFFFF  }
0x17c: {  	s26 =	simm.s32 $0x9400;
	(ifvalue) =	ssetifvalue $0xFFFFFFFF  }
0x17d: {  	[hbm4b:s3+s16] =	stream.indirect.scatter [tilespmem:s17], [sflag:$0x2], $0x40, s26, s16, $0x40b8;
	[tilespmem:$0x11200] =	vst v63  }
0x17e: {  	_ =	swait.ge [sflag:s25], $0x2000  }
0x17f: {  	[sflag:s25] =	ssyncset.done $0x0  }
0x180: {  	[sflag:s25] =	ssyncadd.s32 $0xFFFFE000;
	(ifvalue) =	ssetifvalue $0xFFFFFFFF  }
0x181: {  	s2 =	simm.s32 $0x8880;
	(ifvalue) =	ssetifvalue $0xFFFFFFFF  }
0x182: {  	[tilespmem:s23], [sflag:$0x1] =	stream.indirect.gather [hbm4b:s6+s16], $0x40, s2, s16, $0x40b8;
	[tilespmem:$0x11200] =	vst v63  }
0x183: {  	_ =	swait.ge [sflag:s20], $0x2000  }
0x184: {  	[sflag:s20] =	ssyncset.done $0x0  }
0x185: {  	[sflag:s20] =	ssyncadd.s32 $0xFFFFE000;
	(ifvalue) =	ssetifvalue $0xFFFFFFFF  }
0x186: {  	s18 =	simm.s32 $0x9480;
	(ifvalue) =	ssetifvalue $0xFFFFFFFF  }
0x187: {  	[hbm4b:s3+s16] =	stream.indirect.scatter [tilespmem:s19], [sflag:$0x2], $0x40, s18, s16, $0x40b8;
	[tilespmem:$0x11200] =	vst v63  }
0x188: {  	_ =	swait.ge [sflag:s25], $0x2000  }
0x189: {  	[sflag:s25] =	ssyncset.done $0x0  }
0x18a: {  	[sflag:s25] =	ssyncadd.s32 $0xFFFFE000;
	(ifvalue) =	ssetifvalue $0xFFFFFFFF  }
0x18b: {  	s21 =	simm.s32 $0x8900;
	(ifvalue) =	ssetifvalue $0xFFFFFFFF  }
0x18c: {  	[tilespmem:s17], [sflag:$0x1] =	stream.indirect.gather [hbm4b:s6+s16], $0x40, s21, s16, $0x40b8;
	[tilespmem:$0x11200] =	vst v63  }
0x18d: {  	_ =	swait.ge [sflag:s20], $0x2000  }
0x18e: {  	[sflag:s20] =	ssyncset.done $0x0  }
0x18f: {  	[sflag:s20] =	ssyncadd.s32 $0xFFFFE000;
	(ifvalue) =	ssetifvalue $0xFFFFFFFF  }
0x190: {  	s22 =	simm.s32 $0x9500;
	(ifvalue) =	ssetifvalue $0xFFFFFFFF  }
0x191: {  	[hbm4b:s3+s16] =	stream.indirect.scatter [tilespmem:s23], [sflag:$0x2], $0x40, s22, s16, $0x40b8;
	[tilespmem:$0x11200] =	vst v63  }
0x192: {  	_ =	swait.ge [sflag:s25], $0x2000  }
0x193: {  	[sflag:s25] =	ssyncset.done $0x0  }
0x194: {  	[sflag:s25] =	ssyncadd.s32 $0xFFFFE000;
	(ifvalue) =	ssetifvalue $0xFFFFFFFF  }
0x195: {  	s24 =	simm.s32 $0x8980;
	(ifvalue) =	ssetifvalue $0xFFFFFFFF  }
0x196: {  	[tilespmem:s19], [sflag:$0x1] =	stream.indirect.gather [hbm4b:s6+s16], $0x40, s24, s16, $0x40b8;
	[tilespmem:$0x11200] =	vst v63  }
0x197: {  	_ =	swait.ge [sflag:s20], $0x2000  }
0x198: {  	[sflag:s20] =	ssyncset.done $0x0  }
0x199: {  	[sflag:s20] =	ssyncadd.s32 $0xFFFFE000;
	(ifvalue) =	ssetifvalue $0xFFFFFFFF  }
0x19a: {  	s26 =	simm.s32 $0x9580;
	(ifvalue) =	ssetifvalue $0xFFFFFFFF  }
0x19b: {  	[hbm4b:s3+s16] =	stream.indirect.scatter [tilespmem:s17], [sflag:$0x2], $0x40, s26, s16, $0x40b8;
	[tilespmem:$0x11200] =	vst v63  }
0x19c: {  	_ =	swait.ge [sflag:s25], $0x2000  }
0x19d: {  	[sflag:s25] =	ssyncset.done $0x0  }
0x19e: {  	[sflag:s25] =	ssyncadd.s32 $0xFFFFE000;
	(ifvalue) =	ssetifvalue $0xFFFFFFFF  }
0x19f: {  	s2 =	simm.s32 $0x8A00;
	(ifvalue) =	ssetifvalue $0xFFFFFFFF  }
0x1a0: {  	[tilespmem:s23], [sflag:$0x1] =	stream.indirect.gather [hbm4b:s6+s16], $0x40, s2, s16, $0x40b8;
	[tilespmem:$0x11200] =	vst v63  }
0x1a1: {  	_ =	swait.ge [sflag:s20], $0x2000  }
0x1a2: {  	[sflag:s20] =	ssyncset.done $0x0  }
0x1a3: {  	[sflag:s20] =	ssyncadd.s32 $0xFFFFE000;
	(ifvalue) =	ssetifvalue $0xFFFFFFFF  }
0x1a4: {  	s18 =	simm.s32 $0x9600;
	(ifvalue) =	ssetifvalue $0xFFFFFFFF  }
0x1a5: {  	[hbm4b:s3+s16] =	stream.indirect.scatter [tilespmem:s19], [sflag:$0x2], $0x40, s18, s16, $0x40b8;
	[tilespmem:$0x11200] =	vst v63  }
0x1a6: {  	_ =	swait.ge [sflag:s25], $0x2000  }
0x1a7: {  	[sflag:s25] =	ssyncset.done $0x0  }
0x1a8: {  	[sflag:s25] =	ssyncadd.s32 $0xFFFFE000;
	(ifvalue) =	ssetifvalue $0xFFFFFFFF  }
0x1a9: {  	s21 =	simm.s32 $0x8A80;
	(ifvalue) =	ssetifvalue $0xFFFFFFFF  }
0x1aa: {  	[tilespmem:s17], [sflag:$0x1] =	stream.indirect.gather [hbm4b:s6+s16], $0x40, s21, s16, $0x40b8;
	[tilespmem:$0x11200] =	vst v63  }
0x1ab: {  	_ =	swait.ge [sflag:s20], $0x2000  }
0x1ac: {  	[sflag:s20] =	ssyncset.done $0x0  }
0x1ad: {  	[sflag:s20] =	ssyncadd.s32 $0xFFFFE000;
	(ifvalue) =	ssetifvalue $0xFFFFFFFF  }
0x1ae: {  	s22 =	simm.s32 $0x9680;
	(ifvalue) =	ssetifvalue $0xFFFFFFFF  }
0x1af: {  	[hbm4b:s3+s16] =	stream.indirect.scatter [tilespmem:s23], [sflag:$0x2], $0x40, s22, s16, $0x40b8;
	[tilespmem:$0x11200] =	vst v63  }
0x1b0: {  	_ =	swait.ge [sflag:s25], $0x2000  }
0x1b1: {  	[sflag:s25] =	ssyncset.done $0x0  }
0x1b2: {  	[sflag:s25] =	ssyncadd.s32 $0xFFFFE000;
	(ifvalue) =	ssetifvalue $0xFFFFFFFF  }
0x1b3: {  	s24 =	simm.s32 $0x8B00;
	(ifvalue) =	ssetifvalue $0xFFFFFFFF  }
0x1b4: {  	[tilespmem:s19], [sflag:$0x1] =	stream.indirect.gather [hbm4b:s6+s16], $0x40, s24, s16, $0x40b8;
	[tilespmem:$0x11200] =	vst v63  }
0x1b5: {  	_ =	swait.ge [sflag:s20], $0x2000  }
0x1b6: {  	[sflag:s20] =	ssyncset.done $0x0  }
0x1b7: {  	[sflag:s20] =	ssyncadd.s32 $0xFFFFE000;
	(ifvalue) =	ssetifvalue $0xFFFFFFFF  }
0x1b8: {  	s26 =	simm.s32 $0x9700;
	(ifvalue) =	ssetifvalue $0xFFFFFFFF  }
0x1b9: {  	[hbm4b:s3+s16] =	stream.indirect.scatter [tilespmem:s17], [sflag:$0x2], $0x40, s26, s16, $0x40b8;
	[tilespmem:$0x11200] =	vst v63  }
0x1ba: {  	_ =	swait.ge [sflag:s25], $0x2000  }
0x1bb: {  	[sflag:s25] =	ssyncset.done $0x0  }
0x1bc: {  	[sflag:s25] =	ssyncadd.s32 $0xFFFFE000;
	(ifvalue) =	ssetifvalue $0xFFFFFFFF  }
0x1bd: {  	(ifvalue) =	ssetifvalue $0xFFFFFFFF  }
0x1be: {  	[tilespmem:s23], [sflag:$0x1] =	stream.indirect.gather [hbm4b:s6+s16], $0x40, s28, s16, $0x40b8;
	[tilespmem:$0x11200] =	vst v63  }
0x1bf: {  	_ =	swait.ge [sflag:s20], $0x2000  }
0x1c0: {  	[sflag:s20] =	ssyncset.done $0x0  }
0x1c1: {  	[sflag:s20] =	ssyncadd.s32 $0xFFFFE000;
	(ifvalue) =	ssetifvalue $0xFFFFFFFF  }
0x1c2: {  	(ifvalue) =	ssetifvalue $0xFFFFFFFF  }
0x1c3: {  	[hbm4b:s3+s16] =	stream.indirect.scatter [tilespmem:s19], [sflag:$0x2], $0x40, s29, s16, $0x40b8;
	[tilespmem:$0x11200] =	vst v63  }
0x1c4: {  	_ =	swait.ge [sflag:s25], $0x2000  }
0x1c5: {  	[sflag:s25] =	ssyncset.done $0x0  }
0x1c6: {  	[sflag:s25] =	ssyncadd.s32 $0xFFFFE000;
	(ifvalue) =	ssetifvalue $0xFFFFFFFF  }
0x1c7: {  	(ifvalue) =	ssetifvalue $0xFFFFFFFF  }
0x1c8: {  	[tilespmem:s17], [sflag:$0x1] =	stream.indirect.gather [hbm4b:s6+s16], $0x40, s30, s16, $0x40b8;
	[tilespmem:$0x11200] =	vst v63  }
0x1c9: {  	_ =	swait.ge [sflag:s20], $0x2000  }
0x1ca: {  	[sflag:s20] =	ssyncset.done $0x0  }
0x1cb: {  	[sflag:s20] =	ssyncadd.s32 $0xFFFFE000;
	(ifvalue) =	ssetifvalue $0xFFFFFFFF  }
0x1cc: {  	(ifvalue) =	ssetifvalue $0xFFFFFFFF  }
0x1cd: {  	[hbm4b:s3+s16] =	stream.indirect.scatter [tilespmem:s23], [sflag:$0x2], $0x40, s31, s16, $0x40b8;
	[tilespmem:$0x11200] =	vst v63  }
0x1ce: {  	_ =	swait.ge [sflag:s20], $0x2000  }
0x1cf: {  	[sflag:s20] =	ssyncset.done $0x0  }
0x1d0: {  	[sflag:s20] =	ssyncadd.s32 $0xFFFFE000;
	(ifvalue) =	ssetifvalue $0xFFFFFFFF  }
0x1d1: {  	(ifvalue) =	ssetifvalue $0xFFFFFFFF  }
0x1d2: {  	[hbm4b:s3+s16] =	stream.indirect.scatter [tilespmem:s17], [sflag:$0x2], $0x40, s0, s16, $0x40b8;
	[tilespmem:$0x11200] =	vst v63  }
0x1d3: {  	_ =	swait.ge [sflag:s25], $0x2000  }
0x1d4: {  	[sflag:s25] =	ssyncset.done $0x0  }
0x1d5: {  	s4 =	sadd.s32 $0x1, s4;
	[sflag:s25] =	ssyncadd.s32 $0xFFFFE000  }
0x1d6: {  	p1 =	sne.s32 s4, s11;
	_ =	swait.ge [sflag:s25], $0x2000  }
.Ltmp3:
0x1d7: {  	[sflag:s25] =	ssyncset.done $0x0;
	(pc) =	sbr.rel @p1 .LBB2_1-.Ltmp3, $4  }
0x1d8: {  	[sflag:s25] =	ssyncadd.s32 $0xFFFFE000  }
0x1d9: {  	_ =	swait.ge [sflag:s25], $0x2000  }
0x1da: {  	[sflag:s25] =	ssyncset.done $0x0  }
0x1db: {  	[sflag:s25] =	ssyncadd.s32 $0xFFFFE000  }
0x1dc: {  	_ =	sfence.sel $0x180000  }
0x1dd: {  	[bflag:$0x0] =	sbarrier.arrive $0xFFFF  }
0x1de: {  	_ =	strace $0x9000004A  }
0x1df: {  	s0 =	stileid.u32;
	[bflag:$0x2] =	sbarrier.arrive $0xFFFF  }
0x1e0: {  	p0 =	sne.s32 s0, $0x0;
	s0 =	rddreg [dreg:$0x6]  }
0x1e1: {  	s0 =	sadd.s32 @!p0 $0x100000, s0  }
0x1e2: {  	[sflag:s0] =	ssyncadd.tile.s32 @!p0 $0x1;
	_ =	shalt  }
.Lfunc_end2:
_tile_overlayer_lowered:
.L_overlay_start_2:
0x1e3: {  	(tag) =	ssettag $0x2  }
0x1e4: {  	s0 =	rddreg [dreg:$0x0];
	s2 =	stileid.u32  }
0x1e5: {  	s1 =	rddreg [dreg:$0x1];
	p0 =	sne.s32 s2, $0x0  }
0x1e6: {  	s3 =	rddreg [dreg:$0x2];
	[bflag:$0x3] =	sbarrier.arrive $0xFFFF;
	s2 =	simm.s32 @!p0 $0x1C03  }
0x1e7: {  	[timem:s3], [sflag:s2] =	dma.local @!p0 [hbm:s0], s1  }
0x1e8: {  	s0 =	simm.s32 @!p0 $0x3  }
0x1e9: {  	_ =	swait.ge @!p0 [sflag:s0], s1  }
0x1ea: {  	s1 =	ssub.s32 @!p0 $0x0, s1;
	[sflag:s0] =	ssyncset.done @!p0 $0x0  }
0x1eb: {  	[sflag:s0] =	ssyncadd.s32 @!p0 s1  }
0x1ec: {  	[bflag:$0x3] =	sbarrier.arrive $0xFFFF  }
0x1ed: {  	_ =	shalt  }

</sc_bundles>
